<compile_context>
chip_gen: v7x
topology: tpu7x:2x2x1
jax: 0.10.2.dev20260603
libtpu: 0.0.44.dev20260713+nightly
codegen_flags: <defaults>
</compile_context>

<pallas_src>
import functools

import jax
import jax.numpy as jnp
from jax import lax
from jax.experimental import pallas as pl
from jax.experimental.pallas import tpu as pltpu
from jax.experimental.pallas import tpu_sc as plsc

_NC = 2
_NS = 16
_NW = _NC * _NS
_LANES = 16


def _sc_gather(uid, iid, gmf_u, gmf_i, mlp_u, mlp_i):
    B = uid.shape[0]
    D = gmf_u.shape[1]
    bpw = B // _NW
    C = 64
    nchunks = bpw // C
    nbuf = 2

    mesh = plsc.VectorSubcoreMesh(core_axis_name="c", subcore_axis_name="s")
    fdim = jax.ShapeDtypeStruct((B, D), jnp.float32)
    cbuf = pltpu.VMEM((C, D), jnp.float32)
    @functools.partial(
        pl.kernel,
        out_type=[fdim, fdim, fdim],
        mesh=mesh,
        scratch_types=[
            pltpu.VMEM((bpw,), jnp.int32),
            pltpu.VMEM((bpw,), jnp.int32),
            [[cbuf] * 4] * nbuf,
            [pltpu.SemaphoreType.DMA] * nbuf,
            [pltpu.SemaphoreType.DMA] * nbuf,
            [pltpu.SemaphoreType.DMA] * nbuf,
        ],
    )
    def k(uid_hbm, iid_hbm, gu_hbm, gi_hbm, mu_hbm, mi_hbm,
          prod_out, mu_out, mi_out,
          uidx, iidx, bufs, gsem, msem, wsem):
        wid = lax.axis_index("s") * _NC + lax.axis_index("c")
        base = wid * bpw
        pltpu.sync_copy(uid_hbm.at[pl.ds(base, bpw)], uidx)
        pltpu.sync_copy(iid_hbm.at[pl.ds(base, bpw)], iidx)

        def gathers(ci, s):
            off = ci * C
            cu = uidx.at[pl.ds(off, C)]
            cv = iidx.at[pl.ds(off, C)]
            bgu, bgi, bmu, bmi = bufs[s]
            return [pltpu.make_async_copy(gu_hbm.at[cu], bgu, gsem[s]),
                    pltpu.make_async_copy(gi_hbm.at[cv], bgi, gsem[s]),
                    pltpu.make_async_copy(mu_hbm.at[cu], bmu, msem[s]),
                    pltpu.make_async_copy(mi_hbm.at[cv], bmi, msem[s])]

        def writes(ci, s):
            off = base + ci * C
            bgu, _, bmu, bmi = bufs[s]
            return [pltpu.make_async_copy(bgu, prod_out.at[pl.ds(off, C)], wsem[s]),
                    pltpu.make_async_copy(bmu, mu_out.at[pl.ds(off, C)], wsem[s]),
                    pltpu.make_async_copy(bmi, mi_out.at[pl.ds(off, C)], wsem[s])]

        def process(ci, s):
            cg = gathers(ci, s)
            ws = writes(ci, s)
            cg[2].wait()
            cg[3].wait()
            ws[1].start()
            ws[2].start()
            cg[0].wait()
            cg[1].wait()
            bgu, bgi, _, _ = bufs[s]

            def row(j, carry2):
                for t in range(D // _LANES):
                    sl = pl.ds(t * _LANES, _LANES)
                    bgu[j, sl] = bgu[j, sl] * bgi[j, sl]
                return carry2

            lax.fori_loop(0, C, row, 0)
            ws[0].start()

        for ci in range(nchunks):
            s = ci % nbuf
            if ci >= nbuf:
                for c in writes(ci - nbuf, s):
                    c.wait()
            for c in gathers(ci, s):
                c.start()
            if ci > 0:
                process(ci - 1, (ci - 1) % nbuf)
        process(nchunks - 1, (nchunks - 1) % nbuf)
        for ci in range(nchunks - nbuf, nchunks):
            for c in writes(ci, ci % nbuf):
                c.wait()

    return k(uid, iid, gmf_u, gmf_i, mlp_u, mlp_i)


def _tc_tail(prod, mu, mi, gmf_Wp, W1, b1, W2, b2, ncf_W, ncf_b):
    B, D = mu.shape
    R = 4096
    grid = B // R

    def body(prod_ref, mu_ref, mi_ref, gmfW_ref, W1_ref, b1_ref, W2_ref,
             b2_ref, ncfW_ref, ncfb_ref, out_ref):
        f32 = jnp.float32
        wg = ncfW_ref[:, :64]
        wm = ncfW_ref[:, 64:]
        g = jax.lax.dot_general(wg, gmfW_ref[...], (((1,), (0,)), ((), ())),
                                preferred_element_type=f32)
        m = jax.lax.dot_general(wm, W2_ref[...], (((1,), (0,)), ((), ())),
                                preferred_element_type=f32)
        c = jax.lax.dot_general(wm, b2_ref[...], (((1,), (0,)), ((), ())),
                                preferred_element_type=f32) + ncfb_ref[0, 0]
        h1 = jax.lax.dot_general(mu_ref[...], W1_ref[:, :D],
                                 (((1,), (1,)), ((), ())),
                                 preferred_element_type=f32)
        h2 = jax.lax.dot_general(mi_ref[...], W1_ref[:, D:],
                                 (((1,), (1,)), ((), ())),
                                 preferred_element_type=f32)
        h = jnp.maximum(h1 + h2 + b1_ref[...], 0.0)
        og = jax.lax.dot_general(g, prod_ref[...], (((1,), (1,)), ((), ())),
                                 preferred_element_type=f32)
        om = jax.lax.dot_general(m, h, (((1,), (1,)), ((), ())),
                                 preferred_element_type=f32)
        out_ref[...] = og + om + c

    full = lambda a: pl.BlockSpec(a.shape, lambda i: (0,) * a.ndim)
    return pl.pallas_call(
        body,
        grid=(grid,),
        in_specs=[
            pl.BlockSpec((R, D), lambda i: (i, 0)),
            pl.BlockSpec((R, D), lambda i: (i, 0)),
            pl.BlockSpec((R, D), lambda i: (i, 0)),
            full(gmf_Wp), full(W1), full(b1), full(W2), full(b2),
            full(ncf_W), full(ncf_b),
        ],
        out_specs=pl.BlockSpec((1, R), lambda i: (0, i)),
        out_shape=jax.ShapeDtypeStruct((1, B), jnp.float32),
    )(prod, mu, mi, gmf_Wp, W1, b1, W2, b2, ncf_W, ncf_b)


def kernel(user_id, item_id, gmf_user_table, gmf_item_table, gmf_W,
           mlp_user_table, mlp_item_table, mlp_W1, mlp_b1, mlp_W2, mlp_b2,
           ncf_W, ncf_b):
    uid = user_id.astype(jnp.int32)
    iid = item_id.astype(jnp.int32)
    B = uid.shape[0]
    D = gmf_user_table.shape[1]
    W1 = mlp_W1.reshape(128, 256)
    b1 = mlp_b1.reshape(1, 128)
    b2 = mlp_b2.reshape(64, 1)
    ncfb = ncf_b.reshape(1, 1)
    prod, mu, mi = _sc_gather(uid, iid, gmf_user_table, gmf_item_table,
                              mlp_user_table, mlp_item_table)
    out = _tc_tail(prod, mu, mi, gmf_W, W1, b1, mlp_W2, b2, ncf_W, ncfb)
    return out.reshape(B, 1)

# --- scband reference (transcript-rebuilt; emitter-appended) ---
"""Pipeline reference for scband-ncf-76072460747233 (READ-ONLY COPY).

The authoritative reference and input builder live on the scoring server;
editing this copy changes nothing except your own understanding.
"""

import jax, jax.numpy as jnp
import numpy as np

B = 16384
U = 100000
I = 100000
D = 128

def setup_inputs(seed: int = 0) -> dict:
    key = jax.random.key(seed)
    ks = jax.random.split(key, 16)
    user_id = jax.random.randint(ks[0], (B,), 0, U)
    item_id = jax.random.randint(ks[1], (B,), 0, I)
    gmf_user_table = jax.random.normal(ks[2], (U, D), jnp.float32) * 0.01
    gmf_item_table = jax.random.normal(ks[3], (I, D), jnp.float32) * 0.01
    gmf_W = jax.random.normal(ks[4], (64, D), jnp.float32) * 0.05
    mlp_user_table = jax.random.normal(ks[5], (U, D), jnp.float32) * 0.01
    mlp_item_table = jax.random.normal(ks[6], (I, D), jnp.float32) * 0.01
    mlp_W1 = jax.random.normal(ks[7], (128, 2 * D), jnp.float32) * 0.05
    mlp_b1 = jnp.zeros((128,), jnp.float32)
    mlp_W2 = jax.random.normal(ks[8], (64, 128), jnp.float32) * 0.05
    mlp_b2 = jnp.zeros((64,), jnp.float32)
    ncf_W = jax.random.normal(ks[9], (1, 128), jnp.float32) * 0.05
    ncf_b = jnp.zeros((1,), jnp.float32)
    return {
        "user_id": user_id,
        "item_id": item_id,
        "gmf_user_table": gmf_user_table,
        "gmf_item_table": gmf_item_table,
        "gmf_W": gmf_W,
        "mlp_user_table": mlp_user_table,
        "mlp_item_table": mlp_item_table,
        "mlp_W1": mlp_W1,
        "mlp_b1": mlp_b1,
        "mlp_W2": mlp_W2,
        "mlp_b2": mlp_b2,
        "ncf_W": ncf_W,
        "ncf_b": ncf_b,
    }

def reference(user_id, item_id, gmf_user_table, gmf_item_table, gmf_W,
              mlp_user_table, mlp_item_table, mlp_W1, mlp_b1, mlp_W2, mlp_b2,
              ncf_W, ncf_b):
    gmf_user_emb = jnp.take(gmf_user_table, user_id, axis=0)
    gmf_item_emb = jnp.take(gmf_item_table, item_id, axis=0)
    gmf_output = (gmf_user_emb * gmf_item_emb) @ gmf_W.T
    mlp_user_emb = jnp.take(mlp_user_table, user_id, axis=0)
    mlp_item_emb = jnp.take(mlp_item_table, item_id, axis=0)
    mlp_input = jnp.concatenate([mlp_user_emb, mlp_item_emb], axis=1)
    h = jax.nn.relu(mlp_input @ mlp_W1.T + mlp_b1)
    mlp_output = h @ mlp_W2.T + mlp_b2
    ncf_input = jnp.concatenate([gmf_output, mlp_output], axis=1)
    return ncf_input @ ncf_W.T + ncf_b

if __name__ == "__main__":
    import jax
    _d = setup_inputs()
    print(jax.jit(kernel)(*tuple(_d.values())))

</pallas_src>

<mosaic_0001>
#map = affine_map<(d0, d1) -> (0)>
#map1 = affine_map<(d0, d1) -> (0, 0)>
module attributes {stable_mosaic.version = 14 : i64} {
  func.func @k(%arg0: i32, %arg1: i32, %arg2: memref<16384xi32, #tpu.memory_space<hbm>>, %arg3: memref<16384xi32, #tpu.memory_space<hbm>>, %arg4: memref<100000x128xf32, #tpu.memory_space<hbm>>, %arg5: memref<100000x128xf32, #tpu.memory_space<hbm>>, %arg6: memref<100000x128xf32, #tpu.memory_space<hbm>>, %arg7: memref<100000x128xf32, #tpu.memory_space<hbm>>, %arg8: memref<16384x128xf32, #tpu.memory_space<hbm>>, %arg9: memref<16384x128xf32, #tpu.memory_space<hbm>>, %arg10: memref<16384x128xf32, #tpu.memory_space<hbm>>, %arg11: memref<512xi32, #tpu.memory_space<vmem>>, %arg12: memref<512xi32, #tpu.memory_space<vmem>>, %arg13: memref<64x128xf32, #tpu.memory_space<vmem>>, %arg14: memref<64x128xf32, #tpu.memory_space<vmem>>, %arg15: memref<64x128xf32, #tpu.memory_space<vmem>>, %arg16: memref<64x128xf32, #tpu.memory_space<vmem>>, %arg17: memref<64x128xf32, #tpu.memory_space<vmem>>, %arg18: memref<64x128xf32, #tpu.memory_space<vmem>>, %arg19: memref<64x128xf32, #tpu.memory_space<vmem>>, %arg20: memref<64x128xf32, #tpu.memory_space<vmem>>, %arg21: memref<!tpu.dma_semaphore, #tpu.memory_space<semaphore_mem>>, %arg22: memref<!tpu.dma_semaphore, #tpu.memory_space<semaphore_mem>>, %arg23: memref<!tpu.dma_semaphore, #tpu.memory_space<semaphore_mem>>, %arg24: memref<!tpu.dma_semaphore, #tpu.memory_space<semaphore_mem>>, %arg25: memref<!tpu.dma_semaphore, #tpu.memory_space<semaphore_mem>>, %arg26: memref<!tpu.dma_semaphore, #tpu.memory_space<semaphore_mem>>) attributes {dimension_semantics = [#tpu.dimension_semantics<core_parallel>, #tpu.dimension_semantics<subcore_parallel>], iteration_bounds = array<i64: 2, 16>, scalar_prefetch = 0 : i64, scratch_operands = 16 : i64, tpu.core_type = #tpu.core_type<sc_vector_subcore>, window_params = [{transform_indices = #map}, {transform_indices = #map}, {transform_indices = #map1}, {transform_indices = #map1}, {transform_indices = #map1}, {transform_indices = #map1}, {transform_indices = #map1}, {transform_indices = #map1}, {transform_indices = #map1}]} {
    %mul3A = arith.constant 2 : i32
    %mul3A_0 = arith.muli %arg1, %mul3A : i32
    %add3A = arith.addi %mul3A_0, %arg0 : i32
    %mul3A_1 = arith.constant 512 : i32
    %mul3A_2 = arith.muli %add3A, %mul3A_1 : i32
    "tpu.region"() ({
      %run_scoped3A = tpu.sem_alloc : memref<!tpu.dma_semaphore, #tpu.memory_space<semaphore_mem>>
      %dma_start3A_592 = tpu.memref_slice %arg2[%mul3A_2] : memref<16384xi32, #tpu.memory_space<hbm>> -> memref<512xi32, #tpu.memory_space<hbm>>
      %dma_start3A_593 = tpu.memref_slice %arg2[%mul3A_2] : memref<16384xi32, #tpu.memory_space<hbm>> -> memref<512xi32, #tpu.memory_space<hbm>>
      tpu.enqueue_dma source(%dma_start3A_593 : memref<512xi32, #tpu.memory_space<hbm>>) target(%arg11 : memref<512xi32, #tpu.memory_space<vmem>>) target_semaphore(%run_scoped3A : memref<!tpu.dma_semaphore, #tpu.memory_space<semaphore_mem>>)
      %dma_wait3A_594 = tpu.memref_slice %arg2[%mul3A_2] : memref<16384xi32, #tpu.memory_space<hbm>> -> memref<512xi32, #tpu.memory_space<hbm>>
      %dma_wait3A_595 = tpu.memref_slice %arg2[%mul3A_2] : memref<16384xi32, #tpu.memory_space<hbm>> -> memref<512xi32, #tpu.memory_space<hbm>>
      tpu.wait_dma2 semaphore(%run_scoped3A : memref<!tpu.dma_semaphore, #tpu.memory_space<semaphore_mem>>) src(%dma_wait3A_595 : memref<512xi32, #tpu.memory_space<hbm>>) dst(%arg11 : memref<512xi32, #tpu.memory_space<vmem>>)
      tpu.yield
    }) : () -> ()
    "tpu.region"() ({
      %run_scoped3A = tpu.sem_alloc : memref<!tpu.dma_semaphore, #tpu.memory_space<semaphore_mem>>
      %dma_start3A_592 = tpu.memref_slice %arg3[%mul3A_2] : memref<16384xi32, #tpu.memory_space<hbm>> -> memref<512xi32, #tpu.memory_space<hbm>>
      %dma_start3A_593 = tpu.memref_slice %arg3[%mul3A_2] : memref<16384xi32, #tpu.memory_space<hbm>> -> memref<512xi32, #tpu.memory_space<hbm>>
      tpu.enqueue_dma source(%dma_start3A_593 : memref<512xi32, #tpu.memory_space<hbm>>) target(%arg12 : memref<512xi32, #tpu.memory_space<vmem>>) target_semaphore(%run_scoped3A : memref<!tpu.dma_semaphore, #tpu.memory_space<semaphore_mem>>)
      %dma_wait3A_594 = tpu.memref_slice %arg3[%mul3A_2] : memref<16384xi32, #tpu.memory_space<hbm>> -> memref<512xi32, #tpu.memory_space<hbm>>
      %dma_wait3A_595 = tpu.memref_slice %arg3[%mul3A_2] : memref<16384xi32, #tpu.memory_space<hbm>> -> memref<512xi32, #tpu.memory_space<hbm>>
      tpu.wait_dma2 semaphore(%run_scoped3A : memref<!tpu.dma_semaphore, #tpu.memory_space<semaphore_mem>>) src(%dma_wait3A_595 : memref<512xi32, #tpu.memory_space<hbm>>) dst(%arg12 : memref<512xi32, #tpu.memory_space<vmem>>)
      tpu.yield
    }) : () -> ()
    %dma_start3A = arith.constant 0 : i32
    %dma_start3A_3 = tpu.memref_slice %arg11[%dma_start3A] : memref<512xi32, #tpu.memory_space<vmem>> -> memref<64xi32, #tpu.memory_space<vmem>>
    %dma_start3A_4 = arith.constant 0 : i32
    %dma_start3A_5 = arith.constant 0 : i32
    %dma_start3A_6 = tpu.memref_slice %arg4[%dma_start3A_4, %dma_start3A_5] : memref<100000x128xf32, #tpu.memory_space<hbm>> -> memref<100000x128xf32, #tpu.memory_space<hbm>>
    tpu.enqueue_indirect_dma source(%dma_start3A_6 : memref<100000x128xf32, #tpu.memory_space<hbm>>) target(%arg13 : memref<64x128xf32, #tpu.memory_space<vmem>>) offsets(%dma_start3A_3 : memref<64xi32, #tpu.memory_space<vmem>>) semaphore(%arg21 : memref<!tpu.dma_semaphore, #tpu.memory_space<semaphore_mem>>)
    %dma_start3A_7 = arith.constant 0 : i32
    %dma_start3A_8 = tpu.memref_slice %arg12[%dma_start3A_7] : memref<512xi32, #tpu.memory_space<vmem>> -> memref<64xi32, #tpu.memory_space<vmem>>
    %dma_start3A_9 = arith.constant 0 : i32
    %dma_start3A_10 = arith.constant 0 : i32
    %dma_start3A_11 = tpu.memref_slice %arg5[%dma_start3A_9, %dma_start3A_10] : memref<100000x128xf32, #tpu.memory_space<hbm>> -> memref<100000x128xf32, #tpu.memory_space<hbm>>
    tpu.enqueue_indirect_dma source(%dma_start3A_11 : memref<100000x128xf32, #tpu.memory_space<hbm>>) target(%arg14 : memref<64x128xf32, #tpu.memory_space<vmem>>) offsets(%dma_start3A_8 : memref<64xi32, #tpu.memory_space<vmem>>) semaphore(%arg21 : memref<!tpu.dma_semaphore, #tpu.memory_space<semaphore_mem>>)
    %dma_start3A_12 = arith.constant 0 : i32
    %dma_start3A_13 = tpu.memref_slice %arg11[%dma_start3A_12] : memref<512xi32, #tpu.memory_space<vmem>> -> memref<64xi32, #tpu.memory_space<vmem>>
    %dma_start3A_14 = arith.constant 0 : i32
    %dma_start3A_15 = arith.constant 0 : i32
    %dma_start3A_16 = tpu.memref_slice %arg6[%dma_start3A_14, %dma_start3A_15] : memref<100000x128xf32, #tpu.memory_space<hbm>> -> memref<100000x128xf32, #tpu.memory_space<hbm>>
    tpu.enqueue_indirect_dma source(%dma_start3A_16 : memref<100000x128xf32, #tpu.memory_space<hbm>>) target(%arg15 : memref<64x128xf32, #tpu.memory_space<vmem>>) offsets(%dma_start3A_13 : memref<64xi32, #tpu.memory_space<vmem>>) semaphore(%arg23 : memref<!tpu.dma_semaphore, #tpu.memory_space<semaphore_mem>>)
    %dma_start3A_17 = arith.constant 0 : i32
    %dma_start3A_18 = tpu.memref_slice %arg12[%dma_start3A_17] : memref<512xi32, #tpu.memory_space<vmem>> -> memref<64xi32, #tpu.memory_space<vmem>>
    %dma_start3A_19 = arith.constant 0 : i32
    %dma_start3A_20 = arith.constant 0 : i32
    %dma_start3A_21 = tpu.memref_slice %arg7[%dma_start3A_19, %dma_start3A_20] : memref<100000x128xf32, #tpu.memory_space<hbm>> -> memref<100000x128xf32, #tpu.memory_space<hbm>>
    tpu.enqueue_indirect_dma source(%dma_start3A_21 : memref<100000x128xf32, #tpu.memory_space<hbm>>) target(%arg16 : memref<64x128xf32, #tpu.memory_space<vmem>>) offsets(%dma_start3A_18 : memref<64xi32, #tpu.memory_space<vmem>>) semaphore(%arg23 : memref<!tpu.dma_semaphore, #tpu.memory_space<semaphore_mem>>)
    %dma_start3A_22 = arith.constant 64 : i32
    %dma_start3A_23 = tpu.memref_slice %arg11[%dma_start3A_22] : memref<512xi32, #tpu.memory_space<vmem>> -> memref<64xi32, #tpu.memory_space<vmem>>
    %dma_start3A_24 = arith.constant 0 : i32
    %dma_start3A_25 = arith.constant 0 : i32
    %dma_start3A_26 = tpu.memref_slice %arg4[%dma_start3A_24, %dma_start3A_25] : memref<100000x128xf32, #tpu.memory_space<hbm>> -> memref<100000x128xf32, #tpu.memory_space<hbm>>
    tpu.enqueue_indirect_dma source(%dma_start3A_26 : memref<100000x128xf32, #tpu.memory_space<hbm>>) target(%arg17 : memref<64x128xf32, #tpu.memory_space<vmem>>) offsets(%dma_start3A_23 : memref<64xi32, #tpu.memory_space<vmem>>) semaphore(%arg22 : memref<!tpu.dma_semaphore, #tpu.memory_space<semaphore_mem>>)
    %dma_start3A_27 = arith.constant 64 : i32
    %dma_start3A_28 = tpu.memref_slice %arg12[%dma_start3A_27] : memref<512xi32, #tpu.memory_space<vmem>> -> memref<64xi32, #tpu.memory_space<vmem>>
    %dma_start3A_29 = arith.constant 0 : i32
    %dma_start3A_30 = arith.constant 0 : i32
    %dma_start3A_31 = tpu.memref_slice %arg5[%dma_start3A_29, %dma_start3A_30] : memref<100000x128xf32, #tpu.memory_space<hbm>> -> memref<100000x128xf32, #tpu.memory_space<hbm>>
    tpu.enqueue_indirect_dma source(%dma_start3A_31 : memref<100000x128xf32, #tpu.memory_space<hbm>>) target(%arg18 : memref<64x128xf32, #tpu.memory_space<vmem>>) offsets(%dma_start3A_28 : memref<64xi32, #tpu.memory_space<vmem>>) semaphore(%arg22 : memref<!tpu.dma_semaphore, #tpu.memory_space<semaphore_mem>>)
    %dma_start3A_32 = arith.constant 64 : i32
    %dma_start3A_33 = tpu.memref_slice %arg11[%dma_start3A_32] : memref<512xi32, #tpu.memory_space<vmem>> -> memref<64xi32, #tpu.memory_space<vmem>>
    %dma_start3A_34 = arith.constant 0 : i32
    %dma_start3A_35 = arith.constant 0 : i32
    %dma_start3A_36 = tpu.memref_slice %arg6[%dma_start3A_34, %dma_start3A_35] : memref<100000x128xf32, #tpu.memory_space<hbm>> -> memref<100000x128xf32, #tpu.memory_space<hbm>>
    tpu.enqueue_indirect_dma source(%dma_start3A_36 : memref<100000x128xf32, #tpu.memory_space<hbm>>) target(%arg19 : memref<64x128xf32, #tpu.memory_space<vmem>>) offsets(%dma_start3A_33 : memref<64xi32, #tpu.memory_space<vmem>>) semaphore(%arg24 : memref<!tpu.dma_semaphore, #tpu.memory_space<semaphore_mem>>)
    %dma_start3A_37 = arith.constant 64 : i32
    %dma_start3A_38 = tpu.memref_slice %arg12[%dma_start3A_37] : memref<512xi32, #tpu.memory_space<vmem>> -> memref<64xi32, #tpu.memory_space<vmem>>
    %dma_start3A_39 = arith.constant 0 : i32
    %dma_start3A_40 = arith.constant 0 : i32
    %dma_start3A_41 = tpu.memref_slice %arg7[%dma_start3A_39, %dma_start3A_40] : memref<100000x128xf32, #tpu.memory_space<hbm>> -> memref<100000x128xf32, #tpu.memory_space<hbm>>
    tpu.enqueue_indirect_dma source(%dma_start3A_41 : memref<100000x128xf32, #tpu.memory_space<hbm>>) target(%arg20 : memref<64x128xf32, #tpu.memory_space<vmem>>) offsets(%dma_start3A_38 : memref<64xi32, #tpu.memory_space<vmem>>) semaphore(%arg24 : memref<!tpu.dma_semaphore, #tpu.memory_space<semaphore_mem>>)
    %add3A_42 = arith.constant 0 : i32
    %add3A_43 = arith.addi %mul3A_2, %add3A_42 : i32
    %dma_wait3A = arith.constant 0 : i32
    %dma_wait3A_44 = tpu.memref_slice %arg11[%dma_wait3A] : memref<512xi32, #tpu.memory_space<vmem>> -> memref<64xi32, #tpu.memory_space<vmem>>
    %dma_wait3A_45 = arith.constant 0 : i32
    %dma_wait3A_46 = arith.constant 0 : i32
    %dma_wait3A_47 = tpu.memref_slice %arg6[%dma_wait3A_45, %dma_wait3A_46] : memref<100000x128xf32, #tpu.memory_space<hbm>> -> memref<100000x128xf32, #tpu.memory_space<hbm>>
    tpu.wait_indirect_dma semaphore(%arg23 : memref<!tpu.dma_semaphore, #tpu.memory_space<semaphore_mem>>) src(%dma_wait3A_47 : memref<100000x128xf32, #tpu.memory_space<hbm>>) dst(%arg15 : memref<64x128xf32, #tpu.memory_space<vmem>>)
    %dma_wait3A_48 = arith.constant 0 : i32
    %dma_wait3A_49 = tpu.memref_slice %arg12[%dma_wait3A_48] : memref<512xi32, #tpu.memory_space<vmem>> -> memref<64xi32, #tpu.memory_space<vmem>>
    %dma_wait3A_50 = arith.constant 0 : i32
    %dma_wait3A_51 = arith.constant 0 : i32
    %dma_wait3A_52 = tpu.memref_slice %arg7[%dma_wait3A_50, %dma_wait3A_51] : memref<100000x128xf32, #tpu.memory_space<hbm>> -> memref<100000x128xf32, #tpu.memory_space<hbm>>
    tpu.wait_indirect_dma semaphore(%arg23 : memref<!tpu.dma_semaphore, #tpu.memory_space<semaphore_mem>>) src(%dma_wait3A_52 : memref<100000x128xf32, #tpu.memory_space<hbm>>) dst(%arg16 : memref<64x128xf32, #tpu.memory_space<vmem>>)
    %dma_start3A_53 = arith.constant 0 : i32
    %dma_start3A_54 = tpu.memref_slice %arg9[%add3A_43, %dma_start3A_53] : memref<16384x128xf32, #tpu.memory_space<hbm>> -> memref<64x128xf32, #tpu.memory_space<hbm>>
    %dma_start3A_55 = arith.constant 0 : i32
    %dma_start3A_56 = tpu.memref_slice %arg9[%add3A_43, %dma_start3A_55] : memref<16384x128xf32, #tpu.memory_space<hbm>> -> memref<64x128xf32, #tpu.memory_space<hbm>>
    tpu.enqueue_dma source(%arg15 : memref<64x128xf32, #tpu.memory_space<vmem>>) target(%dma_start3A_56 : memref<64x128xf32, #tpu.memory_space<hbm>>) target_semaphore(%arg25 : memref<!tpu.dma_semaphore, #tpu.memory_space<semaphore_mem>>)
    %dma_start3A_57 = arith.constant 0 : i32
    %dma_start3A_58 = tpu.memref_slice %arg10[%add3A_43, %dma_start3A_57] : memref<16384x128xf32, #tpu.memory_space<hbm>> -> memref<64x128xf32, #tpu.memory_space<hbm>>
    %dma_start3A_59 = arith.constant 0 : i32
    %dma_start3A_60 = tpu.memref_slice %arg10[%add3A_43, %dma_start3A_59] : memref<16384x128xf32, #tpu.memory_space<hbm>> -> memref<64x128xf32, #tpu.memory_space<hbm>>
    tpu.enqueue_dma source(%arg16 : memref<64x128xf32, #tpu.memory_space<vmem>>) target(%dma_start3A_60 : memref<64x128xf32, #tpu.memory_space<hbm>>) target_semaphore(%arg25 : memref<!tpu.dma_semaphore, #tpu.memory_space<semaphore_mem>>)
    %dma_wait3A_61 = arith.constant 0 : i32
    %dma_wait3A_62 = tpu.memref_slice %arg11[%dma_wait3A_61] : memref<512xi32, #tpu.memory_space<vmem>> -> memref<64xi32, #tpu.memory_space<vmem>>
    %dma_wait3A_63 = arith.constant 0 : i32
    %dma_wait3A_64 = arith.constant 0 : i32
    %dma_wait3A_65 = tpu.memref_slice %arg4[%dma_wait3A_63, %dma_wait3A_64] : memref<100000x128xf32, #tpu.memory_space<hbm>> -> memref<100000x128xf32, #tpu.memory_space<hbm>>
    tpu.wait_indirect_dma semaphore(%arg21 : memref<!tpu.dma_semaphore, #tpu.memory_space<semaphore_mem>>) src(%dma_wait3A_65 : memref<100000x128xf32, #tpu.memory_space<hbm>>) dst(%arg13 : memref<64x128xf32, #tpu.memory_space<vmem>>)
    %dma_wait3A_66 = arith.constant 0 : i32
    %dma_wait3A_67 = tpu.memref_slice %arg12[%dma_wait3A_66] : memref<512xi32, #tpu.memory_space<vmem>> -> memref<64xi32, #tpu.memory_space<vmem>>
    %dma_wait3A_68 = arith.constant 0 : i32
    %dma_wait3A_69 = arith.constant 0 : i32
    %dma_wait3A_70 = tpu.memref_slice %arg5[%dma_wait3A_68, %dma_wait3A_69] : memref<100000x128xf32, #tpu.memory_space<hbm>> -> memref<100000x128xf32, #tpu.memory_space<hbm>>
    tpu.wait_indirect_dma semaphore(%arg21 : memref<!tpu.dma_semaphore, #tpu.memory_space<semaphore_mem>>) src(%dma_wait3A_70 : memref<100000x128xf32, #tpu.memory_space<hbm>>) dst(%arg14 : memref<64x128xf32, #tpu.memory_space<vmem>>)
    %scan3A = arith.constant 0 : i32
    %scan3A_71 = arith.constant 0 : i32
    %scan3A_72 = arith.constant 64 : i32
    %scan3A_73 = arith.addi %scan3A_71, %scan3A_72 : i32
    %scan3A_74 = arith.constant 1 : i32
    scf.for %scan3A_592 = %scan3A_71 to %scan3A_73 step %scan3A_74  : i32 {
      %get3A = arith.index_cast %scan3A_592 : i32 to index
      %get3A_593 = arith.constant 0 : index
      %get3A_594 = tpu.vector_load %arg13[%get3A, %get3A_593] {strides = array<i32>} : memref<64x128xf32, #tpu.memory_space<vmem>>, vector<1x16xf32>,
      %get3A_595 = vector.shape_cast %get3A_594 : vector<1x16xf32> to vector<16xf32>
      %get3A_596 = arith.index_cast %scan3A_592 : i32 to index
      %get3A_597 = arith.constant 0 : index
      %get3A_598 = tpu.vector_load %arg14[%get3A_596, %get3A_597] {strides = array<i32>} : memref<64x128xf32, #tpu.memory_space<vmem>>, vector<1x16xf32>,
      %get3A_599 = vector.shape_cast %get3A_598 : vector<1x16xf32> to vector<16xf32>
      %mul3A_600 = arith.mulf %get3A_595, %get3A_599 : vector<16xf32>
      %swap3A = arith.index_cast %scan3A_592 : i32 to index
      %swap3A_601 = arith.constant 0 : index
      %swap3A_602 = tpu.vector_load %arg13[%swap3A, %swap3A_601] {strides = array<i32>} : memref<64x128xf32, #tpu.memory_space<vmem>>, vector<1x16xf32>,
      %swap3A_603 = vector.shape_cast %swap3A_602 : vector<1x16xf32> to vector<16xf32>
      %swap3A_604 = vector.shape_cast %mul3A_600 : vector<16xf32> to vector<1x16xf32>
      tpu.vector_store %arg13[%swap3A, %swap3A_601], %swap3A_604 {strides = array<i32>} : memref<64x128xf32, #tpu.memory_space<vmem>>, vector<1x16xf32>,
      %get3A_605 = arith.index_cast %scan3A_592 : i32 to index
      %get3A_606 = arith.constant 16 : index
      %get3A_607 = tpu.vector_load %arg13[%get3A_605, %get3A_606] {strides = array<i32>} : memref<64x128xf32, #tpu.memory_space<vmem>>, vector<1x16xf32>,
      %get3A_608 = vector.shape_cast %get3A_607 : vector<1x16xf32> to vector<16xf32>
      %get3A_609 = arith.index_cast %scan3A_592 : i32 to index
      %get3A_610 = arith.constant 16 : index
      %get3A_611 = tpu.vector_load %arg14[%get3A_609, %get3A_610] {strides = array<i32>} : memref<64x128xf32, #tpu.memory_space<vmem>>, vector<1x16xf32>,
      %get3A_612 = vector.shape_cast %get3A_611 : vector<1x16xf32> to vector<16xf32>
      %mul3A_613 = arith.mulf %get3A_608, %get3A_612 : vector<16xf32>
      %swap3A_614 = arith.index_cast %scan3A_592 : i32 to index
      %swap3A_615 = arith.constant 16 : index
      %swap3A_616 = tpu.vector_load %arg13[%swap3A_614, %swap3A_615] {strides = array<i32>} : memref<64x128xf32, #tpu.memory_space<vmem>>, vector<1x16xf32>,
      %swap3A_617 = vector.shape_cast %swap3A_616 : vector<1x16xf32> to vector<16xf32>
      %swap3A_618 = vector.shape_cast %mul3A_613 : vector<16xf32> to vector<1x16xf32>
      tpu.vector_store %arg13[%swap3A_614, %swap3A_615], %swap3A_618 {strides = array<i32>} : memref<64x128xf32, #tpu.memory_space<vmem>>, vector<1x16xf32>,
      %get3A_619 = arith.index_cast %scan3A_592 : i32 to index
      %get3A_620 = arith.constant 32 : index
      %get3A_621 = tpu.vector_load %arg13[%get3A_619, %get3A_620] {strides = array<i32>} : memref<64x128xf32, #tpu.memory_space<vmem>>, vector<1x16xf32>,
      %get3A_622 = vector.shape_cast %get3A_621 : vector<1x16xf32> to vector<16xf32>
      %get3A_623 = arith.index_cast %scan3A_592 : i32 to index
      %get3A_624 = arith.constant 32 : index
      %get3A_625 = tpu.vector_load %arg14[%get3A_623, %get3A_624] {strides = array<i32>} : memref<64x128xf32, #tpu.memory_space<vmem>>, vector<1x16xf32>,
      %get3A_626 = vector.shape_cast %get3A_625 : vector<1x16xf32> to vector<16xf32>
      %mul3A_627 = arith.mulf %get3A_622, %get3A_626 : vector<16xf32>
      %swap3A_628 = arith.index_cast %scan3A_592 : i32 to index
      %swap3A_629 = arith.constant 32 : index
      %swap3A_630 = tpu.vector_load %arg13[%swap3A_628, %swap3A_629] {strides = array<i32>} : memref<64x128xf32, #tpu.memory_space<vmem>>, vector<1x16xf32>,
      %swap3A_631 = vector.shape_cast %swap3A_630 : vector<1x16xf32> to vector<16xf32>
      %swap3A_632 = vector.shape_cast %mul3A_627 : vector<16xf32> to vector<1x16xf32>
      tpu.vector_store %arg13[%swap3A_628, %swap3A_629], %swap3A_632 {strides = array<i32>} : memref<64x128xf32, #tpu.memory_space<vmem>>, vector<1x16xf32>,
      %get3A_633 = arith.index_cast %scan3A_592 : i32 to index
      %get3A_634 = arith.constant 48 : index
      %get3A_635 = tpu.vector_load %arg13[%get3A_633, %get3A_634] {strides = array<i32>} : memref<64x128xf32, #tpu.memory_space<vmem>>, vector<1x16xf32>,
      %get3A_636 = vector.shape_cast %get3A_635 : vector<1x16xf32> to vector<16xf32>
      %get3A_637 = arith.index_cast %scan3A_592 : i32 to index
      %get3A_638 = arith.constant 48 : index
      %get3A_639 = tpu.vector_load %arg14[%get3A_637, %get3A_638] {strides = array<i32>} : memref<64x128xf32, #tpu.memory_space<vmem>>, vector<1x16xf32>,
      %get3A_640 = vector.shape_cast %get3A_639 : vector<1x16xf32> to vector<16xf32>
      %mul3A_641 = arith.mulf %get3A_636, %get3A_640 : vector<16xf32>
      %swap3A_642 = arith.index_cast %scan3A_592 : i32 to index
      %swap3A_643 = arith.constant 48 : index
      %swap3A_644 = tpu.vector_load %arg13[%swap3A_642, %swap3A_643] {strides = array<i32>} : memref<64x128xf32, #tpu.memory_space<vmem>>, vector<1x16xf32>,
      %swap3A_645 = vector.shape_cast %swap3A_644 : vector<1x16xf32> to vector<16xf32>
      %swap3A_646 = vector.shape_cast %mul3A_641 : vector<16xf32> to vector<1x16xf32>
      tpu.vector_store %arg13[%swap3A_642, %swap3A_643], %swap3A_646 {strides = array<i32>} : memref<64x128xf32, #tpu.memory_space<vmem>>, vector<1x16xf32>,
      %get3A_647 = arith.index_cast %scan3A_592 : i32 to index
      %get3A_648 = arith.constant 64 : index
      %get3A_649 = tpu.vector_load %arg13[%get3A_647, %get3A_648] {strides = array<i32>} : memref<64x128xf32, #tpu.memory_space<vmem>>, vector<1x16xf32>,
      %get3A_650 = vector.shape_cast %get3A_649 : vector<1x16xf32> to vector<16xf32>
      %get3A_651 = arith.index_cast %scan3A_592 : i32 to index
      %get3A_652 = arith.constant 64 : index
      %get3A_653 = tpu.vector_load %arg14[%get3A_651, %get3A_652] {strides = array<i32>} : memref<64x128xf32, #tpu.memory_space<vmem>>, vector<1x16xf32>,
      %get3A_654 = vector.shape_cast %get3A_653 : vector<1x16xf32> to vector<16xf32>
      %mul3A_655 = arith.mulf %get3A_650, %get3A_654 : vector<16xf32>
      %swap3A_656 = arith.index_cast %scan3A_592 : i32 to index
      %swap3A_657 = arith.constant 64 : index
      %swap3A_658 = tpu.vector_load %arg13[%swap3A_656, %swap3A_657] {strides = array<i32>} : memref<64x128xf32, #tpu.memory_space<vmem>>, vector<1x16xf32>,
      %swap3A_659 = vector.shape_cast %swap3A_658 : vector<1x16xf32> to vector<16xf32>
      %swap3A_660 = vector.shape_cast %mul3A_655 : vector<16xf32> to vector<1x16xf32>
      tpu.vector_store %arg13[%swap3A_656, %swap3A_657], %swap3A_660 {strides = array<i32>} : memref<64x128xf32, #tpu.memory_space<vmem>>, vector<1x16xf32>,
      %get3A_661 = arith.index_cast %scan3A_592 : i32 to index
      %get3A_662 = arith.constant 80 : index
      %get3A_663 = tpu.vector_load %arg13[%get3A_661, %get3A_662] {strides = array<i32>} : memref<64x128xf32, #tpu.memory_space<vmem>>, vector<1x16xf32>,
      %get3A_664 = vector.shape_cast %get3A_663 : vector<1x16xf32> to vector<16xf32>
      %get3A_665 = arith.index_cast %scan3A_592 : i32 to index
      %get3A_666 = arith.constant 80 : index
      %get3A_667 = tpu.vector_load %arg14[%get3A_665, %get3A_666] {strides = array<i32>} : memref<64x128xf32, #tpu.memory_space<vmem>>, vector<1x16xf32>,
      %get3A_668 = vector.shape_cast %get3A_667 : vector<1x16xf32> to vector<16xf32>
      %mul3A_669 = arith.mulf %get3A_664, %get3A_668 : vector<16xf32>
      %swap3A_670 = arith.index_cast %scan3A_592 : i32 to index
      %swap3A_671 = arith.constant 80 : index
      %swap3A_672 = tpu.vector_load %arg13[%swap3A_670, %swap3A_671] {strides = array<i32>} : memref<64x128xf32, #tpu.memory_space<vmem>>, vector<1x16xf32>,
      %swap3A_673 = vector.shape_cast %swap3A_672 : vector<1x16xf32> to vector<16xf32>
      %swap3A_674 = vector.shape_cast %mul3A_669 : vector<16xf32> to vector<1x16xf32>
      tpu.vector_store %arg13[%swap3A_670, %swap3A_671], %swap3A_674 {strides = array<i32>} : memref<64x128xf32, #tpu.memory_space<vmem>>, vector<1x16xf32>,
      %get3A_675 = arith.index_cast %scan3A_592 : i32 to index
      %get3A_676 = arith.constant 96 : index
      %get3A_677 = tpu.vector_load %arg13[%get3A_675, %get3A_676] {strides = array<i32>} : memref<64x128xf32, #tpu.memory_space<vmem>>, vector<1x16xf32>,
      %get3A_678 = vector.shape_cast %get3A_677 : vector<1x16xf32> to vector<16xf32>
      %get3A_679 = arith.index_cast %scan3A_592 : i32 to index
      %get3A_680 = arith.constant 96 : index
      %get3A_681 = tpu.vector_load %arg14[%get3A_679, %get3A_680] {strides = array<i32>} : memref<64x128xf32, #tpu.memory_space<vmem>>, vector<1x16xf32>,
      %get3A_682 = vector.shape_cast %get3A_681 : vector<1x16xf32> to vector<16xf32>
      %mul3A_683 = arith.mulf %get3A_678, %get3A_682 : vector<16xf32>
      %swap3A_684 = arith.index_cast %scan3A_592 : i32 to index
      %swap3A_685 = arith.constant 96 : index
      %swap3A_686 = tpu.vector_load %arg13[%swap3A_684, %swap3A_685] {strides = array<i32>} : memref<64x128xf32, #tpu.memory_space<vmem>>, vector<1x16xf32>,
      %swap3A_687 = vector.shape_cast %swap3A_686 : vector<1x16xf32> to vector<16xf32>
      %swap3A_688 = vector.shape_cast %mul3A_683 : vector<16xf32> to vector<1x16xf32>
      tpu.vector_store %arg13[%swap3A_684, %swap3A_685], %swap3A_688 {strides = array<i32>} : memref<64x128xf32, #tpu.memory_space<vmem>>, vector<1x16xf32>,
      %get3A_689 = arith.index_cast %scan3A_592 : i32 to index
      %get3A_690 = arith.constant 112 : index
      %get3A_691 = tpu.vector_load %arg13[%get3A_689, %get3A_690] {strides = array<i32>} : memref<64x128xf32, #tpu.memory_space<vmem>>, vector<1x16xf32>,
      %get3A_692 = vector.shape_cast %get3A_691 : vector<1x16xf32> to vector<16xf32>
      %get3A_693 = arith.index_cast %scan3A_592 : i32 to index
      %get3A_694 = arith.constant 112 : index
      %get3A_695 = tpu.vector_load %arg14[%get3A_693, %get3A_694] {strides = array<i32>} : memref<64x128xf32, #tpu.memory_space<vmem>>, vector<1x16xf32>,
      %get3A_696 = vector.shape_cast %get3A_695 : vector<1x16xf32> to vector<16xf32>
      %mul3A_697 = arith.mulf %get3A_692, %get3A_696 : vector<16xf32>
      %swap3A_698 = arith.index_cast %scan3A_592 : i32 to index
      %swap3A_699 = arith.constant 112 : index
      %swap3A_700 = tpu.vector_load %arg13[%swap3A_698, %swap3A_699] {strides = array<i32>} : memref<64x128xf32, #tpu.memory_space<vmem>>, vector<1x16xf32>,
      %swap3A_701 = vector.shape_cast %swap3A_700 : vector<1x16xf32> to vector<16xf32>
      %swap3A_702 = vector.shape_cast %mul3A_697 : vector<16xf32> to vector<1x16xf32>
      tpu.vector_store %arg13[%swap3A_698, %swap3A_699], %swap3A_702 {strides = array<i32>} : memref<64x128xf32, #tpu.memory_space<vmem>>, vector<1x16xf32>,
    }
    %scan3A_75 = arith.constant 64 : i32
    %dma_start3A_76 = arith.constant 0 : i32
    %dma_start3A_77 = tpu.memref_slice %arg8[%add3A_43, %dma_start3A_76] : memref<16384x128xf32, #tpu.memory_space<hbm>> -> memref<64x128xf32, #tpu.memory_space<hbm>>
    %dma_start3A_78 = arith.constant 0 : i32
    %dma_start3A_79 = tpu.memref_slice %arg8[%add3A_43, %dma_start3A_78] : memref<16384x128xf32, #tpu.memory_space<hbm>> -> memref<64x128xf32, #tpu.memory_space<hbm>>
    tpu.enqueue_dma source(%arg13 : memref<64x128xf32, #tpu.memory_space<vmem>>) target(%dma_start3A_79 : memref<64x128xf32, #tpu.memory_space<hbm>>) target_semaphore(%arg25 : memref<!tpu.dma_semaphore, #tpu.memory_space<semaphore_mem>>)
    %add3A_80 = arith.constant 0 : i32
    %add3A_81 = arith.addi %mul3A_2, %add3A_80 : i32
    %dma_wait3A_82 = arith.constant 0 : i32
    %dma_wait3A_83 = tpu.memref_slice %arg8[%add3A_81, %dma_wait3A_82] : memref<16384x128xf32, #tpu.memory_space<hbm>> -> memref<64x128xf32, #tpu.memory_space<hbm>>
    %dma_wait3A_84 = arith.constant 0 : i32
    %dma_wait3A_85 = tpu.memref_slice %arg8[%add3A_81, %dma_wait3A_84] : memref<16384x128xf32, #tpu.memory_space<hbm>> -> memref<64x128xf32, #tpu.memory_space<hbm>>
    tpu.wait_dma2 semaphore(%arg25 : memref<!tpu.dma_semaphore, #tpu.memory_space<semaphore_mem>>) src(%arg13 : memref<64x128xf32, #tpu.memory_space<vmem>>) dst(%dma_wait3A_85 : memref<64x128xf32, #tpu.memory_space<hbm>>)
    %dma_wait3A_86 = arith.constant 0 : i32
    %dma_wait3A_87 = tpu.memref_slice %arg9[%add3A_81, %dma_wait3A_86] : memref<16384x128xf32, #tpu.memory_space<hbm>> -> memref<64x128xf32, #tpu.memory_space<hbm>>
    %dma_wait3A_88 = arith.constant 0 : i32
    %dma_wait3A_89 = tpu.memref_slice %arg9[%add3A_81, %dma_wait3A_88] : memref<16384x128xf32, #tpu.memory_space<hbm>> -> memref<64x128xf32, #tpu.memory_space<hbm>>
    tpu.wait_dma2 semaphore(%arg25 : memref<!tpu.dma_semaphore, #tpu.memory_space<semaphore_mem>>) src(%arg15 : memref<64x128xf32, #tpu.memory_space<vmem>>) dst(%dma_wait3A_89 : memref<64x128xf32, #tpu.memory_space<hbm>>)
    %dma_wait3A_90 = arith.constant 0 : i32
    %dma_wait3A_91 = tpu.memref_slice %arg10[%add3A_81, %dma_wait3A_90] : memref<16384x128xf32, #tpu.memory_space<hbm>> -> memref<64x128xf32, #tpu.memory_space<hbm>>
    %dma_wait3A_92 = arith.constant 0 : i32
    %dma_wait3A_93 = tpu.memref_slice %arg10[%add3A_81, %dma_wait3A_92] : memref<16384x128xf32, #tpu.memory_space<hbm>> -> memref<64x128xf32, #tpu.memory_space<hbm>>
    tpu.wait_dma2 semaphore(%arg25 : memref<!tpu.dma_semaphore, #tpu.memory_space<semaphore_mem>>) src(%arg16 : memref<64x128xf32, #tpu.memory_space<vmem>>) dst(%dma_wait3A_93 : memref<64x128xf32, #tpu.memory_space<hbm>>)
    %dma_start3A_94 = arith.constant 128 : i32
    %dma_start3A_95 = tpu.memref_slice %arg11[%dma_start3A_94] : memref<512xi32, #tpu.memory_space<vmem>> -> memref<64xi32, #tpu.memory_space<vmem>>
    %dma_start3A_96 = arith.constant 0 : i32
    %dma_start3A_97 = arith.constant 0 : i32
    %dma_start3A_98 = tpu.memref_slice %arg4[%dma_start3A_96, %dma_start3A_97] : memref<100000x128xf32, #tpu.memory_space<hbm>> -> memref<100000x128xf32, #tpu.memory_space<hbm>>
    tpu.enqueue_indirect_dma source(%dma_start3A_98 : memref<100000x128xf32, #tpu.memory_space<hbm>>) target(%arg13 : memref<64x128xf32, #tpu.memory_space<vmem>>) offsets(%dma_start3A_95 : memref<64xi32, #tpu.memory_space<vmem>>) semaphore(%arg21 : memref<!tpu.dma_semaphore, #tpu.memory_space<semaphore_mem>>)
    %dma_start3A_99 = arith.constant 128 : i32
    %dma_start3A_100 = tpu.memref_slice %arg12[%dma_start3A_99] : memref<512xi32, #tpu.memory_space<vmem>> -> memref<64xi32, #tpu.memory_space<vmem>>
    %dma_start3A_101 = arith.constant 0 : i32
    %dma_start3A_102 = arith.constant 0 : i32
    %dma_start3A_103 = tpu.memref_slice %arg5[%dma_start3A_101, %dma_start3A_102] : memref<100000x128xf32, #tpu.memory_space<hbm>> -> memref<100000x128xf32, #tpu.memory_space<hbm>>
    tpu.enqueue_indirect_dma source(%dma_start3A_103 : memref<100000x128xf32, #tpu.memory_space<hbm>>) target(%arg14 : memref<64x128xf32, #tpu.memory_space<vmem>>) offsets(%dma_start3A_100 : memref<64xi32, #tpu.memory_space<vmem>>) semaphore(%arg21 : memref<!tpu.dma_semaphore, #tpu.memory_space<semaphore_mem>>)
    %dma_start3A_104 = arith.constant 128 : i32
    %dma_start3A_105 = tpu.memref_slice %arg11[%dma_start3A_104] : memref<512xi32, #tpu.memory_space<vmem>> -> memref<64xi32, #tpu.memory_space<vmem>>
    %dma_start3A_106 = arith.constant 0 : i32
    %dma_start3A_107 = arith.constant 0 : i32
    %dma_start3A_108 = tpu.memref_slice %arg6[%dma_start3A_106, %dma_start3A_107] : memref<100000x128xf32, #tpu.memory_space<hbm>> -> memref<100000x128xf32, #tpu.memory_space<hbm>>
    tpu.enqueue_indirect_dma source(%dma_start3A_108 : memref<100000x128xf32, #tpu.memory_space<hbm>>) target(%arg15 : memref<64x128xf32, #tpu.memory_space<vmem>>) offsets(%dma_start3A_105 : memref<64xi32, #tpu.memory_space<vmem>>) semaphore(%arg23 : memref<!tpu.dma_semaphore, #tpu.memory_space<semaphore_mem>>)
    %dma_start3A_109 = arith.constant 128 : i32
    %dma_start3A_110 = tpu.memref_slice %arg12[%dma_start3A_109] : memref<512xi32, #tpu.memory_space<vmem>> -> memref<64xi32, #tpu.memory_space<vmem>>
    %dma_start3A_111 = arith.constant 0 : i32
    %dma_start3A_112 = arith.constant 0 : i32
    %dma_start3A_113 = tpu.memref_slice %arg7[%dma_start3A_111, %dma_start3A_112] : memref<100000x128xf32, #tpu.memory_space<hbm>> -> memref<100000x128xf32, #tpu.memory_space<hbm>>
    tpu.enqueue_indirect_dma source(%dma_start3A_113 : memref<100000x128xf32, #tpu.memory_space<hbm>>) target(%arg16 : memref<64x128xf32, #tpu.memory_space<vmem>>) offsets(%dma_start3A_110 : memref<64xi32, #tpu.memory_space<vmem>>) semaphore(%arg23 : memref<!tpu.dma_semaphore, #tpu.memory_space<semaphore_mem>>)
    %add3A_114 = arith.constant 64 : i32
    %add3A_115 = arith.addi %mul3A_2, %add3A_114 : i32
    %dma_wait3A_116 = arith.constant 64 : i32
    %dma_wait3A_117 = tpu.memref_slice %arg11[%dma_wait3A_116] : memref<512xi32, #tpu.memory_space<vmem>> -> memref<64xi32, #tpu.memory_space<vmem>>
    %dma_wait3A_118 = arith.constant 0 : i32
    %dma_wait3A_119 = arith.constant 0 : i32
    %dma_wait3A_120 = tpu.memref_slice %arg6[%dma_wait3A_118, %dma_wait3A_119] : memref<100000x128xf32, #tpu.memory_space<hbm>> -> memref<100000x128xf32, #tpu.memory_space<hbm>>
    tpu.wait_indirect_dma semaphore(%arg24 : memref<!tpu.dma_semaphore, #tpu.memory_space<semaphore_mem>>) src(%dma_wait3A_120 : memref<100000x128xf32, #tpu.memory_space<hbm>>) dst(%arg19 : memref<64x128xf32, #tpu.memory_space<vmem>>)
    %dma_wait3A_121 = arith.constant 64 : i32
    %dma_wait3A_122 = tpu.memref_slice %arg12[%dma_wait3A_121] : memref<512xi32, #tpu.memory_space<vmem>> -> memref<64xi32, #tpu.memory_space<vmem>>
    %dma_wait3A_123 = arith.constant 0 : i32
    %dma_wait3A_124 = arith.constant 0 : i32
    %dma_wait3A_125 = tpu.memref_slice %arg7[%dma_wait3A_123, %dma_wait3A_124] : memref<100000x128xf32, #tpu.memory_space<hbm>> -> memref<100000x128xf32, #tpu.memory_space<hbm>>
    tpu.wait_indirect_dma semaphore(%arg24 : memref<!tpu.dma_semaphore, #tpu.memory_space<semaphore_mem>>) src(%dma_wait3A_125 : memref<100000x128xf32, #tpu.memory_space<hbm>>) dst(%arg20 : memref<64x128xf32, #tpu.memory_space<vmem>>)
    %dma_start3A_126 = arith.constant 0 : i32
    %dma_start3A_127 = tpu.memref_slice %arg9[%add3A_115, %dma_start3A_126] : memref<16384x128xf32, #tpu.memory_space<hbm>> -> memref<64x128xf32, #tpu.memory_space<hbm>>
    %dma_start3A_128 = arith.constant 0 : i32
    %dma_start3A_129 = tpu.memref_slice %arg9[%add3A_115, %dma_start3A_128] : memref<16384x128xf32, #tpu.memory_space<hbm>> -> memref<64x128xf32, #tpu.memory_space<hbm>>
    tpu.enqueue_dma source(%arg19 : memref<64x128xf32, #tpu.memory_space<vmem>>) target(%dma_start3A_129 : memref<64x128xf32, #tpu.memory_space<hbm>>) target_semaphore(%arg26 : memref<!tpu.dma_semaphore, #tpu.memory_space<semaphore_mem>>)
    %dma_start3A_130 = arith.constant 0 : i32
    %dma_start3A_131 = tpu.memref_slice %arg10[%add3A_115, %dma_start3A_130] : memref<16384x128xf32, #tpu.memory_space<hbm>> -> memref<64x128xf32, #tpu.memory_space<hbm>>
    %dma_start3A_132 = arith.constant 0 : i32
    %dma_start3A_133 = tpu.memref_slice %arg10[%add3A_115, %dma_start3A_132] : memref<16384x128xf32, #tpu.memory_space<hbm>> -> memref<64x128xf32, #tpu.memory_space<hbm>>
    tpu.enqueue_dma source(%arg20 : memref<64x128xf32, #tpu.memory_space<vmem>>) target(%dma_start3A_133 : memref<64x128xf32, #tpu.memory_space<hbm>>) target_semaphore(%arg26 : memref<!tpu.dma_semaphore, #tpu.memory_space<semaphore_mem>>)
    %dma_wait3A_134 = arith.constant 64 : i32
    %dma_wait3A_135 = tpu.memref_slice %arg11[%dma_wait3A_134] : memref<512xi32, #tpu.memory_space<vmem>> -> memref<64xi32, #tpu.memory_space<vmem>>
    %dma_wait3A_136 = arith.constant 0 : i32
    %dma_wait3A_137 = arith.constant 0 : i32
    %dma_wait3A_138 = tpu.memref_slice %arg4[%dma_wait3A_136, %dma_wait3A_137] : memref<100000x128xf32, #tpu.memory_space<hbm>> -> memref<100000x128xf32, #tpu.memory_space<hbm>>
    tpu.wait_indirect_dma semaphore(%arg22 : memref<!tpu.dma_semaphore, #tpu.memory_space<semaphore_mem>>) src(%dma_wait3A_138 : memref<100000x128xf32, #tpu.memory_space<hbm>>) dst(%arg17 : memref<64x128xf32, #tpu.memory_space<vmem>>)
    %dma_wait3A_139 = arith.constant 64 : i32
    %dma_wait3A_140 = tpu.memref_slice %arg12[%dma_wait3A_139] : memref<512xi32, #tpu.memory_space<vmem>> -> memref<64xi32, #tpu.memory_space<vmem>>
    %dma_wait3A_141 = arith.constant 0 : i32
    %dma_wait3A_142 = arith.constant 0 : i32
    %dma_wait3A_143 = tpu.memref_slice %arg5[%dma_wait3A_141, %dma_wait3A_142] : memref<100000x128xf32, #tpu.memory_space<hbm>> -> memref<100000x128xf32, #tpu.memory_space<hbm>>
    tpu.wait_indirect_dma semaphore(%arg22 : memref<!tpu.dma_semaphore, #tpu.memory_space<semaphore_mem>>) src(%dma_wait3A_143 : memref<100000x128xf32, #tpu.memory_space<hbm>>) dst(%arg18 : memref<64x128xf32, #tpu.memory_space<vmem>>)
    %scan3A_144 = arith.constant 0 : i32
    %scan3A_145 = arith.constant 0 : i32
    %scan3A_146 = arith.constant 64 : i32
    %scan3A_147 = arith.addi %scan3A_145, %scan3A_146 : i32
    %scan3A_148 = arith.constant 1 : i32
    scf.for %scan3A_592 = %scan3A_145 to %scan3A_147 step %scan3A_148  : i32 {
      %get3A = arith.index_cast %scan3A_592 : i32 to index
      %get3A_593 = arith.constant 0 : index
      %get3A_594 = tpu.vector_load %arg17[%get3A, %get3A_593] {strides = array<i32>} : memref<64x128xf32, #tpu.memory_space<vmem>>, vector<1x16xf32>,
      %get3A_595 = vector.shape_cast %get3A_594 : vector<1x16xf32> to vector<16xf32>
      %get3A_596 = arith.index_cast %scan3A_592 : i32 to index
      %get3A_597 = arith.constant 0 : index
      %get3A_598 = tpu.vector_load %arg18[%get3A_596, %get3A_597] {strides = array<i32>} : memref<64x128xf32, #tpu.memory_space<vmem>>, vector<1x16xf32>,
      %get3A_599 = vector.shape_cast %get3A_598 : vector<1x16xf32> to vector<16xf32>
      %mul3A_600 = arith.mulf %get3A_595, %get3A_599 : vector<16xf32>
      %swap3A = arith.index_cast %scan3A_592 : i32 to index
      %swap3A_601 = arith.constant 0 : index
      %swap3A_602 = tpu.vector_load %arg17[%swap3A, %swap3A_601] {strides = array<i32>} : memref<64x128xf32, #tpu.memory_space<vmem>>, vector<1x16xf32>,
      %swap3A_603 = vector.shape_cast %swap3A_602 : vector<1x16xf32> to vector<16xf32>
      %swap3A_604 = vector.shape_cast %mul3A_600 : vector<16xf32> to vector<1x16xf32>
      tpu.vector_store %arg17[%swap3A, %swap3A_601], %swap3A_604 {strides = array<i32>} : memref<64x128xf32, #tpu.memory_space<vmem>>, vector<1x16xf32>,
      %get3A_605 = arith.index_cast %scan3A_592 : i32 to index
      %get3A_606 = arith.constant 16 : index
      %get3A_607 = tpu.vector_load %arg17[%get3A_605, %get3A_606] {strides = array<i32>} : memref<64x128xf32, #tpu.memory_space<vmem>>, vector<1x16xf32>,
      %get3A_608 = vector.shape_cast %get3A_607 : vector<1x16xf32> to vector<16xf32>
      %get3A_609 = arith.index_cast %scan3A_592 : i32 to index
      %get3A_610 = arith.constant 16 : index
      %get3A_611 = tpu.vector_load %arg18[%get3A_609, %get3A_610] {strides = array<i32>} : memref<64x128xf32, #tpu.memory_space<vmem>>, vector<1x16xf32>,
      %get3A_612 = vector.shape_cast %get3A_611 : vector<1x16xf32> to vector<16xf32>
      %mul3A_613 = arith.mulf %get3A_608, %get3A_612 : vector<16xf32>
      %swap3A_614 = arith.index_cast %scan3A_592 : i32 to index
      %swap3A_615 = arith.constant 16 : index
      %swap3A_616 = tpu.vector_load %arg17[%swap3A_614, %swap3A_615] {strides = array<i32>} : memref<64x128xf32, #tpu.memory_space<vmem>>, vector<1x16xf32>,
      %swap3A_617 = vector.shape_cast %swap3A_616 : vector<1x16xf32> to vector<16xf32>
      %swap3A_618 = vector.shape_cast %mul3A_613 : vector<16xf32> to vector<1x16xf32>
      tpu.vector_store %arg17[%swap3A_614, %swap3A_615], %swap3A_618 {strides = array<i32>} : memref<64x128xf32, #tpu.memory_space<vmem>>, vector<1x16xf32>,
      %get3A_619 = arith.index_cast %scan3A_592 : i32 to index
      %get3A_620 = arith.constant 32 : index
      %get3A_621 = tpu.vector_load %arg17[%get3A_619, %get3A_620] {strides = array<i32>} : memref<64x128xf32, #tpu.memory_space<vmem>>, vector<1x16xf32>,
      %get3A_622 = vector.shape_cast %get3A_621 : vector<1x16xf32> to vector<16xf32>
      %get3A_623 = arith.index_cast %scan3A_592 : i32 to index
      %get3A_624 = arith.constant 32 : index
      %get3A_625 = tpu.vector_load %arg18[%get3A_623, %get3A_624] {strides = array<i32>} : memref<64x128xf32, #tpu.memory_space<vmem>>, vector<1x16xf32>,
      %get3A_626 = vector.shape_cast %get3A_625 : vector<1x16xf32> to vector<16xf32>
      %mul3A_627 = arith.mulf %get3A_622, %get3A_626 : vector<16xf32>
      %swap3A_628 = arith.index_cast %scan3A_592 : i32 to index
      %swap3A_629 = arith.constant 32 : index
      %swap3A_630 = tpu.vector_load %arg17[%swap3A_628, %swap3A_629] {strides = array<i32>} : memref<64x128xf32, #tpu.memory_space<vmem>>, vector<1x16xf32>,
      %swap3A_631 = vector.shape_cast %swap3A_630 : vector<1x16xf32> to vector<16xf32>
      %swap3A_632 = vector.shape_cast %mul3A_627 : vector<16xf32> to vector<1x16xf32>
      tpu.vector_store %arg17[%swap3A_628, %swap3A_629], %swap3A_632 {strides = array<i32>} : memref<64x128xf32, #tpu.memory_space<vmem>>, vector<1x16xf32>,
      %get3A_633 = arith.index_cast %scan3A_592 : i32 to index
      %get3A_634 = arith.constant 48 : index
      %get3A_635 = tpu.vector_load %arg17[%get3A_633, %get3A_634] {strides = array<i32>} : memref<64x128xf32, #tpu.memory_space<vmem>>, vector<1x16xf32>,
      %get3A_636 = vector.shape_cast %get3A_635 : vector<1x16xf32> to vector<16xf32>
      %get3A_637 = arith.index_cast %scan3A_592 : i32 to index
      %get3A_638 = arith.constant 48 : index
      %get3A_639 = tpu.vector_load %arg18[%get3A_637, %get3A_638] {strides = array<i32>} : memref<64x128xf32, #tpu.memory_space<vmem>>, vector<1x16xf32>,
      %get3A_640 = vector.shape_cast %get3A_639 : vector<1x16xf32> to vector<16xf32>
      %mul3A_641 = arith.mulf %get3A_636, %get3A_640 : vector<16xf32>
      %swap3A_642 = arith.index_cast %scan3A_592 : i32 to index
      %swap3A_643 = arith.constant 48 : index
      %swap3A_644 = tpu.vector_load %arg17[%swap3A_642, %swap3A_643] {strides = array<i32>} : memref<64x128xf32, #tpu.memory_space<vmem>>, vector<1x16xf32>,
      %swap3A_645 = vector.shape_cast %swap3A_644 : vector<1x16xf32> to vector<16xf32>
      %swap3A_646 = vector.shape_cast %mul3A_641 : vector<16xf32> to vector<1x16xf32>
      tpu.vector_store %arg17[%swap3A_642, %swap3A_643], %swap3A_646 {strides = array<i32>} : memref<64x128xf32, #tpu.memory_space<vmem>>, vector<1x16xf32>,
      %get3A_647 = arith.index_cast %scan3A_592 : i32 to index
      %get3A_648 = arith.constant 64 : index
      %get3A_649 = tpu.vector_load %arg17[%get3A_647, %get3A_648] {strides = array<i32>} : memref<64x128xf32, #tpu.memory_space<vmem>>, vector<1x16xf32>,
      %get3A_650 = vector.shape_cast %get3A_649 : vector<1x16xf32> to vector<16xf32>
      %get3A_651 = arith.index_cast %scan3A_592 : i32 to index
      %get3A_652 = arith.constant 64 : index
      %get3A_653 = tpu.vector_load %arg18[%get3A_651, %get3A_652] {strides = array<i32>} : memref<64x128xf32, #tpu.memory_space<vmem>>, vector<1x16xf32>,
      %get3A_654 = vector.shape_cast %get3A_653 : vector<1x16xf32> to vector<16xf32>
      %mul3A_655 = arith.mulf %get3A_650, %get3A_654 : vector<16xf32>
      %swap3A_656 = arith.index_cast %scan3A_592 : i32 to index
      %swap3A_657 = arith.constant 64 : index
      %swap3A_658 = tpu.vector_load %arg17[%swap3A_656, %swap3A_657] {strides = array<i32>} : memref<64x128xf32, #tpu.memory_space<vmem>>, vector<1x16xf32>,
      %swap3A_659 = vector.shape_cast %swap3A_658 : vector<1x16xf32> to vector<16xf32>
      %swap3A_660 = vector.shape_cast %mul3A_655 : vector<16xf32> to vector<1x16xf32>
      tpu.vector_store %arg17[%swap3A_656, %swap3A_657], %swap3A_660 {strides = array<i32>} : memref<64x128xf32, #tpu.memory_space<vmem>>, vector<1x16xf32>,
      %get3A_661 = arith.index_cast %scan3A_592 : i32 to index
      %get3A_662 = arith.constant 80 : index
      %get3A_663 = tpu.vector_load %arg17[%get3A_661, %get3A_662] {strides = array<i32>} : memref<64x128xf32, #tpu.memory_space<vmem>>, vector<1x16xf32>,
      %get3A_664 = vector.shape_cast %get3A_663 : vector<1x16xf32> to vector<16xf32>
      %get3A_665 = arith.index_cast %scan3A_592 : i32 to index
      %get3A_666 = arith.constant 80 : index
      %get3A_667 = tpu.vector_load %arg18[%get3A_665, %get3A_666] {strides = array<i32>} : memref<64x128xf32, #tpu.memory_space<vmem>>, vector<1x16xf32>,
      %get3A_668 = vector.shape_cast %get3A_667 : vector<1x16xf32> to vector<16xf32>
      %mul3A_669 = arith.mulf %get3A_664, %get3A_668 : vector<16xf32>
      %swap3A_670 = arith.index_cast %scan3A_592 : i32 to index
      %swap3A_671 = arith.constant 80 : index
      %swap3A_672 = tpu.vector_load %arg17[%swap3A_670, %swap3A_671] {strides = array<i32>} : memref<64x128xf32, #tpu.memory_space<vmem>>, vector<1x16xf32>,
      %swap3A_673 = vector.shape_cast %swap3A_672 : vector<1x16xf32> to vector<16xf32>
      %swap3A_674 = vector.shape_cast %mul3A_669 : vector<16xf32> to vector<1x16xf32>
      tpu.vector_store %arg17[%swap3A_670, %swap3A_671], %swap3A_674 {strides = array<i32>} : memref<64x128xf32, #tpu.memory_space<vmem>>, vector<1x16xf32>,
      %get3A_675 = arith.index_cast %scan3A_592 : i32 to index
      %get3A_676 = arith.constant 96 : index
      %get3A_677 = tpu.vector_load %arg17[%get3A_675, %get3A_676] {strides = array<i32>} : memref<64x128xf32, #tpu.memory_space<vmem>>, vector<1x16xf32>,
      %get3A_678 = vector.shape_cast %get3A_677 : vector<1x16xf32> to vector<16xf32>
      %get3A_679 = arith.index_cast %scan3A_592 : i32 to index
      %get3A_680 = arith.constant 96 : index
      %get3A_681 = tpu.vector_load %arg18[%get3A_679, %get3A_680] {strides = array<i32>} : memref<64x128xf32, #tpu.memory_space<vmem>>, vector<1x16xf32>,
      %get3A_682 = vector.shape_cast %get3A_681 : vector<1x16xf32> to vector<16xf32>
      %mul3A_683 = arith.mulf %get3A_678, %get3A_682 : vector<16xf32>
      %swap3A_684 = arith.index_cast %scan3A_592 : i32 to index
      %swap3A_685 = arith.constant 96 : index
      %swap3A_686 = tpu.vector_load %arg17[%swap3A_684, %swap3A_685] {strides = array<i32>} : memref<64x128xf32, #tpu.memory_space<vmem>>, vector<1x16xf32>,
      %swap3A_687 = vector.shape_cast %swap3A_686 : vector<1x16xf32> to vector<16xf32>
      %swap3A_688 = vector.shape_cast %mul3A_683 : vector<16xf32> to vector<1x16xf32>
      tpu.vector_store %arg17[%swap3A_684, %swap3A_685], %swap3A_688 {strides = array<i32>} : memref<64x128xf32, #tpu.memory_space<vmem>>, vector<1x16xf32>,
      %get3A_689 = arith.index_cast %scan3A_592 : i32 to index
      %get3A_690 = arith.constant 112 : index
      %get3A_691 = tpu.vector_load %arg17[%get3A_689, %get3A_690] {strides = array<i32>} : memref<64x128xf32, #tpu.memory_space<vmem>>, vector<1x16xf32>,
      %get3A_692 = vector.shape_cast %get3A_691 : vector<1x16xf32> to vector<16xf32>
      %get3A_693 = arith.index_cast %scan3A_592 : i32 to index
      %get3A_694 = arith.constant 112 : index
      %get3A_695 = tpu.vector_load %arg18[%get3A_693, %get3A_694] {strides = array<i32>} : memref<64x128xf32, #tpu.memory_space<vmem>>, vector<1x16xf32>,
      %get3A_696 = vector.shape_cast %get3A_695 : vector<1x16xf32> to vector<16xf32>
      %mul3A_697 = arith.mulf %get3A_692, %get3A_696 : vector<16xf32>
      %swap3A_698 = arith.index_cast %scan3A_592 : i32 to index
      %swap3A_699 = arith.constant 112 : index
      %swap3A_700 = tpu.vector_load %arg17[%swap3A_698, %swap3A_699] {strides = array<i32>} : memref<64x128xf32, #tpu.memory_space<vmem>>, vector<1x16xf32>,
      %swap3A_701 = vector.shape_cast %swap3A_700 : vector<1x16xf32> to vector<16xf32>
      %swap3A_702 = vector.shape_cast %mul3A_697 : vector<16xf32> to vector<1x16xf32>
      tpu.vector_store %arg17[%swap3A_698, %swap3A_699], %swap3A_702 {strides = array<i32>} : memref<64x128xf32, #tpu.memory_space<vmem>>, vector<1x16xf32>,
    }
    %scan3A_149 = arith.constant 64 : i32
    %dma_start3A_150 = arith.constant 0 : i32
    %dma_start3A_151 = tpu.memref_slice %arg8[%add3A_115, %dma_start3A_150] : memref<16384x128xf32, #tpu.memory_space<hbm>> -> memref<64x128xf32, #tpu.memory_space<hbm>>
    %dma_start3A_152 = arith.constant 0 : i32
    %dma_start3A_153 = tpu.memref_slice %arg8[%add3A_115, %dma_start3A_152] : memref<16384x128xf32, #tpu.memory_space<hbm>> -> memref<64x128xf32, #tpu.memory_space<hbm>>
    tpu.enqueue_dma source(%arg17 : memref<64x128xf32, #tpu.memory_space<vmem>>) target(%dma_start3A_153 : memref<64x128xf32, #tpu.memory_space<hbm>>) target_semaphore(%arg26 : memref<!tpu.dma_semaphore, #tpu.memory_space<semaphore_mem>>)
    %add3A_154 = arith.constant 64 : i32
    %add3A_155 = arith.addi %mul3A_2, %add3A_154 : i32
    %dma_wait3A_156 = arith.constant 0 : i32
    %dma_wait3A_157 = tpu.memref_slice %arg8[%add3A_155, %dma_wait3A_156] : memref<16384x128xf32, #tpu.memory_space<hbm>> -> memref<64x128xf32, #tpu.memory_space<hbm>>
    %dma_wait3A_158 = arith.constant 0 : i32
    %dma_wait3A_159 = tpu.memref_slice %arg8[%add3A_155, %dma_wait3A_158] : memref<16384x128xf32, #tpu.memory_space<hbm>> -> memref<64x128xf32, #tpu.memory_space<hbm>>
    tpu.wait_dma2 semaphore(%arg26 : memref<!tpu.dma_semaphore, #tpu.memory_space<semaphore_mem>>) src(%arg17 : memref<64x128xf32, #tpu.memory_space<vmem>>) dst(%dma_wait3A_159 : memref<64x128xf32, #tpu.memory_space<hbm>>)
    %dma_wait3A_160 = arith.constant 0 : i32
    %dma_wait3A_161 = tpu.memref_slice %arg9[%add3A_155, %dma_wait3A_160] : memref<16384x128xf32, #tpu.memory_space<hbm>> -> memref<64x128xf32, #tpu.memory_space<hbm>>
    %dma_wait3A_162 = arith.constant 0 : i32
    %dma_wait3A_163 = tpu.memref_slice %arg9[%add3A_155, %dma_wait3A_162] : memref<16384x128xf32, #tpu.memory_space<hbm>> -> memref<64x128xf32, #tpu.memory_space<hbm>>
    tpu.wait_dma2 semaphore(%arg26 : memref<!tpu.dma_semaphore, #tpu.memory_space<semaphore_mem>>) src(%arg19 : memref<64x128xf32, #tpu.memory_space<vmem>>) dst(%dma_wait3A_163 : memref<64x128xf32, #tpu.memory_space<hbm>>)
    %dma_wait3A_164 = arith.constant 0 : i32
    %dma_wait3A_165 = tpu.memref_slice %arg10[%add3A_155, %dma_wait3A_164] : memref<16384x128xf32, #tpu.memory_space<hbm>> -> memref<64x128xf32, #tpu.memory_space<hbm>>
    %dma_wait3A_166 = arith.constant 0 : i32
    %dma_wait3A_167 = tpu.memref_slice %arg10[%add3A_155, %dma_wait3A_166] : memref<16384x128xf32, #tpu.memory_space<hbm>> -> memref<64x128xf32, #tpu.memory_space<hbm>>
    tpu.wait_dma2 semaphore(%arg26 : memref<!tpu.dma_semaphore, #tpu.memory_space<semaphore_mem>>) src(%arg20 : memref<64x128xf32, #tpu.memory_space<vmem>>) dst(%dma_wait3A_167 : memref<64x128xf32, #tpu.memory_space<hbm>>)
    %dma_start3A_168 = arith.constant 192 : i32
    %dma_start3A_169 = tpu.memref_slice %arg11[%dma_start3A_168] : memref<512xi32, #tpu.memory_space<vmem>> -> memref<64xi32, #tpu.memory_space<vmem>>
    %dma_start3A_170 = arith.constant 0 : i32
    %dma_start3A_171 = arith.constant 0 : i32
    %dma_start3A_172 = tpu.memref_slice %arg4[%dma_start3A_170, %dma_start3A_171] : memref<100000x128xf32, #tpu.memory_space<hbm>> -> memref<100000x128xf32, #tpu.memory_space<hbm>>
    tpu.enqueue_indirect_dma source(%dma_start3A_172 : memref<100000x128xf32, #tpu.memory_space<hbm>>) target(%arg17 : memref<64x128xf32, #tpu.memory_space<vmem>>) offsets(%dma_start3A_169 : memref<64xi32, #tpu.memory_space<vmem>>) semaphore(%arg22 : memref<!tpu.dma_semaphore, #tpu.memory_space<semaphore_mem>>)
    %dma_start3A_173 = arith.constant 192 : i32
    %dma_start3A_174 = tpu.memref_slice %arg12[%dma_start3A_173] : memref<512xi32, #tpu.memory_space<vmem>> -> memref<64xi32, #tpu.memory_space<vmem>>
    %dma_start3A_175 = arith.constant 0 : i32
    %dma_start3A_176 = arith.constant 0 : i32
    %dma_start3A_177 = tpu.memref_slice %arg5[%dma_start3A_175, %dma_start3A_176] : memref<100000x128xf32, #tpu.memory_space<hbm>> -> memref<100000x128xf32, #tpu.memory_space<hbm>>
    tpu.enqueue_indirect_dma source(%dma_start3A_177 : memref<100000x128xf32, #tpu.memory_space<hbm>>) target(%arg18 : memref<64x128xf32, #tpu.memory_space<vmem>>) offsets(%dma_start3A_174 : memref<64xi32, #tpu.memory_space<vmem>>) semaphore(%arg22 : memref<!tpu.dma_semaphore, #tpu.memory_space<semaphore_mem>>)
    %dma_start3A_178 = arith.constant 192 : i32
    %dma_start3A_179 = tpu.memref_slice %arg11[%dma_start3A_178] : memref<512xi32, #tpu.memory_space<vmem>> -> memref<64xi32, #tpu.memory_space<vmem>>
    %dma_start3A_180 = arith.constant 0 : i32
    %dma_start3A_181 = arith.constant 0 : i32
    %dma_start3A_182 = tpu.memref_slice %arg6[%dma_start3A_180, %dma_start3A_181] : memref<100000x128xf32, #tpu.memory_space<hbm>> -> memref<100000x128xf32, #tpu.memory_space<hbm>>
    tpu.enqueue_indirect_dma source(%dma_start3A_182 : memref<100000x128xf32, #tpu.memory_space<hbm>>) target(%arg19 : memref<64x128xf32, #tpu.memory_space<vmem>>) offsets(%dma_start3A_179 : memref<64xi32, #tpu.memory_space<vmem>>) semaphore(%arg24 : memref<!tpu.dma_semaphore, #tpu.memory_space<semaphore_mem>>)
    %dma_start3A_183 = arith.constant 192 : i32
    %dma_start3A_184 = tpu.memref_slice %arg12[%dma_start3A_183] : memref<512xi32, #tpu.memory_space<vmem>> -> memref<64xi32, #tpu.memory_space<vmem>>
    %dma_start3A_185 = arith.constant 0 : i32
    %dma_start3A_186 = arith.constant 0 : i32
    %dma_start3A_187 = tpu.memref_slice %arg7[%dma_start3A_185, %dma_start3A_186] : memref<100000x128xf32, #tpu.memory_space<hbm>> -> memref<100000x128xf32, #tpu.memory_space<hbm>>
    tpu.enqueue_indirect_dma source(%dma_start3A_187 : memref<100000x128xf32, #tpu.memory_space<hbm>>) target(%arg20 : memref<64x128xf32, #tpu.memory_space<vmem>>) offsets(%dma_start3A_184 : memref<64xi32, #tpu.memory_space<vmem>>) semaphore(%arg24 : memref<!tpu.dma_semaphore, #tpu.memory_space<semaphore_mem>>)
    %add3A_188 = arith.constant 128 : i32
    %add3A_189 = arith.addi %mul3A_2, %add3A_188 : i32
    %dma_wait3A_190 = arith.constant 128 : i32
    %dma_wait3A_191 = tpu.memref_slice %arg11[%dma_wait3A_190] : memref<512xi32, #tpu.memory_space<vmem>> -> memref<64xi32, #tpu.memory_space<vmem>>
    %dma_wait3A_192 = arith.constant 0 : i32
    %dma_wait3A_193 = arith.constant 0 : i32
    %dma_wait3A_194 = tpu.memref_slice %arg6[%dma_wait3A_192, %dma_wait3A_193] : memref<100000x128xf32, #tpu.memory_space<hbm>> -> memref<100000x128xf32, #tpu.memory_space<hbm>>
    tpu.wait_indirect_dma semaphore(%arg23 : memref<!tpu.dma_semaphore, #tpu.memory_space<semaphore_mem>>) src(%dma_wait3A_194 : memref<100000x128xf32, #tpu.memory_space<hbm>>) dst(%arg15 : memref<64x128xf32, #tpu.memory_space<vmem>>)
    %dma_wait3A_195 = arith.constant 128 : i32
    %dma_wait3A_196 = tpu.memref_slice %arg12[%dma_wait3A_195] : memref<512xi32, #tpu.memory_space<vmem>> -> memref<64xi32, #tpu.memory_space<vmem>>
    %dma_wait3A_197 = arith.constant 0 : i32
    %dma_wait3A_198 = arith.constant 0 : i32
    %dma_wait3A_199 = tpu.memref_slice %arg7[%dma_wait3A_197, %dma_wait3A_198] : memref<100000x128xf32, #tpu.memory_space<hbm>> -> memref<100000x128xf32, #tpu.memory_space<hbm>>
    tpu.wait_indirect_dma semaphore(%arg23 : memref<!tpu.dma_semaphore, #tpu.memory_space<semaphore_mem>>) src(%dma_wait3A_199 : memref<100000x128xf32, #tpu.memory_space<hbm>>) dst(%arg16 : memref<64x128xf32, #tpu.memory_space<vmem>>)
    %dma_start3A_200 = arith.constant 0 : i32
    %dma_start3A_201 = tpu.memref_slice %arg9[%add3A_189, %dma_start3A_200] : memref<16384x128xf32, #tpu.memory_space<hbm>> -> memref<64x128xf32, #tpu.memory_space<hbm>>
    %dma_start3A_202 = arith.constant 0 : i32
    %dma_start3A_203 = tpu.memref_slice %arg9[%add3A_189, %dma_start3A_202] : memref<16384x128xf32, #tpu.memory_space<hbm>> -> memref<64x128xf32, #tpu.memory_space<hbm>>
    tpu.enqueue_dma source(%arg15 : memref<64x128xf32, #tpu.memory_space<vmem>>) target(%dma_start3A_203 : memref<64x128xf32, #tpu.memory_space<hbm>>) target_semaphore(%arg25 : memref<!tpu.dma_semaphore, #tpu.memory_space<semaphore_mem>>)
    %dma_start3A_204 = arith.constant 0 : i32
    %dma_start3A_205 = tpu.memref_slice %arg10[%add3A_189, %dma_start3A_204] : memref<16384x128xf32, #tpu.memory_space<hbm>> -> memref<64x128xf32, #tpu.memory_space<hbm>>
    %dma_start3A_206 = arith.constant 0 : i32
    %dma_start3A_207 = tpu.memref_slice %arg10[%add3A_189, %dma_start3A_206] : memref<16384x128xf32, #tpu.memory_space<hbm>> -> memref<64x128xf32, #tpu.memory_space<hbm>>
    tpu.enqueue_dma source(%arg16 : memref<64x128xf32, #tpu.memory_space<vmem>>) target(%dma_start3A_207 : memref<64x128xf32, #tpu.memory_space<hbm>>) target_semaphore(%arg25 : memref<!tpu.dma_semaphore, #tpu.memory_space<semaphore_mem>>)
    %dma_wait3A_208 = arith.constant 128 : i32
    %dma_wait3A_209 = tpu.memref_slice %arg11[%dma_wait3A_208] : memref<512xi32, #tpu.memory_space<vmem>> -> memref<64xi32, #tpu.memory_space<vmem>>
    %dma_wait3A_210 = arith.constant 0 : i32
    %dma_wait3A_211 = arith.constant 0 : i32
    %dma_wait3A_212 = tpu.memref_slice %arg4[%dma_wait3A_210, %dma_wait3A_211] : memref<100000x128xf32, #tpu.memory_space<hbm>> -> memref<100000x128xf32, #tpu.memory_space<hbm>>
    tpu.wait_indirect_dma semaphore(%arg21 : memref<!tpu.dma_semaphore, #tpu.memory_space<semaphore_mem>>) src(%dma_wait3A_212 : memref<100000x128xf32, #tpu.memory_space<hbm>>) dst(%arg13 : memref<64x128xf32, #tpu.memory_space<vmem>>)
    %dma_wait3A_213 = arith.constant 128 : i32
    %dma_wait3A_214 = tpu.memref_slice %arg12[%dma_wait3A_213] : memref<512xi32, #tpu.memory_space<vmem>> -> memref<64xi32, #tpu.memory_space<vmem>>
    %dma_wait3A_215 = arith.constant 0 : i32
    %dma_wait3A_216 = arith.constant 0 : i32
    %dma_wait3A_217 = tpu.memref_slice %arg5[%dma_wait3A_215, %dma_wait3A_216] : memref<100000x128xf32, #tpu.memory_space<hbm>> -> memref<100000x128xf32, #tpu.memory_space<hbm>>
    tpu.wait_indirect_dma semaphore(%arg21 : memref<!tpu.dma_semaphore, #tpu.memory_space<semaphore_mem>>) src(%dma_wait3A_217 : memref<100000x128xf32, #tpu.memory_space<hbm>>) dst(%arg14 : memref<64x128xf32, #tpu.memory_space<vmem>>)
    %scan3A_218 = arith.constant 0 : i32
    %scan3A_219 = arith.constant 0 : i32
    %scan3A_220 = arith.constant 64 : i32
    %scan3A_221 = arith.addi %scan3A_219, %scan3A_220 : i32
    %scan3A_222 = arith.constant 1 : i32
    scf.for %scan3A_592 = %scan3A_219 to %scan3A_221 step %scan3A_222  : i32 {
      %get3A = arith.index_cast %scan3A_592 : i32 to index
      %get3A_593 = arith.constant 0 : index
      %get3A_594 = tpu.vector_load %arg13[%get3A, %get3A_593] {strides = array<i32>} : memref<64x128xf32, #tpu.memory_space<vmem>>, vector<1x16xf32>,
      %get3A_595 = vector.shape_cast %get3A_594 : vector<1x16xf32> to vector<16xf32>
      %get3A_596 = arith.index_cast %scan3A_592 : i32 to index
      %get3A_597 = arith.constant 0 : index
      %get3A_598 = tpu.vector_load %arg14[%get3A_596, %get3A_597] {strides = array<i32>} : memref<64x128xf32, #tpu.memory_space<vmem>>, vector<1x16xf32>,
      %get3A_599 = vector.shape_cast %get3A_598 : vector<1x16xf32> to vector<16xf32>
      %mul3A_600 = arith.mulf %get3A_595, %get3A_599 : vector<16xf32>
      %swap3A = arith.index_cast %scan3A_592 : i32 to index
      %swap3A_601 = arith.constant 0 : index
      %swap3A_602 = tpu.vector_load %arg13[%swap3A, %swap3A_601] {strides = array<i32>} : memref<64x128xf32, #tpu.memory_space<vmem>>, vector<1x16xf32>,
      %swap3A_603 = vector.shape_cast %swap3A_602 : vector<1x16xf32> to vector<16xf32>
      %swap3A_604 = vector.shape_cast %mul3A_600 : vector<16xf32> to vector<1x16xf32>
      tpu.vector_store %arg13[%swap3A, %swap3A_601], %swap3A_604 {strides = array<i32>} : memref<64x128xf32, #tpu.memory_space<vmem>>, vector<1x16xf32>,
      %get3A_605 = arith.index_cast %scan3A_592 : i32 to index
      %get3A_606 = arith.constant 16 : index
      %get3A_607 = tpu.vector_load %arg13[%get3A_605, %get3A_606] {strides = array<i32>} : memref<64x128xf32, #tpu.memory_space<vmem>>, vector<1x16xf32>,
      %get3A_608 = vector.shape_cast %get3A_607 : vector<1x16xf32> to vector<16xf32>
      %get3A_609 = arith.index_cast %scan3A_592 : i32 to index
      %get3A_610 = arith.constant 16 : index
      %get3A_611 = tpu.vector_load %arg14[%get3A_609, %get3A_610] {strides = array<i32>} : memref<64x128xf32, #tpu.memory_space<vmem>>, vector<1x16xf32>,
      %get3A_612 = vector.shape_cast %get3A_611 : vector<1x16xf32> to vector<16xf32>
      %mul3A_613 = arith.mulf %get3A_608, %get3A_612 : vector<16xf32>
      %swap3A_614 = arith.index_cast %scan3A_592 : i32 to index
      %swap3A_615 = arith.constant 16 : index
      %swap3A_616 = tpu.vector_load %arg13[%swap3A_614, %swap3A_615] {strides = array<i32>} : memref<64x128xf32, #tpu.memory_space<vmem>>, vector<1x16xf32>,
      %swap3A_617 = vector.shape_cast %swap3A_616 : vector<1x16xf32> to vector<16xf32>
      %swap3A_618 = vector.shape_cast %mul3A_613 : vector<16xf32> to vector<1x16xf32>
      tpu.vector_store %arg13[%swap3A_614, %swap3A_615], %swap3A_618 {strides = array<i32>} : memref<64x128xf32, #tpu.memory_space<vmem>>, vector<1x16xf32>,
      %get3A_619 = arith.index_cast %scan3A_592 : i32 to index
      %get3A_620 = arith.constant 32 : index
      %get3A_621 = tpu.vector_load %arg13[%get3A_619, %get3A_620] {strides = array<i32>} : memref<64x128xf32, #tpu.memory_space<vmem>>, vector<1x16xf32>,
      %get3A_622 = vector.shape_cast %get3A_621 : vector<1x16xf32> to vector<16xf32>
      %get3A_623 = arith.index_cast %scan3A_592 : i32 to index
      %get3A_624 = arith.constant 32 : index
      %get3A_625 = tpu.vector_load %arg14[%get3A_623, %get3A_624] {strides = array<i32>} : memref<64x128xf32, #tpu.memory_space<vmem>>, vector<1x16xf32>,
      %get3A_626 = vector.shape_cast %get3A_625 : vector<1x16xf32> to vector<16xf32>
      %mul3A_627 = arith.mulf %get3A_622, %get3A_626 : vector<16xf32>
      %swap3A_628 = arith.index_cast %scan3A_592 : i32 to index
      %swap3A_629 = arith.constant 32 : index
      %swap3A_630 = tpu.vector_load %arg13[%swap3A_628, %swap3A_629] {strides = array<i32>} : memref<64x128xf32, #tpu.memory_space<vmem>>, vector<1x16xf32>,
      %swap3A_631 = vector.shape_cast %swap3A_630 : vector<1x16xf32> to vector<16xf32>
      %swap3A_632 = vector.shape_cast %mul3A_627 : vector<16xf32> to vector<1x16xf32>
      tpu.vector_store %arg13[%swap3A_628, %swap3A_629], %swap3A_632 {strides = array<i32>} : memref<64x128xf32, #tpu.memory_space<vmem>>, vector<1x16xf32>,
      %get3A_633 = arith.index_cast %scan3A_592 : i32 to index
      %get3A_634 = arith.constant 48 : index
      %get3A_635 = tpu.vector_load %arg13[%get3A_633, %get3A_634] {strides = array<i32>} : memref<64x128xf32, #tpu.memory_space<vmem>>, vector<1x16xf32>,
      %get3A_636 = vector.shape_cast %get3A_635 : vector<1x16xf32> to vector<16xf32>
      %get3A_637 = arith.index_cast %scan3A_592 : i32 to index
      %get3A_638 = arith.constant 48 : index
      %get3A_639 = tpu.vector_load %arg14[%get3A_637, %get3A_638] {strides = array<i32>} : memref<64x128xf32, #tpu.memory_space<vmem>>, vector<1x16xf32>,
      %get3A_640 = vector.shape_cast %get3A_639 : vector<1x16xf32> to vector<16xf32>
      %mul3A_641 = arith.mulf %get3A_636, %get3A_640 : vector<16xf32>
      %swap3A_642 = arith.index_cast %scan3A_592 : i32 to index
      %swap3A_643 = arith.constant 48 : index
      %swap3A_644 = tpu.vector_load %arg13[%swap3A_642, %swap3A_643] {strides = array<i32>} : memref<64x128xf32, #tpu.memory_space<vmem>>, vector<1x16xf32>,
      %swap3A_645 = vector.shape_cast %swap3A_644 : vector<1x16xf32> to vector<16xf32>
      %swap3A_646 = vector.shape_cast %mul3A_641 : vector<16xf32> to vector<1x16xf32>
      tpu.vector_store %arg13[%swap3A_642, %swap3A_643], %swap3A_646 {strides = array<i32>} : memref<64x128xf32, #tpu.memory_space<vmem>>, vector<1x16xf32>,
      %get3A_647 = arith.index_cast %scan3A_592 : i32 to index
      %get3A_648 = arith.constant 64 : index
      %get3A_649 = tpu.vector_load %arg13[%get3A_647, %get3A_648] {strides = array<i32>} : memref<64x128xf32, #tpu.memory_space<vmem>>, vector<1x16xf32>,
      %get3A_650 = vector.shape_cast %get3A_649 : vector<1x16xf32> to vector<16xf32>
      %get3A_651 = arith.index_cast %scan3A_592 : i32 to index
      %get3A_652 = arith.constant 64 : index
      %get3A_653 = tpu.vector_load %arg14[%get3A_651, %get3A_652] {strides = array<i32>} : memref<64x128xf32, #tpu.memory_space<vmem>>, vector<1x16xf32>,
      %get3A_654 = vector.shape_cast %get3A_653 : vector<1x16xf32> to vector<16xf32>
      %mul3A_655 = arith.mulf %get3A_650, %get3A_654 : vector<16xf32>
      %swap3A_656 = arith.index_cast %scan3A_592 : i32 to index
      %swap3A_657 = arith.constant 64 : index
      %swap3A_658 = tpu.vector_load %arg13[%swap3A_656, %swap3A_657] {strides = array<i32>} : memref<64x128xf32, #tpu.memory_space<vmem>>, vector<1x16xf32>,
      %swap3A_659 = vector.shape_cast %swap3A_658 : vector<1x16xf32> to vector<16xf32>
      %swap3A_660 = vector.shape_cast %mul3A_655 : vector<16xf32> to vector<1x16xf32>
      tpu.vector_store %arg13[%swap3A_656, %swap3A_657], %swap3A_660 {strides = array<i32>} : memref<64x128xf32, #tpu.memory_space<vmem>>, vector<1x16xf32>,
      %get3A_661 = arith.index_cast %scan3A_592 : i32 to index
      %get3A_662 = arith.constant 80 : index
      %get3A_663 = tpu.vector_load %arg13[%get3A_661, %get3A_662] {strides = array<i32>} : memref<64x128xf32, #tpu.memory_space<vmem>>, vector<1x16xf32>,
      %get3A_664 = vector.shape_cast %get3A_663 : vector<1x16xf32> to vector<16xf32>
      %get3A_665 = arith.index_cast %scan3A_592 : i32 to index
      %get3A_666 = arith.constant 80 : index
      %get3A_667 = tpu.vector_load %arg14[%get3A_665, %get3A_666] {strides = array<i32>} : memref<64x128xf32, #tpu.memory_space<vmem>>, vector<1x16xf32>,
      %get3A_668 = vector.shape_cast %get3A_667 : vector<1x16xf32> to vector<16xf32>
      %mul3A_669 = arith.mulf %get3A_664, %get3A_668 : vector<16xf32>
      %swap3A_670 = arith.index_cast %scan3A_592 : i32 to index
      %swap3A_671 = arith.constant 80 : index
      %swap3A_672 = tpu.vector_load %arg13[%swap3A_670, %swap3A_671] {strides = array<i32>} : memref<64x128xf32, #tpu.memory_space<vmem>>, vector<1x16xf32>,
      %swap3A_673 = vector.shape_cast %swap3A_672 : vector<1x16xf32> to vector<16xf32>
      %swap3A_674 = vector.shape_cast %mul3A_669 : vector<16xf32> to vector<1x16xf32>
      tpu.vector_store %arg13[%swap3A_670, %swap3A_671], %swap3A_674 {strides = array<i32>} : memref<64x128xf32, #tpu.memory_space<vmem>>, vector<1x16xf32>,
      %get3A_675 = arith.index_cast %scan3A_592 : i32 to index
      %get3A_676 = arith.constant 96 : index
      %get3A_677 = tpu.vector_load %arg13[%get3A_675, %get3A_676] {strides = array<i32>} : memref<64x128xf32, #tpu.memory_space<vmem>>, vector<1x16xf32>,
      %get3A_678 = vector.shape_cast %get3A_677 : vector<1x16xf32> to vector<16xf32>
      %get3A_679 = arith.index_cast %scan3A_592 : i32 to index
      %get3A_680 = arith.constant 96 : index
      %get3A_681 = tpu.vector_load %arg14[%get3A_679, %get3A_680] {strides = array<i32>} : memref<64x128xf32, #tpu.memory_space<vmem>>, vector<1x16xf32>,
      %get3A_682 = vector.shape_cast %get3A_681 : vector<1x16xf32> to vector<16xf32>
      %mul3A_683 = arith.mulf %get3A_678, %get3A_682 : vector<16xf32>
      %swap3A_684 = arith.index_cast %scan3A_592 : i32 to index
      %swap3A_685 = arith.constant 96 : index
      %swap3A_686 = tpu.vector_load %arg13[%swap3A_684, %swap3A_685] {strides = array<i32>} : memref<64x128xf32, #tpu.memory_space<vmem>>, vector<1x16xf32>,
      %swap3A_687 = vector.shape_cast %swap3A_686 : vector<1x16xf32> to vector<16xf32>
      %swap3A_688 = vector.shape_cast %mul3A_683 : vector<16xf32> to vector<1x16xf32>
      tpu.vector_store %arg13[%swap3A_684, %swap3A_685], %swap3A_688 {strides = array<i32>} : memref<64x128xf32, #tpu.memory_space<vmem>>, vector<1x16xf32>,
      %get3A_689 = arith.index_cast %scan3A_592 : i32 to index
      %get3A_690 = arith.constant 112 : index
      %get3A_691 = tpu.vector_load %arg13[%get3A_689, %get3A_690] {strides = array<i32>} : memref<64x128xf32, #tpu.memory_space<vmem>>, vector<1x16xf32>,
      %get3A_692 = vector.shape_cast %get3A_691 : vector<1x16xf32> to vector<16xf32>
      %get3A_693 = arith.index_cast %scan3A_592 : i32 to index
      %get3A_694 = arith.constant 112 : index
      %get3A_695 = tpu.vector_load %arg14[%get3A_693, %get3A_694] {strides = array<i32>} : memref<64x128xf32, #tpu.memory_space<vmem>>, vector<1x16xf32>,
      %get3A_696 = vector.shape_cast %get3A_695 : vector<1x16xf32> to vector<16xf32>
      %mul3A_697 = arith.mulf %get3A_692, %get3A_696 : vector<16xf32>
      %swap3A_698 = arith.index_cast %scan3A_592 : i32 to index
      %swap3A_699 = arith.constant 112 : index
      %swap3A_700 = tpu.vector_load %arg13[%swap3A_698, %swap3A_699] {strides = array<i32>} : memref<64x128xf32, #tpu.memory_space<vmem>>, vector<1x16xf32>,
      %swap3A_701 = vector.shape_cast %swap3A_700 : vector<1x16xf32> to vector<16xf32>
      %swap3A_702 = vector.shape_cast %mul3A_697 : vector<16xf32> to vector<1x16xf32>
      tpu.vector_store %arg13[%swap3A_698, %swap3A_699], %swap3A_702 {strides = array<i32>} : memref<64x128xf32, #tpu.memory_space<vmem>>, vector<1x16xf32>,
    }
    %scan3A_223 = arith.constant 64 : i32
    %dma_start3A_224 = arith.constant 0 : i32
    %dma_start3A_225 = tpu.memref_slice %arg8[%add3A_189, %dma_start3A_224] : memref<16384x128xf32, #tpu.memory_space<hbm>> -> memref<64x128xf32, #tpu.memory_space<hbm>>
    %dma_start3A_226 = arith.constant 0 : i32
    %dma_start3A_227 = tpu.memref_slice %arg8[%add3A_189, %dma_start3A_226] : memref<16384x128xf32, #tpu.memory_space<hbm>> -> memref<64x128xf32, #tpu.memory_space<hbm>>
    tpu.enqueue_dma source(%arg13 : memref<64x128xf32, #tpu.memory_space<vmem>>) target(%dma_start3A_227 : memref<64x128xf32, #tpu.memory_space<hbm>>) target_semaphore(%arg25 : memref<!tpu.dma_semaphore, #tpu.memory_space<semaphore_mem>>)
    %add3A_228 = arith.constant 128 : i32
    %add3A_229 = arith.addi %mul3A_2, %add3A_228 : i32
    %dma_wait3A_230 = arith.constant 0 : i32
    %dma_wait3A_231 = tpu.memref_slice %arg8[%add3A_229, %dma_wait3A_230] : memref<16384x128xf32, #tpu.memory_space<hbm>> -> memref<64x128xf32, #tpu.memory_space<hbm>>
    %dma_wait3A_232 = arith.constant 0 : i32
    %dma_wait3A_233 = tpu.memref_slice %arg8[%add3A_229, %dma_wait3A_232] : memref<16384x128xf32, #tpu.memory_space<hbm>> -> memref<64x128xf32, #tpu.memory_space<hbm>>
    tpu.wait_dma2 semaphore(%arg25 : memref<!tpu.dma_semaphore, #tpu.memory_space<semaphore_mem>>) src(%arg13 : memref<64x128xf32, #tpu.memory_space<vmem>>) dst(%dma_wait3A_233 : memref<64x128xf32, #tpu.memory_space<hbm>>)
    %dma_wait3A_234 = arith.constant 0 : i32
    %dma_wait3A_235 = tpu.memref_slice %arg9[%add3A_229, %dma_wait3A_234] : memref<16384x128xf32, #tpu.memory_space<hbm>> -> memref<64x128xf32, #tpu.memory_space<hbm>>
    %dma_wait3A_236 = arith.constant 0 : i32
    %dma_wait3A_237 = tpu.memref_slice %arg9[%add3A_229, %dma_wait3A_236] : memref<16384x128xf32, #tpu.memory_space<hbm>> -> memref<64x128xf32, #tpu.memory_space<hbm>>
    tpu.wait_dma2 semaphore(%arg25 : memref<!tpu.dma_semaphore, #tpu.memory_space<semaphore_mem>>) src(%arg15 : memref<64x128xf32, #tpu.memory_space<vmem>>) dst(%dma_wait3A_237 : memref<64x128xf32, #tpu.memory_space<hbm>>)
    %dma_wait3A_238 = arith.constant 0 : i32
    %dma_wait3A_239 = tpu.memref_slice %arg10[%add3A_229, %dma_wait3A_238] : memref<16384x128xf32, #tpu.memory_space<hbm>> -> memref<64x128xf32, #tpu.memory_space<hbm>>
    %dma_wait3A_240 = arith.constant 0 : i32
    %dma_wait3A_241 = tpu.memref_slice %arg10[%add3A_229, %dma_wait3A_240] : memref<16384x128xf32, #tpu.memory_space<hbm>> -> memref<64x128xf32, #tpu.memory_space<hbm>>
    tpu.wait_dma2 semaphore(%arg25 : memref<!tpu.dma_semaphore, #tpu.memory_space<semaphore_mem>>) src(%arg16 : memref<64x128xf32, #tpu.memory_space<vmem>>) dst(%dma_wait3A_241 : memref<64x128xf32, #tpu.memory_space<hbm>>)
    %dma_start3A_242 = arith.constant 256 : i32
    %dma_start3A_243 = tpu.memref_slice %arg11[%dma_start3A_242] : memref<512xi32, #tpu.memory_space<vmem>> -> memref<64xi32, #tpu.memory_space<vmem>>
    %dma_start3A_244 = arith.constant 0 : i32
    %dma_start3A_245 = arith.constant 0 : i32
    %dma_start3A_246 = tpu.memref_slice %arg4[%dma_start3A_244, %dma_start3A_245] : memref<100000x128xf32, #tpu.memory_space<hbm>> -> memref<100000x128xf32, #tpu.memory_space<hbm>>
    tpu.enqueue_indirect_dma source(%dma_start3A_246 : memref<100000x128xf32, #tpu.memory_space<hbm>>) target(%arg13 : memref<64x128xf32, #tpu.memory_space<vmem>>) offsets(%dma_start3A_243 : memref<64xi32, #tpu.memory_space<vmem>>) semaphore(%arg21 : memref<!tpu.dma_semaphore, #tpu.memory_space<semaphore_mem>>)
    %dma_start3A_247 = arith.constant 256 : i32
    %dma_start3A_248 = tpu.memref_slice %arg12[%dma_start3A_247] : memref<512xi32, #tpu.memory_space<vmem>> -> memref<64xi32, #tpu.memory_space<vmem>>
    %dma_start3A_249 = arith.constant 0 : i32
    %dma_start3A_250 = arith.constant 0 : i32
    %dma_start3A_251 = tpu.memref_slice %arg5[%dma_start3A_249, %dma_start3A_250] : memref<100000x128xf32, #tpu.memory_space<hbm>> -> memref<100000x128xf32, #tpu.memory_space<hbm>>
    tpu.enqueue_indirect_dma source(%dma_start3A_251 : memref<100000x128xf32, #tpu.memory_space<hbm>>) target(%arg14 : memref<64x128xf32, #tpu.memory_space<vmem>>) offsets(%dma_start3A_248 : memref<64xi32, #tpu.memory_space<vmem>>) semaphore(%arg21 : memref<!tpu.dma_semaphore, #tpu.memory_space<semaphore_mem>>)
    %dma_start3A_252 = arith.constant 256 : i32
    %dma_start3A_253 = tpu.memref_slice %arg11[%dma_start3A_252] : memref<512xi32, #tpu.memory_space<vmem>> -> memref<64xi32, #tpu.memory_space<vmem>>
    %dma_start3A_254 = arith.constant 0 : i32
    %dma_start3A_255 = arith.constant 0 : i32
    %dma_start3A_256 = tpu.memref_slice %arg6[%dma_start3A_254, %dma_start3A_255] : memref<100000x128xf32, #tpu.memory_space<hbm>> -> memref<100000x128xf32, #tpu.memory_space<hbm>>
    tpu.enqueue_indirect_dma source(%dma_start3A_256 : memref<100000x128xf32, #tpu.memory_space<hbm>>) target(%arg15 : memref<64x128xf32, #tpu.memory_space<vmem>>) offsets(%dma_start3A_253 : memref<64xi32, #tpu.memory_space<vmem>>) semaphore(%arg23 : memref<!tpu.dma_semaphore, #tpu.memory_space<semaphore_mem>>)
    %dma_start3A_257 = arith.constant 256 : i32
    %dma_start3A_258 = tpu.memref_slice %arg12[%dma_start3A_257] : memref<512xi32, #tpu.memory_space<vmem>> -> memref<64xi32, #tpu.memory_space<vmem>>
    %dma_start3A_259 = arith.constant 0 : i32
    %dma_start3A_260 = arith.constant 0 : i32
    %dma_start3A_261 = tpu.memref_slice %arg7[%dma_start3A_259, %dma_start3A_260] : memref<100000x128xf32, #tpu.memory_space<hbm>> -> memref<100000x128xf32, #tpu.memory_space<hbm>>
    tpu.enqueue_indirect_dma source(%dma_start3A_261 : memref<100000x128xf32, #tpu.memory_space<hbm>>) target(%arg16 : memref<64x128xf32, #tpu.memory_space<vmem>>) offsets(%dma_start3A_258 : memref<64xi32, #tpu.memory_space<vmem>>) semaphore(%arg23 : memref<!tpu.dma_semaphore, #tpu.memory_space<semaphore_mem>>)
    %add3A_262 = arith.constant 192 : i32
    %add3A_263 = arith.addi %mul3A_2, %add3A_262 : i32
    %dma_wait3A_264 = arith.constant 192 : i32
    %dma_wait3A_265 = tpu.memref_slice %arg11[%dma_wait3A_264] : memref<512xi32, #tpu.memory_space<vmem>> -> memref<64xi32, #tpu.memory_space<vmem>>
    %dma_wait3A_266 = arith.constant 0 : i32
    %dma_wait3A_267 = arith.constant 0 : i32
    %dma_wait3A_268 = tpu.memref_slice %arg6[%dma_wait3A_266, %dma_wait3A_267] : memref<100000x128xf32, #tpu.memory_space<hbm>> -> memref<100000x128xf32, #tpu.memory_space<hbm>>
    tpu.wait_indirect_dma semaphore(%arg24 : memref<!tpu.dma_semaphore, #tpu.memory_space<semaphore_mem>>) src(%dma_wait3A_268 : memref<100000x128xf32, #tpu.memory_space<hbm>>) dst(%arg19 : memref<64x128xf32, #tpu.memory_space<vmem>>)
    %dma_wait3A_269 = arith.constant 192 : i32
    %dma_wait3A_270 = tpu.memref_slice %arg12[%dma_wait3A_269] : memref<512xi32, #tpu.memory_space<vmem>> -> memref<64xi32, #tpu.memory_space<vmem>>
    %dma_wait3A_271 = arith.constant 0 : i32
    %dma_wait3A_272 = arith.constant 0 : i32
    %dma_wait3A_273 = tpu.memref_slice %arg7[%dma_wait3A_271, %dma_wait3A_272] : memref<100000x128xf32, #tpu.memory_space<hbm>> -> memref<100000x128xf32, #tpu.memory_space<hbm>>
    tpu.wait_indirect_dma semaphore(%arg24 : memref<!tpu.dma_semaphore, #tpu.memory_space<semaphore_mem>>) src(%dma_wait3A_273 : memref<100000x128xf32, #tpu.memory_space<hbm>>) dst(%arg20 : memref<64x128xf32, #tpu.memory_space<vmem>>)
    %dma_start3A_274 = arith.constant 0 : i32
    %dma_start3A_275 = tpu.memref_slice %arg9[%add3A_263, %dma_start3A_274] : memref<16384x128xf32, #tpu.memory_space<hbm>> -> memref<64x128xf32, #tpu.memory_space<hbm>>
    %dma_start3A_276 = arith.constant 0 : i32
    %dma_start3A_277 = tpu.memref_slice %arg9[%add3A_263, %dma_start3A_276] : memref<16384x128xf32, #tpu.memory_space<hbm>> -> memref<64x128xf32, #tpu.memory_space<hbm>>
    tpu.enqueue_dma source(%arg19 : memref<64x128xf32, #tpu.memory_space<vmem>>) target(%dma_start3A_277 : memref<64x128xf32, #tpu.memory_space<hbm>>) target_semaphore(%arg26 : memref<!tpu.dma_semaphore, #tpu.memory_space<semaphore_mem>>)
    %dma_start3A_278 = arith.constant 0 : i32
    %dma_start3A_279 = tpu.memref_slice %arg10[%add3A_263, %dma_start3A_278] : memref<16384x128xf32, #tpu.memory_space<hbm>> -> memref<64x128xf32, #tpu.memory_space<hbm>>
    %dma_start3A_280 = arith.constant 0 : i32
    %dma_start3A_281 = tpu.memref_slice %arg10[%add3A_263, %dma_start3A_280] : memref<16384x128xf32, #tpu.memory_space<hbm>> -> memref<64x128xf32, #tpu.memory_space<hbm>>
    tpu.enqueue_dma source(%arg20 : memref<64x128xf32, #tpu.memory_space<vmem>>) target(%dma_start3A_281 : memref<64x128xf32, #tpu.memory_space<hbm>>) target_semaphore(%arg26 : memref<!tpu.dma_semaphore, #tpu.memory_space<semaphore_mem>>)
    %dma_wait3A_282 = arith.constant 192 : i32
    %dma_wait3A_283 = tpu.memref_slice %arg11[%dma_wait3A_282] : memref<512xi32, #tpu.memory_space<vmem>> -> memref<64xi32, #tpu.memory_space<vmem>>
    %dma_wait3A_284 = arith.constant 0 : i32
    %dma_wait3A_285 = arith.constant 0 : i32
    %dma_wait3A_286 = tpu.memref_slice %arg4[%dma_wait3A_284, %dma_wait3A_285] : memref<100000x128xf32, #tpu.memory_space<hbm>> -> memref<100000x128xf32, #tpu.memory_space<hbm>>
    tpu.wait_indirect_dma semaphore(%arg22 : memref<!tpu.dma_semaphore, #tpu.memory_space<semaphore_mem>>) src(%dma_wait3A_286 : memref<100000x128xf32, #tpu.memory_space<hbm>>) dst(%arg17 : memref<64x128xf32, #tpu.memory_space<vmem>>)
    %dma_wait3A_287 = arith.constant 192 : i32
    %dma_wait3A_288 = tpu.memref_slice %arg12[%dma_wait3A_287] : memref<512xi32, #tpu.memory_space<vmem>> -> memref<64xi32, #tpu.memory_space<vmem>>
    %dma_wait3A_289 = arith.constant 0 : i32
    %dma_wait3A_290 = arith.constant 0 : i32
    %dma_wait3A_291 = tpu.memref_slice %arg5[%dma_wait3A_289, %dma_wait3A_290] : memref<100000x128xf32, #tpu.memory_space<hbm>> -> memref<100000x128xf32, #tpu.memory_space<hbm>>
    tpu.wait_indirect_dma semaphore(%arg22 : memref<!tpu.dma_semaphore, #tpu.memory_space<semaphore_mem>>) src(%dma_wait3A_291 : memref<100000x128xf32, #tpu.memory_space<hbm>>) dst(%arg18 : memref<64x128xf32, #tpu.memory_space<vmem>>)
    %scan3A_292 = arith.constant 0 : i32
    %scan3A_293 = arith.constant 0 : i32
    %scan3A_294 = arith.constant 64 : i32
    %scan3A_295 = arith.addi %scan3A_293, %scan3A_294 : i32
    %scan3A_296 = arith.constant 1 : i32
    scf.for %scan3A_592 = %scan3A_293 to %scan3A_295 step %scan3A_296  : i32 {
      %get3A = arith.index_cast %scan3A_592 : i32 to index
      %get3A_593 = arith.constant 0 : index
      %get3A_594 = tpu.vector_load %arg17[%get3A, %get3A_593] {strides = array<i32>} : memref<64x128xf32, #tpu.memory_space<vmem>>, vector<1x16xf32>,
      %get3A_595 = vector.shape_cast %get3A_594 : vector<1x16xf32> to vector<16xf32>
      %get3A_596 = arith.index_cast %scan3A_592 : i32 to index
      %get3A_597 = arith.constant 0 : index
      %get3A_598 = tpu.vector_load %arg18[%get3A_596, %get3A_597] {strides = array<i32>} : memref<64x128xf32, #tpu.memory_space<vmem>>, vector<1x16xf32>,
      %get3A_599 = vector.shape_cast %get3A_598 : vector<1x16xf32> to vector<16xf32>
      %mul3A_600 = arith.mulf %get3A_595, %get3A_599 : vector<16xf32>
      %swap3A = arith.index_cast %scan3A_592 : i32 to index
      %swap3A_601 = arith.constant 0 : index
      %swap3A_602 = tpu.vector_load %arg17[%swap3A, %swap3A_601] {strides = array<i32>} : memref<64x128xf32, #tpu.memory_space<vmem>>, vector<1x16xf32>,
      %swap3A_603 = vector.shape_cast %swap3A_602 : vector<1x16xf32> to vector<16xf32>
      %swap3A_604 = vector.shape_cast %mul3A_600 : vector<16xf32> to vector<1x16xf32>
      tpu.vector_store %arg17[%swap3A, %swap3A_601], %swap3A_604 {strides = array<i32>} : memref<64x128xf32, #tpu.memory_space<vmem>>, vector<1x16xf32>,
      %get3A_605 = arith.index_cast %scan3A_592 : i32 to index
      %get3A_606 = arith.constant 16 : index
      %get3A_607 = tpu.vector_load %arg17[%get3A_605, %get3A_606] {strides = array<i32>} : memref<64x128xf32, #tpu.memory_space<vmem>>, vector<1x16xf32>,
      %get3A_608 = vector.shape_cast %get3A_607 : vector<1x16xf32> to vector<16xf32>
      %get3A_609 = arith.index_cast %scan3A_592 : i32 to index
      %get3A_610 = arith.constant 16 : index
      %get3A_611 = tpu.vector_load %arg18[%get3A_609, %get3A_610] {strides = array<i32>} : memref<64x128xf32, #tpu.memory_space<vmem>>, vector<1x16xf32>,
      %get3A_612 = vector.shape_cast %get3A_611 : vector<1x16xf32> to vector<16xf32>
      %mul3A_613 = arith.mulf %get3A_608, %get3A_612 : vector<16xf32>
      %swap3A_614 = arith.index_cast %scan3A_592 : i32 to index
      %swap3A_615 = arith.constant 16 : index
      %swap3A_616 = tpu.vector_load %arg17[%swap3A_614, %swap3A_615] {strides = array<i32>} : memref<64x128xf32, #tpu.memory_space<vmem>>, vector<1x16xf32>,
      %swap3A_617 = vector.shape_cast %swap3A_616 : vector<1x16xf32> to vector<16xf32>
      %swap3A_618 = vector.shape_cast %mul3A_613 : vector<16xf32> to vector<1x16xf32>
      tpu.vector_store %arg17[%swap3A_614, %swap3A_615], %swap3A_618 {strides = array<i32>} : memref<64x128xf32, #tpu.memory_space<vmem>>, vector<1x16xf32>,
      %get3A_619 = arith.index_cast %scan3A_592 : i32 to index
      %get3A_620 = arith.constant 32 : index
      %get3A_621 = tpu.vector_load %arg17[%get3A_619, %get3A_620] {strides = array<i32>} : memref<64x128xf32, #tpu.memory_space<vmem>>, vector<1x16xf32>,
      %get3A_622 = vector.shape_cast %get3A_621 : vector<1x16xf32> to vector<16xf32>
      %get3A_623 = arith.index_cast %scan3A_592 : i32 to index
      %get3A_624 = arith.constant 32 : index
      %get3A_625 = tpu.vector_load %arg18[%get3A_623, %get3A_624] {strides = array<i32>} : memref<64x128xf32, #tpu.memory_space<vmem>>, vector<1x16xf32>,
      %get3A_626 = vector.shape_cast %get3A_625 : vector<1x16xf32> to vector<16xf32>
      %mul3A_627 = arith.mulf %get3A_622, %get3A_626 : vector<16xf32>
      %swap3A_628 = arith.index_cast %scan3A_592 : i32 to index
      %swap3A_629 = arith.constant 32 : index
      %swap3A_630 = tpu.vector_load %arg17[%swap3A_628, %swap3A_629] {strides = array<i32>} : memref<64x128xf32, #tpu.memory_space<vmem>>, vector<1x16xf32>,
      %swap3A_631 = vector.shape_cast %swap3A_630 : vector<1x16xf32> to vector<16xf32>
      %swap3A_632 = vector.shape_cast %mul3A_627 : vector<16xf32> to vector<1x16xf32>
      tpu.vector_store %arg17[%swap3A_628, %swap3A_629], %swap3A_632 {strides = array<i32>} : memref<64x128xf32, #tpu.memory_space<vmem>>, vector<1x16xf32>,
      %get3A_633 = arith.index_cast %scan3A_592 : i32 to index
      %get3A_634 = arith.constant 48 : index
      %get3A_635 = tpu.vector_load %arg17[%get3A_633, %get3A_634] {strides = array<i32>} : memref<64x128xf32, #tpu.memory_space<vmem>>, vector<1x16xf32>,
      %get3A_636 = vector.shape_cast %get3A_635 : vector<1x16xf32> to vector<16xf32>
      %get3A_637 = arith.index_cast %scan3A_592 : i32 to index
      %get3A_638 = arith.constant 48 : index
      %get3A_639 = tpu.vector_load %arg18[%get3A_637, %get3A_638] {strides = array<i32>} : memref<64x128xf32, #tpu.memory_space<vmem>>, vector<1x16xf32>,
      %get3A_640 = vector.shape_cast %get3A_639 : vector<1x16xf32> to vector<16xf32>
      %mul3A_641 = arith.mulf %get3A_636, %get3A_640 : vector<16xf32>
      %swap3A_642 = arith.index_cast %scan3A_592 : i32 to index
      %swap3A_643 = arith.constant 48 : index
      %swap3A_644 = tpu.vector_load %arg17[%swap3A_642, %swap3A_643] {strides = array<i32>} : memref<64x128xf32, #tpu.memory_space<vmem>>, vector<1x16xf32>,
      %swap3A_645 = vector.shape_cast %swap3A_644 : vector<1x16xf32> to vector<16xf32>
      %swap3A_646 = vector.shape_cast %mul3A_641 : vector<16xf32> to vector<1x16xf32>
      tpu.vector_store %arg17[%swap3A_642, %swap3A_643], %swap3A_646 {strides = array<i32>} : memref<64x128xf32, #tpu.memory_space<vmem>>, vector<1x16xf32>,
      %get3A_647 = arith.index_cast %scan3A_592 : i32 to index
      %get3A_648 = arith.constant 64 : index
      %get3A_649 = tpu.vector_load %arg17[%get3A_647, %get3A_648] {strides = array<i32>} : memref<64x128xf32, #tpu.memory_space<vmem>>, vector<1x16xf32>,
      %get3A_650 = vector.shape_cast %get3A_649 : vector<1x16xf32> to vector<16xf32>
      %get3A_651 = arith.index_cast %scan3A_592 : i32 to index
      %get3A_652 = arith.constant 64 : index
      %get3A_653 = tpu.vector_load %arg18[%get3A_651, %get3A_652] {strides = array<i32>} : memref<64x128xf32, #tpu.memory_space<vmem>>, vector<1x16xf32>,
      %get3A_654 = vector.shape_cast %get3A_653 : vector<1x16xf32> to vector<16xf32>
      %mul3A_655 = arith.mulf %get3A_650, %get3A_654 : vector<16xf32>
      %swap3A_656 = arith.index_cast %scan3A_592 : i32 to index
      %swap3A_657 = arith.constant 64 : index
      %swap3A_658 = tpu.vector_load %arg17[%swap3A_656, %swap3A_657] {strides = array<i32>} : memref<64x128xf32, #tpu.memory_space<vmem>>, vector<1x16xf32>,
      %swap3A_659 = vector.shape_cast %swap3A_658 : vector<1x16xf32> to vector<16xf32>
      %swap3A_660 = vector.shape_cast %mul3A_655 : vector<16xf32> to vector<1x16xf32>
      tpu.vector_store %arg17[%swap3A_656, %swap3A_657], %swap3A_660 {strides = array<i32>} : memref<64x128xf32, #tpu.memory_space<vmem>>, vector<1x16xf32>,
      %get3A_661 = arith.index_cast %scan3A_592 : i32 to index
      %get3A_662 = arith.constant 80 : index
      %get3A_663 = tpu.vector_load %arg17[%get3A_661, %get3A_662] {strides = array<i32>} : memref<64x128xf32, #tpu.memory_space<vmem>>, vector<1x16xf32>,
      %get3A_664 = vector.shape_cast %get3A_663 : vector<1x16xf32> to vector<16xf32>
      %get3A_665 = arith.index_cast %scan3A_592 : i32 to index
      %get3A_666 = arith.constant 80 : index
      %get3A_667 = tpu.vector_load %arg18[%get3A_665, %get3A_666] {strides = array<i32>} : memref<64x128xf32, #tpu.memory_space<vmem>>, vector<1x16xf32>,
      %get3A_668 = vector.shape_cast %get3A_667 : vector<1x16xf32> to vector<16xf32>
      %mul3A_669 = arith.mulf %get3A_664, %get3A_668 : vector<16xf32>
      %swap3A_670 = arith.index_cast %scan3A_592 : i32 to index
      %swap3A_671 = arith.constant 80 : index
      %swap3A_672 = tpu.vector_load %arg17[%swap3A_670, %swap3A_671] {strides = array<i32>} : memref<64x128xf32, #tpu.memory_space<vmem>>, vector<1x16xf32>,
      %swap3A_673 = vector.shape_cast %swap3A_672 : vector<1x16xf32> to vector<16xf32>
      %swap3A_674 = vector.shape_cast %mul3A_669 : vector<16xf32> to vector<1x16xf32>
      tpu.vector_store %arg17[%swap3A_670, %swap3A_671], %swap3A_674 {strides = array<i32>} : memref<64x128xf32, #tpu.memory_space<vmem>>, vector<1x16xf32>,
      %get3A_675 = arith.index_cast %scan3A_592 : i32 to index
      %get3A_676 = arith.constant 96 : index
      %get3A_677 = tpu.vector_load %arg17[%get3A_675, %get3A_676] {strides = array<i32>} : memref<64x128xf32, #tpu.memory_space<vmem>>, vector<1x16xf32>,
      %get3A_678 = vector.shape_cast %get3A_677 : vector<1x16xf32> to vector<16xf32>
      %get3A_679 = arith.index_cast %scan3A_592 : i32 to index
      %get3A_680 = arith.constant 96 : index
      %get3A_681 = tpu.vector_load %arg18[%get3A_679, %get3A_680] {strides = array<i32>} : memref<64x128xf32, #tpu.memory_space<vmem>>, vector<1x16xf32>,
      %get3A_682 = vector.shape_cast %get3A_681 : vector<1x16xf32> to vector<16xf32>
      %mul3A_683 = arith.mulf %get3A_678, %get3A_682 : vector<16xf32>
      %swap3A_684 = arith.index_cast %scan3A_592 : i32 to index
      %swap3A_685 = arith.constant 96 : index
      %swap3A_686 = tpu.vector_load %arg17[%swap3A_684, %swap3A_685] {strides = array<i32>} : memref<64x128xf32, #tpu.memory_space<vmem>>, vector<1x16xf32>,
      %swap3A_687 = vector.shape_cast %swap3A_686 : vector<1x16xf32> to vector<16xf32>
      %swap3A_688 = vector.shape_cast %mul3A_683 : vector<16xf32> to vector<1x16xf32>
      tpu.vector_store %arg17[%swap3A_684, %swap3A_685], %swap3A_688 {strides = array<i32>} : memref<64x128xf32, #tpu.memory_space<vmem>>, vector<1x16xf32>,
      %get3A_689 = arith.index_cast %scan3A_592 : i32 to index
      %get3A_690 = arith.constant 112 : index
      %get3A_691 = tpu.vector_load %arg17[%get3A_689, %get3A_690] {strides = array<i32>} : memref<64x128xf32, #tpu.memory_space<vmem>>, vector<1x16xf32>,
      %get3A_692 = vector.shape_cast %get3A_691 : vector<1x16xf32> to vector<16xf32>
      %get3A_693 = arith.index_cast %scan3A_592 : i32 to index
      %get3A_694 = arith.constant 112 : index
      %get3A_695 = tpu.vector_load %arg18[%get3A_693, %get3A_694] {strides = array<i32>} : memref<64x128xf32, #tpu.memory_space<vmem>>, vector<1x16xf32>,
      %get3A_696 = vector.shape_cast %get3A_695 : vector<1x16xf32> to vector<16xf32>
      %mul3A_697 = arith.mulf %get3A_692, %get3A_696 : vector<16xf32>
      %swap3A_698 = arith.index_cast %scan3A_592 : i32 to index
      %swap3A_699 = arith.constant 112 : index
      %swap3A_700 = tpu.vector_load %arg17[%swap3A_698, %swap3A_699] {strides = array<i32>} : memref<64x128xf32, #tpu.memory_space<vmem>>, vector<1x16xf32>,
      %swap3A_701 = vector.shape_cast %swap3A_700 : vector<1x16xf32> to vector<16xf32>
      %swap3A_702 = vector.shape_cast %mul3A_697 : vector<16xf32> to vector<1x16xf32>
      tpu.vector_store %arg17[%swap3A_698, %swap3A_699], %swap3A_702 {strides = array<i32>} : memref<64x128xf32, #tpu.memory_space<vmem>>, vector<1x16xf32>,
    }
    %scan3A_297 = arith.constant 64 : i32
    %dma_start3A_298 = arith.constant 0 : i32
    %dma_start3A_299 = tpu.memref_slice %arg8[%add3A_263, %dma_start3A_298] : memref<16384x128xf32, #tpu.memory_space<hbm>> -> memref<64x128xf32, #tpu.memory_space<hbm>>
    %dma_start3A_300 = arith.constant 0 : i32
    %dma_start3A_301 = tpu.memref_slice %arg8[%add3A_263, %dma_start3A_300] : memref<16384x128xf32, #tpu.memory_space<hbm>> -> memref<64x128xf32, #tpu.memory_space<hbm>>
    tpu.enqueue_dma source(%arg17 : memref<64x128xf32, #tpu.memory_space<vmem>>) target(%dma_start3A_301 : memref<64x128xf32, #tpu.memory_space<hbm>>) target_semaphore(%arg26 : memref<!tpu.dma_semaphore, #tpu.memory_space<semaphore_mem>>)
    %add3A_302 = arith.constant 192 : i32
    %add3A_303 = arith.addi %mul3A_2, %add3A_302 : i32
    %dma_wait3A_304 = arith.constant 0 : i32
    %dma_wait3A_305 = tpu.memref_slice %arg8[%add3A_303, %dma_wait3A_304] : memref<16384x128xf32, #tpu.memory_space<hbm>> -> memref<64x128xf32, #tpu.memory_space<hbm>>
    %dma_wait3A_306 = arith.constant 0 : i32
    %dma_wait3A_307 = tpu.memref_slice %arg8[%add3A_303, %dma_wait3A_306] : memref<16384x128xf32, #tpu.memory_space<hbm>> -> memref<64x128xf32, #tpu.memory_space<hbm>>
    tpu.wait_dma2 semaphore(%arg26 : memref<!tpu.dma_semaphore, #tpu.memory_space<semaphore_mem>>) src(%arg17 : memref<64x128xf32, #tpu.memory_space<vmem>>) dst(%dma_wait3A_307 : memref<64x128xf32, #tpu.memory_space<hbm>>)
    %dma_wait3A_308 = arith.constant 0 : i32
    %dma_wait3A_309 = tpu.memref_slice %arg9[%add3A_303, %dma_wait3A_308] : memref<16384x128xf32, #tpu.memory_space<hbm>> -> memref<64x128xf32, #tpu.memory_space<hbm>>
    %dma_wait3A_310 = arith.constant 0 : i32
    %dma_wait3A_311 = tpu.memref_slice %arg9[%add3A_303, %dma_wait3A_310] : memref<16384x128xf32, #tpu.memory_space<hbm>> -> memref<64x128xf32, #tpu.memory_space<hbm>>
    tpu.wait_dma2 semaphore(%arg26 : memref<!tpu.dma_semaphore, #tpu.memory_space<semaphore_mem>>) src(%arg19 : memref<64x128xf32, #tpu.memory_space<vmem>>) dst(%dma_wait3A_311 : memref<64x128xf32, #tpu.memory_space<hbm>>)
    %dma_wait3A_312 = arith.constant 0 : i32
    %dma_wait3A_313 = tpu.memref_slice %arg10[%add3A_303, %dma_wait3A_312] : memref<16384x128xf32, #tpu.memory_space<hbm>> -> memref<64x128xf32, #tpu.memory_space<hbm>>
    %dma_wait3A_314 = arith.constant 0 : i32
    %dma_wait3A_315 = tpu.memref_slice %arg10[%add3A_303, %dma_wait3A_314] : memref<16384x128xf32, #tpu.memory_space<hbm>> -> memref<64x128xf32, #tpu.memory_space<hbm>>
    tpu.wait_dma2 semaphore(%arg26 : memref<!tpu.dma_semaphore, #tpu.memory_space<semaphore_mem>>) src(%arg20 : memref<64x128xf32, #tpu.memory_space<vmem>>) dst(%dma_wait3A_315 : memref<64x128xf32, #tpu.memory_space<hbm>>)
    %dma_start3A_316 = arith.constant 320 : i32
    %dma_start3A_317 = tpu.memref_slice %arg11[%dma_start3A_316] : memref<512xi32, #tpu.memory_space<vmem>> -> memref<64xi32, #tpu.memory_space<vmem>>
    %dma_start3A_318 = arith.constant 0 : i32
    %dma_start3A_319 = arith.constant 0 : i32
    %dma_start3A_320 = tpu.memref_slice %arg4[%dma_start3A_318, %dma_start3A_319] : memref<100000x128xf32, #tpu.memory_space<hbm>> -> memref<100000x128xf32, #tpu.memory_space<hbm>>
    tpu.enqueue_indirect_dma source(%dma_start3A_320 : memref<100000x128xf32, #tpu.memory_space<hbm>>) target(%arg17 : memref<64x128xf32, #tpu.memory_space<vmem>>) offsets(%dma_start3A_317 : memref<64xi32, #tpu.memory_space<vmem>>) semaphore(%arg22 : memref<!tpu.dma_semaphore, #tpu.memory_space<semaphore_mem>>)
    %dma_start3A_321 = arith.constant 320 : i32
    %dma_start3A_322 = tpu.memref_slice %arg12[%dma_start3A_321] : memref<512xi32, #tpu.memory_space<vmem>> -> memref<64xi32, #tpu.memory_space<vmem>>
    %dma_start3A_323 = arith.constant 0 : i32
    %dma_start3A_324 = arith.constant 0 : i32
    %dma_start3A_325 = tpu.memref_slice %arg5[%dma_start3A_323, %dma_start3A_324] : memref<100000x128xf32, #tpu.memory_space<hbm>> -> memref<100000x128xf32, #tpu.memory_space<hbm>>
    tpu.enqueue_indirect_dma source(%dma_start3A_325 : memref<100000x128xf32, #tpu.memory_space<hbm>>) target(%arg18 : memref<64x128xf32, #tpu.memory_space<vmem>>) offsets(%dma_start3A_322 : memref<64xi32, #tpu.memory_space<vmem>>) semaphore(%arg22 : memref<!tpu.dma_semaphore, #tpu.memory_space<semaphore_mem>>)
    %dma_start3A_326 = arith.constant 320 : i32
    %dma_start3A_327 = tpu.memref_slice %arg11[%dma_start3A_326] : memref<512xi32, #tpu.memory_space<vmem>> -> memref<64xi32, #tpu.memory_space<vmem>>
    %dma_start3A_328 = arith.constant 0 : i32
    %dma_start3A_329 = arith.constant 0 : i32
    %dma_start3A_330 = tpu.memref_slice %arg6[%dma_start3A_328, %dma_start3A_329] : memref<100000x128xf32, #tpu.memory_space<hbm>> -> memref<100000x128xf32, #tpu.memory_space<hbm>>
    tpu.enqueue_indirect_dma source(%dma_start3A_330 : memref<100000x128xf32, #tpu.memory_space<hbm>>) target(%arg19 : memref<64x128xf32, #tpu.memory_space<vmem>>) offsets(%dma_start3A_327 : memref<64xi32, #tpu.memory_space<vmem>>) semaphore(%arg24 : memref<!tpu.dma_semaphore, #tpu.memory_space<semaphore_mem>>)
    %dma_start3A_331 = arith.constant 320 : i32
    %dma_start3A_332 = tpu.memref_slice %arg12[%dma_start3A_331] : memref<512xi32, #tpu.memory_space<vmem>> -> memref<64xi32, #tpu.memory_space<vmem>>
    %dma_start3A_333 = arith.constant 0 : i32
    %dma_start3A_334 = arith.constant 0 : i32
    %dma_start3A_335 = tpu.memref_slice %arg7[%dma_start3A_333, %dma_start3A_334] : memref<100000x128xf32, #tpu.memory_space<hbm>> -> memref<100000x128xf32, #tpu.memory_space<hbm>>
    tpu.enqueue_indirect_dma source(%dma_start3A_335 : memref<100000x128xf32, #tpu.memory_space<hbm>>) target(%arg20 : memref<64x128xf32, #tpu.memory_space<vmem>>) offsets(%dma_start3A_332 : memref<64xi32, #tpu.memory_space<vmem>>) semaphore(%arg24 : memref<!tpu.dma_semaphore, #tpu.memory_space<semaphore_mem>>)
    %add3A_336 = arith.constant 256 : i32
    %add3A_337 = arith.addi %mul3A_2, %add3A_336 : i32
    %dma_wait3A_338 = arith.constant 256 : i32
    %dma_wait3A_339 = tpu.memref_slice %arg11[%dma_wait3A_338] : memref<512xi32, #tpu.memory_space<vmem>> -> memref<64xi32, #tpu.memory_space<vmem>>
    %dma_wait3A_340 = arith.constant 0 : i32
    %dma_wait3A_341 = arith.constant 0 : i32
    %dma_wait3A_342 = tpu.memref_slice %arg6[%dma_wait3A_340, %dma_wait3A_341] : memref<100000x128xf32, #tpu.memory_space<hbm>> -> memref<100000x128xf32, #tpu.memory_space<hbm>>
    tpu.wait_indirect_dma semaphore(%arg23 : memref<!tpu.dma_semaphore, #tpu.memory_space<semaphore_mem>>) src(%dma_wait3A_342 : memref<100000x128xf32, #tpu.memory_space<hbm>>) dst(%arg15 : memref<64x128xf32, #tpu.memory_space<vmem>>)
    %dma_wait3A_343 = arith.constant 256 : i32
    %dma_wait3A_344 = tpu.memref_slice %arg12[%dma_wait3A_343] : memref<512xi32, #tpu.memory_space<vmem>> -> memref<64xi32, #tpu.memory_space<vmem>>
    %dma_wait3A_345 = arith.constant 0 : i32
    %dma_wait3A_346 = arith.constant 0 : i32
    %dma_wait3A_347 = tpu.memref_slice %arg7[%dma_wait3A_345, %dma_wait3A_346] : memref<100000x128xf32, #tpu.memory_space<hbm>> -> memref<100000x128xf32, #tpu.memory_space<hbm>>
    tpu.wait_indirect_dma semaphore(%arg23 : memref<!tpu.dma_semaphore, #tpu.memory_space<semaphore_mem>>) src(%dma_wait3A_347 : memref<100000x128xf32, #tpu.memory_space<hbm>>) dst(%arg16 : memref<64x128xf32, #tpu.memory_space<vmem>>)
    %dma_start3A_348 = arith.constant 0 : i32
    %dma_start3A_349 = tpu.memref_slice %arg9[%add3A_337, %dma_start3A_348] : memref<16384x128xf32, #tpu.memory_space<hbm>> -> memref<64x128xf32, #tpu.memory_space<hbm>>
    %dma_start3A_350 = arith.constant 0 : i32
    %dma_start3A_351 = tpu.memref_slice %arg9[%add3A_337, %dma_start3A_350] : memref<16384x128xf32, #tpu.memory_space<hbm>> -> memref<64x128xf32, #tpu.memory_space<hbm>>
    tpu.enqueue_dma source(%arg15 : memref<64x128xf32, #tpu.memory_space<vmem>>) target(%dma_start3A_351 : memref<64x128xf32, #tpu.memory_space<hbm>>) target_semaphore(%arg25 : memref<!tpu.dma_semaphore, #tpu.memory_space<semaphore_mem>>)
    %dma_start3A_352 = arith.constant 0 : i32
    %dma_start3A_353 = tpu.memref_slice %arg10[%add3A_337, %dma_start3A_352] : memref<16384x128xf32, #tpu.memory_space<hbm>> -> memref<64x128xf32, #tpu.memory_space<hbm>>
    %dma_start3A_354 = arith.constant 0 : i32
    %dma_start3A_355 = tpu.memref_slice %arg10[%add3A_337, %dma_start3A_354] : memref<16384x128xf32, #tpu.memory_space<hbm>> -> memref<64x128xf32, #tpu.memory_space<hbm>>
    tpu.enqueue_dma source(%arg16 : memref<64x128xf32, #tpu.memory_space<vmem>>) target(%dma_start3A_355 : memref<64x128xf32, #tpu.memory_space<hbm>>) target_semaphore(%arg25 : memref<!tpu.dma_semaphore, #tpu.memory_space<semaphore_mem>>)
    %dma_wait3A_356 = arith.constant 256 : i32
    %dma_wait3A_357 = tpu.memref_slice %arg11[%dma_wait3A_356] : memref<512xi32, #tpu.memory_space<vmem>> -> memref<64xi32, #tpu.memory_space<vmem>>
    %dma_wait3A_358 = arith.constant 0 : i32
    %dma_wait3A_359 = arith.constant 0 : i32
    %dma_wait3A_360 = tpu.memref_slice %arg4[%dma_wait3A_358, %dma_wait3A_359] : memref<100000x128xf32, #tpu.memory_space<hbm>> -> memref<100000x128xf32, #tpu.memory_space<hbm>>
    tpu.wait_indirect_dma semaphore(%arg21 : memref<!tpu.dma_semaphore, #tpu.memory_space<semaphore_mem>>) src(%dma_wait3A_360 : memref<100000x128xf32, #tpu.memory_space<hbm>>) dst(%arg13 : memref<64x128xf32, #tpu.memory_space<vmem>>)
    %dma_wait3A_361 = arith.constant 256 : i32
    %dma_wait3A_362 = tpu.memref_slice %arg12[%dma_wait3A_361] : memref<512xi32, #tpu.memory_space<vmem>> -> memref<64xi32, #tpu.memory_space<vmem>>
    %dma_wait3A_363 = arith.constant 0 : i32
    %dma_wait3A_364 = arith.constant 0 : i32
    %dma_wait3A_365 = tpu.memref_slice %arg5[%dma_wait3A_363, %dma_wait3A_364] : memref<100000x128xf32, #tpu.memory_space<hbm>> -> memref<100000x128xf32, #tpu.memory_space<hbm>>
    tpu.wait_indirect_dma semaphore(%arg21 : memref<!tpu.dma_semaphore, #tpu.memory_space<semaphore_mem>>) src(%dma_wait3A_365 : memref<100000x128xf32, #tpu.memory_space<hbm>>) dst(%arg14 : memref<64x128xf32, #tpu.memory_space<vmem>>)
    %scan3A_366 = arith.constant 0 : i32
    %scan3A_367 = arith.constant 0 : i32
    %scan3A_368 = arith.constant 64 : i32
    %scan3A_369 = arith.addi %scan3A_367, %scan3A_368 : i32
    %scan3A_370 = arith.constant 1 : i32
    scf.for %scan3A_592 = %scan3A_367 to %scan3A_369 step %scan3A_370  : i32 {
      %get3A = arith.index_cast %scan3A_592 : i32 to index
      %get3A_593 = arith.constant 0 : index
      %get3A_594 = tpu.vector_load %arg13[%get3A, %get3A_593] {strides = array<i32>} : memref<64x128xf32, #tpu.memory_space<vmem>>, vector<1x16xf32>,
      %get3A_595 = vector.shape_cast %get3A_594 : vector<1x16xf32> to vector<16xf32>
      %get3A_596 = arith.index_cast %scan3A_592 : i32 to index
      %get3A_597 = arith.constant 0 : index
      %get3A_598 = tpu.vector_load %arg14[%get3A_596, %get3A_597] {strides = array<i32>} : memref<64x128xf32, #tpu.memory_space<vmem>>, vector<1x16xf32>,
      %get3A_599 = vector.shape_cast %get3A_598 : vector<1x16xf32> to vector<16xf32>
      %mul3A_600 = arith.mulf %get3A_595, %get3A_599 : vector<16xf32>
      %swap3A = arith.index_cast %scan3A_592 : i32 to index
      %swap3A_601 = arith.constant 0 : index
      %swap3A_602 = tpu.vector_load %arg13[%swap3A, %swap3A_601] {strides = array<i32>} : memref<64x128xf32, #tpu.memory_space<vmem>>, vector<1x16xf32>,
      %swap3A_603 = vector.shape_cast %swap3A_602 : vector<1x16xf32> to vector<16xf32>
      %swap3A_604 = vector.shape_cast %mul3A_600 : vector<16xf32> to vector<1x16xf32>
      tpu.vector_store %arg13[%swap3A, %swap3A_601], %swap3A_604 {strides = array<i32>} : memref<64x128xf32, #tpu.memory_space<vmem>>, vector<1x16xf32>,
      %get3A_605 = arith.index_cast %scan3A_592 : i32 to index
      %get3A_606 = arith.constant 16 : index
      %get3A_607 = tpu.vector_load %arg13[%get3A_605, %get3A_606] {strides = array<i32>} : memref<64x128xf32, #tpu.memory_space<vmem>>, vector<1x16xf32>,
      %get3A_608 = vector.shape_cast %get3A_607 : vector<1x16xf32> to vector<16xf32>
      %get3A_609 = arith.index_cast %scan3A_592 : i32 to index
      %get3A_610 = arith.constant 16 : index
      %get3A_611 = tpu.vector_load %arg14[%get3A_609, %get3A_610] {strides = array<i32>} : memref<64x128xf32, #tpu.memory_space<vmem>>, vector<1x16xf32>,
      %get3A_612 = vector.shape_cast %get3A_611 : vector<1x16xf32> to vector<16xf32>
      %mul3A_613 = arith.mulf %get3A_608, %get3A_612 : vector<16xf32>
      %swap3A_614 = arith.index_cast %scan3A_592 : i32 to index
      %swap3A_615 = arith.constant 16 : index
      %swap3A_616 = tpu.vector_load %arg13[%swap3A_614, %swap3A_615] {strides = array<i32>} : memref<64x128xf32, #tpu.memory_space<vmem>>, vector<1x16xf32>,
      %swap3A_617 = vector.shape_cast %swap3A_616 : vector<1x16xf32> to vector<16xf32>
      %swap3A_618 = vector.shape_cast %mul3A_613 : vector<16xf32> to vector<1x16xf32>
      tpu.vector_store %arg13[%swap3A_614, %swap3A_615], %swap3A_618 {strides = array<i32>} : memref<64x128xf32, #tpu.memory_space<vmem>>, vector<1x16xf32>,
      %get3A_619 = arith.index_cast %scan3A_592 : i32 to index
      %get3A_620 = arith.constant 32 : index
      %get3A_621 = tpu.vector_load %arg13[%get3A_619, %get3A_620] {strides = array<i32>} : memref<64x128xf32, #tpu.memory_space<vmem>>, vector<1x16xf32>,
      %get3A_622 = vector.shape_cast %get3A_621 : vector<1x16xf32> to vector<16xf32>
      %get3A_623 = arith.index_cast %scan3A_592 : i32 to index
      %get3A_624 = arith.constant 32 : index
      %get3A_625 = tpu.vector_load %arg14[%get3A_623, %get3A_624] {strides = array<i32>} : memref<64x128xf32, #tpu.memory_space<vmem>>, vector<1x16xf32>,
      %get3A_626 = vector.shape_cast %get3A_625 : vector<1x16xf32> to vector<16xf32>
      %mul3A_627 = arith.mulf %get3A_622, %get3A_626 : vector<16xf32>
      %swap3A_628 = arith.index_cast %scan3A_592 : i32 to index
      %swap3A_629 = arith.constant 32 : index
      %swap3A_630 = tpu.vector_load %arg13[%swap3A_628, %swap3A_629] {strides = array<i32>} : memref<64x128xf32, #tpu.memory_space<vmem>>, vector<1x16xf32>,
      %swap3A_631 = vector.shape_cast %swap3A_630 : vector<1x16xf32> to vector<16xf32>
      %swap3A_632 = vector.shape_cast %mul3A_627 : vector<16xf32> to vector<1x16xf32>
      tpu.vector_store %arg13[%swap3A_628, %swap3A_629], %swap3A_632 {strides = array<i32>} : memref<64x128xf32, #tpu.memory_space<vmem>>, vector<1x16xf32>,
      %get3A_633 = arith.index_cast %scan3A_592 : i32 to index
      %get3A_634 = arith.constant 48 : index
      %get3A_635 = tpu.vector_load %arg13[%get3A_633, %get3A_634] {strides = array<i32>} : memref<64x128xf32, #tpu.memory_space<vmem>>, vector<1x16xf32>,
      %get3A_636 = vector.shape_cast %get3A_635 : vector<1x16xf32> to vector<16xf32>
      %get3A_637 = arith.index_cast %scan3A_592 : i32 to index
      %get3A_638 = arith.constant 48 : index
      %get3A_639 = tpu.vector_load %arg14[%get3A_637, %get3A_638] {strides = array<i32>} : memref<64x128xf32, #tpu.memory_space<vmem>>, vector<1x16xf32>,
      %get3A_640 = vector.shape_cast %get3A_639 : vector<1x16xf32> to vector<16xf32>
      %mul3A_641 = arith.mulf %get3A_636, %get3A_640 : vector<16xf32>
      %swap3A_642 = arith.index_cast %scan3A_592 : i32 to index
      %swap3A_643 = arith.constant 48 : index
      %swap3A_644 = tpu.vector_load %arg13[%swap3A_642, %swap3A_643] {strides = array<i32>} : memref<64x128xf32, #tpu.memory_space<vmem>>, vector<1x16xf32>,
      %swap3A_645 = vector.shape_cast %swap3A_644 : vector<1x16xf32> to vector<16xf32>
      %swap3A_646 = vector.shape_cast %mul3A_641 : vector<16xf32> to vector<1x16xf32>
      tpu.vector_store %arg13[%swap3A_642, %swap3A_643], %swap3A_646 {strides = array<i32>} : memref<64x128xf32, #tpu.memory_space<vmem>>, vector<1x16xf32>,
      %get3A_647 = arith.index_cast %scan3A_592 : i32 to index
      %get3A_648 = arith.constant 64 : index
      %get3A_649 = tpu.vector_load %arg13[%get3A_647, %get3A_648] {strides = array<i32>} : memref<64x128xf32, #tpu.memory_space<vmem>>, vector<1x16xf32>,
      %get3A_650 = vector.shape_cast %get3A_649 : vector<1x16xf32> to vector<16xf32>
      %get3A_651 = arith.index_cast %scan3A_592 : i32 to index
      %get3A_652 = arith.constant 64 : index
      %get3A_653 = tpu.vector_load %arg14[%get3A_651, %get3A_652] {strides = array<i32>} : memref<64x128xf32, #tpu.memory_space<vmem>>, vector<1x16xf32>,
      %get3A_654 = vector.shape_cast %get3A_653 : vector<1x16xf32> to vector<16xf32>
      %mul3A_655 = arith.mulf %get3A_650, %get3A_654 : vector<16xf32>
      %swap3A_656 = arith.index_cast %scan3A_592 : i32 to index
      %swap3A_657 = arith.constant 64 : index
      %swap3A_658 = tpu.vector_load %arg13[%swap3A_656, %swap3A_657] {strides = array<i32>} : memref<64x128xf32, #tpu.memory_space<vmem>>, vector<1x16xf32>,
      %swap3A_659 = vector.shape_cast %swap3A_658 : vector<1x16xf32> to vector<16xf32>
      %swap3A_660 = vector.shape_cast %mul3A_655 : vector<16xf32> to vector<1x16xf32>
      tpu.vector_store %arg13[%swap3A_656, %swap3A_657], %swap3A_660 {strides = array<i32>} : memref<64x128xf32, #tpu.memory_space<vmem>>, vector<1x16xf32>,
      %get3A_661 = arith.index_cast %scan3A_592 : i32 to index
      %get3A_662 = arith.constant 80 : index
      %get3A_663 = tpu.vector_load %arg13[%get3A_661, %get3A_662] {strides = array<i32>} : memref<64x128xf32, #tpu.memory_space<vmem>>, vector<1x16xf32>,
      %get3A_664 = vector.shape_cast %get3A_663 : vector<1x16xf32> to vector<16xf32>
      %get3A_665 = arith.index_cast %scan3A_592 : i32 to index
      %get3A_666 = arith.constant 80 : index
      %get3A_667 = tpu.vector_load %arg14[%get3A_665, %get3A_666] {strides = array<i32>} : memref<64x128xf32, #tpu.memory_space<vmem>>, vector<1x16xf32>,
      %get3A_668 = vector.shape_cast %get3A_667 : vector<1x16xf32> to vector<16xf32>
      %mul3A_669 = arith.mulf %get3A_664, %get3A_668 : vector<16xf32>
      %swap3A_670 = arith.index_cast %scan3A_592 : i32 to index
      %swap3A_671 = arith.constant 80 : index
      %swap3A_672 = tpu.vector_load %arg13[%swap3A_670, %swap3A_671] {strides = array<i32>} : memref<64x128xf32, #tpu.memory_space<vmem>>, vector<1x16xf32>,
      %swap3A_673 = vector.shape_cast %swap3A_672 : vector<1x16xf32> to vector<16xf32>
      %swap3A_674 = vector.shape_cast %mul3A_669 : vector<16xf32> to vector<1x16xf32>
      tpu.vector_store %arg13[%swap3A_670, %swap3A_671], %swap3A_674 {strides = array<i32>} : memref<64x128xf32, #tpu.memory_space<vmem>>, vector<1x16xf32>,
      %get3A_675 = arith.index_cast %scan3A_592 : i32 to index
      %get3A_676 = arith.constant 96 : index
      %get3A_677 = tpu.vector_load %arg13[%get3A_675, %get3A_676] {strides = array<i32>} : memref<64x128xf32, #tpu.memory_space<vmem>>, vector<1x16xf32>,
      %get3A_678 = vector.shape_cast %get3A_677 : vector<1x16xf32> to vector<16xf32>
      %get3A_679 = arith.index_cast %scan3A_592 : i32 to index
      %get3A_680 = arith.constant 96 : index
      %get3A_681 = tpu.vector_load %arg14[%get3A_679, %get3A_680] {strides = array<i32>} : memref<64x128xf32, #tpu.memory_space<vmem>>, vector<1x16xf32>,
      %get3A_682 = vector.shape_cast %get3A_681 : vector<1x16xf32> to vector<16xf32>
      %mul3A_683 = arith.mulf %get3A_678, %get3A_682 : vector<16xf32>
      %swap3A_684 = arith.index_cast %scan3A_592 : i32 to index
      %swap3A_685 = arith.constant 96 : index
      %swap3A_686 = tpu.vector_load %arg13[%swap3A_684, %swap3A_685] {strides = array<i32>} : memref<64x128xf32, #tpu.memory_space<vmem>>, vector<1x16xf32>,
      %swap3A_687 = vector.shape_cast %swap3A_686 : vector<1x16xf32> to vector<16xf32>
      %swap3A_688 = vector.shape_cast %mul3A_683 : vector<16xf32> to vector<1x16xf32>
      tpu.vector_store %arg13[%swap3A_684, %swap3A_685], %swap3A_688 {strides = array<i32>} : memref<64x128xf32, #tpu.memory_space<vmem>>, vector<1x16xf32>,
      %get3A_689 = arith.index_cast %scan3A_592 : i32 to index
      %get3A_690 = arith.constant 112 : index
      %get3A_691 = tpu.vector_load %arg13[%get3A_689, %get3A_690] {strides = array<i32>} : memref<64x128xf32, #tpu.memory_space<vmem>>, vector<1x16xf32>,
      %get3A_692 = vector.shape_cast %get3A_691 : vector<1x16xf32> to vector<16xf32>
      %get3A_693 = arith.index_cast %scan3A_592 : i32 to index
      %get3A_694 = arith.constant 112 : index
      %get3A_695 = tpu.vector_load %arg14[%get3A_693, %get3A_694] {strides = array<i32>} : memref<64x128xf32, #tpu.memory_space<vmem>>, vector<1x16xf32>,
      %get3A_696 = vector.shape_cast %get3A_695 : vector<1x16xf32> to vector<16xf32>
      %mul3A_697 = arith.mulf %get3A_692, %get3A_696 : vector<16xf32>
      %swap3A_698 = arith.index_cast %scan3A_592 : i32 to index
      %swap3A_699 = arith.constant 112 : index
      %swap3A_700 = tpu.vector_load %arg13[%swap3A_698, %swap3A_699] {strides = array<i32>} : memref<64x128xf32, #tpu.memory_space<vmem>>, vector<1x16xf32>,
      %swap3A_701 = vector.shape_cast %swap3A_700 : vector<1x16xf32> to vector<16xf32>
      %swap3A_702 = vector.shape_cast %mul3A_697 : vector<16xf32> to vector<1x16xf32>
      tpu.vector_store %arg13[%swap3A_698, %swap3A_699], %swap3A_702 {strides = array<i32>} : memref<64x128xf32, #tpu.memory_space<vmem>>, vector<1x16xf32>,
    }
    %scan3A_371 = arith.constant 64 : i32
    %dma_start3A_372 = arith.constant 0 : i32
    %dma_start3A_373 = tpu.memref_slice %arg8[%add3A_337, %dma_start3A_372] : memref<16384x128xf32, #tpu.memory_space<hbm>> -> memref<64x128xf32, #tpu.memory_space<hbm>>
    %dma_start3A_374 = arith.constant 0 : i32
    %dma_start3A_375 = tpu.memref_slice %arg8[%add3A_337, %dma_start3A_374] : memref<16384x128xf32, #tpu.memory_space<hbm>> -> memref<64x128xf32, #tpu.memory_space<hbm>>
    tpu.enqueue_dma source(%arg13 : memref<64x128xf32, #tpu.memory_space<vmem>>) target(%dma_start3A_375 : memref<64x128xf32, #tpu.memory_space<hbm>>) target_semaphore(%arg25 : memref<!tpu.dma_semaphore, #tpu.memory_space<semaphore_mem>>)
    %add3A_376 = arith.constant 256 : i32
    %add3A_377 = arith.addi %mul3A_2, %add3A_376 : i32
    %dma_wait3A_378 = arith.constant 0 : i32
    %dma_wait3A_379 = tpu.memref_slice %arg8[%add3A_377, %dma_wait3A_378] : memref<16384x128xf32, #tpu.memory_space<hbm>> -> memref<64x128xf32, #tpu.memory_space<hbm>>
    %dma_wait3A_380 = arith.constant 0 : i32
    %dma_wait3A_381 = tpu.memref_slice %arg8[%add3A_377, %dma_wait3A_380] : memref<16384x128xf32, #tpu.memory_space<hbm>> -> memref<64x128xf32, #tpu.memory_space<hbm>>
    tpu.wait_dma2 semaphore(%arg25 : memref<!tpu.dma_semaphore, #tpu.memory_space<semaphore_mem>>) src(%arg13 : memref<64x128xf32, #tpu.memory_space<vmem>>) dst(%dma_wait3A_381 : memref<64x128xf32, #tpu.memory_space<hbm>>)
    %dma_wait3A_382 = arith.constant 0 : i32
    %dma_wait3A_383 = tpu.memref_slice %arg9[%add3A_377, %dma_wait3A_382] : memref<16384x128xf32, #tpu.memory_space<hbm>> -> memref<64x128xf32, #tpu.memory_space<hbm>>
    %dma_wait3A_384 = arith.constant 0 : i32
    %dma_wait3A_385 = tpu.memref_slice %arg9[%add3A_377, %dma_wait3A_384] : memref<16384x128xf32, #tpu.memory_space<hbm>> -> memref<64x128xf32, #tpu.memory_space<hbm>>
    tpu.wait_dma2 semaphore(%arg25 : memref<!tpu.dma_semaphore, #tpu.memory_space<semaphore_mem>>) src(%arg15 : memref<64x128xf32, #tpu.memory_space<vmem>>) dst(%dma_wait3A_385 : memref<64x128xf32, #tpu.memory_space<hbm>>)
    %dma_wait3A_386 = arith.constant 0 : i32
    %dma_wait3A_387 = tpu.memref_slice %arg10[%add3A_377, %dma_wait3A_386] : memref<16384x128xf32, #tpu.memory_space<hbm>> -> memref<64x128xf32, #tpu.memory_space<hbm>>
    %dma_wait3A_388 = arith.constant 0 : i32
    %dma_wait3A_389 = tpu.memref_slice %arg10[%add3A_377, %dma_wait3A_388] : memref<16384x128xf32, #tpu.memory_space<hbm>> -> memref<64x128xf32, #tpu.memory_space<hbm>>
    tpu.wait_dma2 semaphore(%arg25 : memref<!tpu.dma_semaphore, #tpu.memory_space<semaphore_mem>>) src(%arg16 : memref<64x128xf32, #tpu.memory_space<vmem>>) dst(%dma_wait3A_389 : memref<64x128xf32, #tpu.memory_space<hbm>>)
    %dma_start3A_390 = arith.constant 384 : i32
    %dma_start3A_391 = tpu.memref_slice %arg11[%dma_start3A_390] : memref<512xi32, #tpu.memory_space<vmem>> -> memref<64xi32, #tpu.memory_space<vmem>>
    %dma_start3A_392 = arith.constant 0 : i32
    %dma_start3A_393 = arith.constant 0 : i32
    %dma_start3A_394 = tpu.memref_slice %arg4[%dma_start3A_392, %dma_start3A_393] : memref<100000x128xf32, #tpu.memory_space<hbm>> -> memref<100000x128xf32, #tpu.memory_space<hbm>>
    tpu.enqueue_indirect_dma source(%dma_start3A_394 : memref<100000x128xf32, #tpu.memory_space<hbm>>) target(%arg13 : memref<64x128xf32, #tpu.memory_space<vmem>>) offsets(%dma_start3A_391 : memref<64xi32, #tpu.memory_space<vmem>>) semaphore(%arg21 : memref<!tpu.dma_semaphore, #tpu.memory_space<semaphore_mem>>)
    %dma_start3A_395 = arith.constant 384 : i32
    %dma_start3A_396 = tpu.memref_slice %arg12[%dma_start3A_395] : memref<512xi32, #tpu.memory_space<vmem>> -> memref<64xi32, #tpu.memory_space<vmem>>
    %dma_start3A_397 = arith.constant 0 : i32
    %dma_start3A_398 = arith.constant 0 : i32
    %dma_start3A_399 = tpu.memref_slice %arg5[%dma_start3A_397, %dma_start3A_398] : memref<100000x128xf32, #tpu.memory_space<hbm>> -> memref<100000x128xf32, #tpu.memory_space<hbm>>
    tpu.enqueue_indirect_dma source(%dma_start3A_399 : memref<100000x128xf32, #tpu.memory_space<hbm>>) target(%arg14 : memref<64x128xf32, #tpu.memory_space<vmem>>) offsets(%dma_start3A_396 : memref<64xi32, #tpu.memory_space<vmem>>) semaphore(%arg21 : memref<!tpu.dma_semaphore, #tpu.memory_space<semaphore_mem>>)
    %dma_start3A_400 = arith.constant 384 : i32
    %dma_start3A_401 = tpu.memref_slice %arg11[%dma_start3A_400] : memref<512xi32, #tpu.memory_space<vmem>> -> memref<64xi32, #tpu.memory_space<vmem>>
    %dma_start3A_402 = arith.constant 0 : i32
    %dma_start3A_403 = arith.constant 0 : i32
    %dma_start3A_404 = tpu.memref_slice %arg6[%dma_start3A_402, %dma_start3A_403] : memref<100000x128xf32, #tpu.memory_space<hbm>> -> memref<100000x128xf32, #tpu.memory_space<hbm>>
    tpu.enqueue_indirect_dma source(%dma_start3A_404 : memref<100000x128xf32, #tpu.memory_space<hbm>>) target(%arg15 : memref<64x128xf32, #tpu.memory_space<vmem>>) offsets(%dma_start3A_401 : memref<64xi32, #tpu.memory_space<vmem>>) semaphore(%arg23 : memref<!tpu.dma_semaphore, #tpu.memory_space<semaphore_mem>>)
    %dma_start3A_405 = arith.constant 384 : i32
    %dma_start3A_406 = tpu.memref_slice %arg12[%dma_start3A_405] : memref<512xi32, #tpu.memory_space<vmem>> -> memref<64xi32, #tpu.memory_space<vmem>>
    %dma_start3A_407 = arith.constant 0 : i32
    %dma_start3A_408 = arith.constant 0 : i32
    %dma_start3A_409 = tpu.memref_slice %arg7[%dma_start3A_407, %dma_start3A_408] : memref<100000x128xf32, #tpu.memory_space<hbm>> -> memref<100000x128xf32, #tpu.memory_space<hbm>>
    tpu.enqueue_indirect_dma source(%dma_start3A_409 : memref<100000x128xf32, #tpu.memory_space<hbm>>) target(%arg16 : memref<64x128xf32, #tpu.memory_space<vmem>>) offsets(%dma_start3A_406 : memref<64xi32, #tpu.memory_space<vmem>>) semaphore(%arg23 : memref<!tpu.dma_semaphore, #tpu.memory_space<semaphore_mem>>)
    %add3A_410 = arith.constant 320 : i32
    %add3A_411 = arith.addi %mul3A_2, %add3A_410 : i32
    %dma_wait3A_412 = arith.constant 320 : i32
    %dma_wait3A_413 = tpu.memref_slice %arg11[%dma_wait3A_412] : memref<512xi32, #tpu.memory_space<vmem>> -> memref<64xi32, #tpu.memory_space<vmem>>
    %dma_wait3A_414 = arith.constant 0 : i32
    %dma_wait3A_415 = arith.constant 0 : i32
    %dma_wait3A_416 = tpu.memref_slice %arg6[%dma_wait3A_414, %dma_wait3A_415] : memref<100000x128xf32, #tpu.memory_space<hbm>> -> memref<100000x128xf32, #tpu.memory_space<hbm>>
    tpu.wait_indirect_dma semaphore(%arg24 : memref<!tpu.dma_semaphore, #tpu.memory_space<semaphore_mem>>) src(%dma_wait3A_416 : memref<100000x128xf32, #tpu.memory_space<hbm>>) dst(%arg19 : memref<64x128xf32, #tpu.memory_space<vmem>>)
    %dma_wait3A_417 = arith.constant 320 : i32
    %dma_wait3A_418 = tpu.memref_slice %arg12[%dma_wait3A_417] : memref<512xi32, #tpu.memory_space<vmem>> -> memref<64xi32, #tpu.memory_space<vmem>>
    %dma_wait3A_419 = arith.constant 0 : i32
    %dma_wait3A_420 = arith.constant 0 : i32
    %dma_wait3A_421 = tpu.memref_slice %arg7[%dma_wait3A_419, %dma_wait3A_420] : memref<100000x128xf32, #tpu.memory_space<hbm>> -> memref<100000x128xf32, #tpu.memory_space<hbm>>
    tpu.wait_indirect_dma semaphore(%arg24 : memref<!tpu.dma_semaphore, #tpu.memory_space<semaphore_mem>>) src(%dma_wait3A_421 : memref<100000x128xf32, #tpu.memory_space<hbm>>) dst(%arg20 : memref<64x128xf32, #tpu.memory_space<vmem>>)
    %dma_start3A_422 = arith.constant 0 : i32
    %dma_start3A_423 = tpu.memref_slice %arg9[%add3A_411, %dma_start3A_422] : memref<16384x128xf32, #tpu.memory_space<hbm>> -> memref<64x128xf32, #tpu.memory_space<hbm>>
    %dma_start3A_424 = arith.constant 0 : i32
    %dma_start3A_425 = tpu.memref_slice %arg9[%add3A_411, %dma_start3A_424] : memref<16384x128xf32, #tpu.memory_space<hbm>> -> memref<64x128xf32, #tpu.memory_space<hbm>>
    tpu.enqueue_dma source(%arg19 : memref<64x128xf32, #tpu.memory_space<vmem>>) target(%dma_start3A_425 : memref<64x128xf32, #tpu.memory_space<hbm>>) target_semaphore(%arg26 : memref<!tpu.dma_semaphore, #tpu.memory_space<semaphore_mem>>)
    %dma_start3A_426 = arith.constant 0 : i32
    %dma_start3A_427 = tpu.memref_slice %arg10[%add3A_411, %dma_start3A_426] : memref<16384x128xf32, #tpu.memory_space<hbm>> -> memref<64x128xf32, #tpu.memory_space<hbm>>
    %dma_start3A_428 = arith.constant 0 : i32
    %dma_start3A_429 = tpu.memref_slice %arg10[%add3A_411, %dma_start3A_428] : memref<16384x128xf32, #tpu.memory_space<hbm>> -> memref<64x128xf32, #tpu.memory_space<hbm>>
    tpu.enqueue_dma source(%arg20 : memref<64x128xf32, #tpu.memory_space<vmem>>) target(%dma_start3A_429 : memref<64x128xf32, #tpu.memory_space<hbm>>) target_semaphore(%arg26 : memref<!tpu.dma_semaphore, #tpu.memory_space<semaphore_mem>>)
    %dma_wait3A_430 = arith.constant 320 : i32
    %dma_wait3A_431 = tpu.memref_slice %arg11[%dma_wait3A_430] : memref<512xi32, #tpu.memory_space<vmem>> -> memref<64xi32, #tpu.memory_space<vmem>>
    %dma_wait3A_432 = arith.constant 0 : i32
    %dma_wait3A_433 = arith.constant 0 : i32
    %dma_wait3A_434 = tpu.memref_slice %arg4[%dma_wait3A_432, %dma_wait3A_433] : memref<100000x128xf32, #tpu.memory_space<hbm>> -> memref<100000x128xf32, #tpu.memory_space<hbm>>
    tpu.wait_indirect_dma semaphore(%arg22 : memref<!tpu.dma_semaphore, #tpu.memory_space<semaphore_mem>>) src(%dma_wait3A_434 : memref<100000x128xf32, #tpu.memory_space<hbm>>) dst(%arg17 : memref<64x128xf32, #tpu.memory_space<vmem>>)
    %dma_wait3A_435 = arith.constant 320 : i32
    %dma_wait3A_436 = tpu.memref_slice %arg12[%dma_wait3A_435] : memref<512xi32, #tpu.memory_space<vmem>> -> memref<64xi32, #tpu.memory_space<vmem>>
    %dma_wait3A_437 = arith.constant 0 : i32
    %dma_wait3A_438 = arith.constant 0 : i32
    %dma_wait3A_439 = tpu.memref_slice %arg5[%dma_wait3A_437, %dma_wait3A_438] : memref<100000x128xf32, #tpu.memory_space<hbm>> -> memref<100000x128xf32, #tpu.memory_space<hbm>>
    tpu.wait_indirect_dma semaphore(%arg22 : memref<!tpu.dma_semaphore, #tpu.memory_space<semaphore_mem>>) src(%dma_wait3A_439 : memref<100000x128xf32, #tpu.memory_space<hbm>>) dst(%arg18 : memref<64x128xf32, #tpu.memory_space<vmem>>)
    %scan3A_440 = arith.constant 0 : i32
    %scan3A_441 = arith.constant 0 : i32
    %scan3A_442 = arith.constant 64 : i32
    %scan3A_443 = arith.addi %scan3A_441, %scan3A_442 : i32
    %scan3A_444 = arith.constant 1 : i32
    scf.for %scan3A_592 = %scan3A_441 to %scan3A_443 step %scan3A_444  : i32 {
      %get3A = arith.index_cast %scan3A_592 : i32 to index
      %get3A_593 = arith.constant 0 : index
      %get3A_594 = tpu.vector_load %arg17[%get3A, %get3A_593] {strides = array<i32>} : memref<64x128xf32, #tpu.memory_space<vmem>>, vector<1x16xf32>,
      %get3A_595 = vector.shape_cast %get3A_594 : vector<1x16xf32> to vector<16xf32>
      %get3A_596 = arith.index_cast %scan3A_592 : i32 to index
      %get3A_597 = arith.constant 0 : index
      %get3A_598 = tpu.vector_load %arg18[%get3A_596, %get3A_597] {strides = array<i32>} : memref<64x128xf32, #tpu.memory_space<vmem>>, vector<1x16xf32>,
      %get3A_599 = vector.shape_cast %get3A_598 : vector<1x16xf32> to vector<16xf32>
      %mul3A_600 = arith.mulf %get3A_595, %get3A_599 : vector<16xf32>
      %swap3A = arith.index_cast %scan3A_592 : i32 to index
      %swap3A_601 = arith.constant 0 : index
      %swap3A_602 = tpu.vector_load %arg17[%swap3A, %swap3A_601] {strides = array<i32>} : memref<64x128xf32, #tpu.memory_space<vmem>>, vector<1x16xf32>,
      %swap3A_603 = vector.shape_cast %swap3A_602 : vector<1x16xf32> to vector<16xf32>
      %swap3A_604 = vector.shape_cast %mul3A_600 : vector<16xf32> to vector<1x16xf32>
      tpu.vector_store %arg17[%swap3A, %swap3A_601], %swap3A_604 {strides = array<i32>} : memref<64x128xf32, #tpu.memory_space<vmem>>, vector<1x16xf32>,
      %get3A_605 = arith.index_cast %scan3A_592 : i32 to index
      %get3A_606 = arith.constant 16 : index
      %get3A_607 = tpu.vector_load %arg17[%get3A_605, %get3A_606] {strides = array<i32>} : memref<64x128xf32, #tpu.memory_space<vmem>>, vector<1x16xf32>,
      %get3A_608 = vector.shape_cast %get3A_607 : vector<1x16xf32> to vector<16xf32>
      %get3A_609 = arith.index_cast %scan3A_592 : i32 to index
      %get3A_610 = arith.constant 16 : index
      %get3A_611 = tpu.vector_load %arg18[%get3A_609, %get3A_610] {strides = array<i32>} : memref<64x128xf32, #tpu.memory_space<vmem>>, vector<1x16xf32>,
      %get3A_612 = vector.shape_cast %get3A_611 : vector<1x16xf32> to vector<16xf32>
      %mul3A_613 = arith.mulf %get3A_608, %get3A_612 : vector<16xf32>
      %swap3A_614 = arith.index_cast %scan3A_592 : i32 to index
      %swap3A_615 = arith.constant 16 : index
      %swap3A_616 = tpu.vector_load %arg17[%swap3A_614, %swap3A_615] {strides = array<i32>} : memref<64x128xf32, #tpu.memory_space<vmem>>, vector<1x16xf32>,
      %swap3A_617 = vector.shape_cast %swap3A_616 : vector<1x16xf32> to vector<16xf32>
      %swap3A_618 = vector.shape_cast %mul3A_613 : vector<16xf32> to vector<1x16xf32>
      tpu.vector_store %arg17[%swap3A_614, %swap3A_615], %swap3A_618 {strides = array<i32>} : memref<64x128xf32, #tpu.memory_space<vmem>>, vector<1x16xf32>,
      %get3A_619 = arith.index_cast %scan3A_592 : i32 to index
      %get3A_620 = arith.constant 32 : index
      %get3A_621 = tpu.vector_load %arg17[%get3A_619, %get3A_620] {strides = array<i32>} : memref<64x128xf32, #tpu.memory_space<vmem>>, vector<1x16xf32>,
      %get3A_622 = vector.shape_cast %get3A_621 : vector<1x16xf32> to vector<16xf32>
      %get3A_623 = arith.index_cast %scan3A_592 : i32 to index
      %get3A_624 = arith.constant 32 : index
      %get3A_625 = tpu.vector_load %arg18[%get3A_623, %get3A_624] {strides = array<i32>} : memref<64x128xf32, #tpu.memory_space<vmem>>, vector<1x16xf32>,
      %get3A_626 = vector.shape_cast %get3A_625 : vector<1x16xf32> to vector<16xf32>
      %mul3A_627 = arith.mulf %get3A_622, %get3A_626 : vector<16xf32>
      %swap3A_628 = arith.index_cast %scan3A_592 : i32 to index
      %swap3A_629 = arith.constant 32 : index
      %swap3A_630 = tpu.vector_load %arg17[%swap3A_628, %swap3A_629] {strides = array<i32>} : memref<64x128xf32, #tpu.memory_space<vmem>>, vector<1x16xf32>,
      %swap3A_631 = vector.shape_cast %swap3A_630 : vector<1x16xf32> to vector<16xf32>
      %swap3A_632 = vector.shape_cast %mul3A_627 : vector<16xf32> to vector<1x16xf32>
      tpu.vector_store %arg17[%swap3A_628, %swap3A_629], %swap3A_632 {strides = array<i32>} : memref<64x128xf32, #tpu.memory_space<vmem>>, vector<1x16xf32>,
      %get3A_633 = arith.index_cast %scan3A_592 : i32 to index
      %get3A_634 = arith.constant 48 : index
      %get3A_635 = tpu.vector_load %arg17[%get3A_633, %get3A_634] {strides = array<i32>} : memref<64x128xf32, #tpu.memory_space<vmem>>, vector<1x16xf32>,
      %get3A_636 = vector.shape_cast %get3A_635 : vector<1x16xf32> to vector<16xf32>
      %get3A_637 = arith.index_cast %scan3A_592 : i32 to index
      %get3A_638 = arith.constant 48 : index
      %get3A_639 = tpu.vector_load %arg18[%get3A_637, %get3A_638] {strides = array<i32>} : memref<64x128xf32, #tpu.memory_space<vmem>>, vector<1x16xf32>,
      %get3A_640 = vector.shape_cast %get3A_639 : vector<1x16xf32> to vector<16xf32>
      %mul3A_641 = arith.mulf %get3A_636, %get3A_640 : vector<16xf32>
      %swap3A_642 = arith.index_cast %scan3A_592 : i32 to index
      %swap3A_643 = arith.constant 48 : index
      %swap3A_644 = tpu.vector_load %arg17[%swap3A_642, %swap3A_643] {strides = array<i32>} : memref<64x128xf32, #tpu.memory_space<vmem>>, vector<1x16xf32>,
      %swap3A_645 = vector.shape_cast %swap3A_644 : vector<1x16xf32> to vector<16xf32>
      %swap3A_646 = vector.shape_cast %mul3A_641 : vector<16xf32> to vector<1x16xf32>
      tpu.vector_store %arg17[%swap3A_642, %swap3A_643], %swap3A_646 {strides = array<i32>} : memref<64x128xf32, #tpu.memory_space<vmem>>, vector<1x16xf32>,
      %get3A_647 = arith.index_cast %scan3A_592 : i32 to index
      %get3A_648 = arith.constant 64 : index
      %get3A_649 = tpu.vector_load %arg17[%get3A_647, %get3A_648] {strides = array<i32>} : memref<64x128xf32, #tpu.memory_space<vmem>>, vector<1x16xf32>,
      %get3A_650 = vector.shape_cast %get3A_649 : vector<1x16xf32> to vector<16xf32>
      %get3A_651 = arith.index_cast %scan3A_592 : i32 to index
      %get3A_652 = arith.constant 64 : index
      %get3A_653 = tpu.vector_load %arg18[%get3A_651, %get3A_652] {strides = array<i32>} : memref<64x128xf32, #tpu.memory_space<vmem>>, vector<1x16xf32>,
      %get3A_654 = vector.shape_cast %get3A_653 : vector<1x16xf32> to vector<16xf32>
      %mul3A_655 = arith.mulf %get3A_650, %get3A_654 : vector<16xf32>
      %swap3A_656 = arith.index_cast %scan3A_592 : i32 to index
      %swap3A_657 = arith.constant 64 : index
      %swap3A_658 = tpu.vector_load %arg17[%swap3A_656, %swap3A_657] {strides = array<i32>} : memref<64x128xf32, #tpu.memory_space<vmem>>, vector<1x16xf32>,
      %swap3A_659 = vector.shape_cast %swap3A_658 : vector<1x16xf32> to vector<16xf32>
      %swap3A_660 = vector.shape_cast %mul3A_655 : vector<16xf32> to vector<1x16xf32>
      tpu.vector_store %arg17[%swap3A_656, %swap3A_657], %swap3A_660 {strides = array<i32>} : memref<64x128xf32, #tpu.memory_space<vmem>>, vector<1x16xf32>,
      %get3A_661 = arith.index_cast %scan3A_592 : i32 to index
      %get3A_662 = arith.constant 80 : index
      %get3A_663 = tpu.vector_load %arg17[%get3A_661, %get3A_662] {strides = array<i32>} : memref<64x128xf32, #tpu.memory_space<vmem>>, vector<1x16xf32>,
      %get3A_664 = vector.shape_cast %get3A_663 : vector<1x16xf32> to vector<16xf32>
      %get3A_665 = arith.index_cast %scan3A_592 : i32 to index
      %get3A_666 = arith.constant 80 : index
      %get3A_667 = tpu.vector_load %arg18[%get3A_665, %get3A_666] {strides = array<i32>} : memref<64x128xf32, #tpu.memory_space<vmem>>, vector<1x16xf32>,
      %get3A_668 = vector.shape_cast %get3A_667 : vector<1x16xf32> to vector<16xf32>
      %mul3A_669 = arith.mulf %get3A_664, %get3A_668 : vector<16xf32>
      %swap3A_670 = arith.index_cast %scan3A_592 : i32 to index
      %swap3A_671 = arith.constant 80 : index
      %swap3A_672 = tpu.vector_load %arg17[%swap3A_670, %swap3A_671] {strides = array<i32>} : memref<64x128xf32, #tpu.memory_space<vmem>>, vector<1x16xf32>,
      %swap3A_673 = vector.shape_cast %swap3A_672 : vector<1x16xf32> to vector<16xf32>
      %swap3A_674 = vector.shape_cast %mul3A_669 : vector<16xf32> to vector<1x16xf32>
      tpu.vector_store %arg17[%swap3A_670, %swap3A_671], %swap3A_674 {strides = array<i32>} : memref<64x128xf32, #tpu.memory_space<vmem>>, vector<1x16xf32>,
      %get3A_675 = arith.index_cast %scan3A_592 : i32 to index
      %get3A_676 = arith.constant 96 : index
      %get3A_677 = tpu.vector_load %arg17[%get3A_675, %get3A_676] {strides = array<i32>} : memref<64x128xf32, #tpu.memory_space<vmem>>, vector<1x16xf32>,
      %get3A_678 = vector.shape_cast %get3A_677 : vector<1x16xf32> to vector<16xf32>
      %get3A_679 = arith.index_cast %scan3A_592 : i32 to index
      %get3A_680 = arith.constant 96 : index
      %get3A_681 = tpu.vector_load %arg18[%get3A_679, %get3A_680] {strides = array<i32>} : memref<64x128xf32, #tpu.memory_space<vmem>>, vector<1x16xf32>,
      %get3A_682 = vector.shape_cast %get3A_681 : vector<1x16xf32> to vector<16xf32>
      %mul3A_683 = arith.mulf %get3A_678, %get3A_682 : vector<16xf32>
      %swap3A_684 = arith.index_cast %scan3A_592 : i32 to index
      %swap3A_685 = arith.constant 96 : index
      %swap3A_686 = tpu.vector_load %arg17[%swap3A_684, %swap3A_685] {strides = array<i32>} : memref<64x128xf32, #tpu.memory_space<vmem>>, vector<1x16xf32>,
      %swap3A_687 = vector.shape_cast %swap3A_686 : vector<1x16xf32> to vector<16xf32>
      %swap3A_688 = vector.shape_cast %mul3A_683 : vector<16xf32> to vector<1x16xf32>
      tpu.vector_store %arg17[%swap3A_684, %swap3A_685], %swap3A_688 {strides = array<i32>} : memref<64x128xf32, #tpu.memory_space<vmem>>, vector<1x16xf32>,
      %get3A_689 = arith.index_cast %scan3A_592 : i32 to index
      %get3A_690 = arith.constant 112 : index
      %get3A_691 = tpu.vector_load %arg17[%get3A_689, %get3A_690] {strides = array<i32>} : memref<64x128xf32, #tpu.memory_space<vmem>>, vector<1x16xf32>,
      %get3A_692 = vector.shape_cast %get3A_691 : vector<1x16xf32> to vector<16xf32>
      %get3A_693 = arith.index_cast %scan3A_592 : i32 to index
      %get3A_694 = arith.constant 112 : index
      %get3A_695 = tpu.vector_load %arg18[%get3A_693, %get3A_694] {strides = array<i32>} : memref<64x128xf32, #tpu.memory_space<vmem>>, vector<1x16xf32>,
      %get3A_696 = vector.shape_cast %get3A_695 : vector<1x16xf32> to vector<16xf32>
      %mul3A_697 = arith.mulf %get3A_692, %get3A_696 : vector<16xf32>
      %swap3A_698 = arith.index_cast %scan3A_592 : i32 to index
      %swap3A_699 = arith.constant 112 : index
      %swap3A_700 = tpu.vector_load %arg17[%swap3A_698, %swap3A_699] {strides = array<i32>} : memref<64x128xf32, #tpu.memory_space<vmem>>, vector<1x16xf32>,
      %swap3A_701 = vector.shape_cast %swap3A_700 : vector<1x16xf32> to vector<16xf32>
      %swap3A_702 = vector.shape_cast %mul3A_697 : vector<16xf32> to vector<1x16xf32>
      tpu.vector_store %arg17[%swap3A_698, %swap3A_699], %swap3A_702 {strides = array<i32>} : memref<64x128xf32, #tpu.memory_space<vmem>>, vector<1x16xf32>,
    }
    %scan3A_445 = arith.constant 64 : i32
    %dma_start3A_446 = arith.constant 0 : i32
    %dma_start3A_447 = tpu.memref_slice %arg8[%add3A_411, %dma_start3A_446] : memref<16384x128xf32, #tpu.memory_space<hbm>> -> memref<64x128xf32, #tpu.memory_space<hbm>>
    %dma_start3A_448 = arith.constant 0 : i32
    %dma_start3A_449 = tpu.memref_slice %arg8[%add3A_411, %dma_start3A_448] : memref<16384x128xf32, #tpu.memory_space<hbm>> -> memref<64x128xf32, #tpu.memory_space<hbm>>
    tpu.enqueue_dma source(%arg17 : memref<64x128xf32, #tpu.memory_space<vmem>>) target(%dma_start3A_449 : memref<64x128xf32, #tpu.memory_space<hbm>>) target_semaphore(%arg26 : memref<!tpu.dma_semaphore, #tpu.memory_space<semaphore_mem>>)
    %add3A_450 = arith.constant 320 : i32
    %add3A_451 = arith.addi %mul3A_2, %add3A_450 : i32
    %dma_wait3A_452 = arith.constant 0 : i32
    %dma_wait3A_453 = tpu.memref_slice %arg8[%add3A_451, %dma_wait3A_452] : memref<16384x128xf32, #tpu.memory_space<hbm>> -> memref<64x128xf32, #tpu.memory_space<hbm>>
    %dma_wait3A_454 = arith.constant 0 : i32
    %dma_wait3A_455 = tpu.memref_slice %arg8[%add3A_451, %dma_wait3A_454] : memref<16384x128xf32, #tpu.memory_space<hbm>> -> memref<64x128xf32, #tpu.memory_space<hbm>>
    tpu.wait_dma2 semaphore(%arg26 : memref<!tpu.dma_semaphore, #tpu.memory_space<semaphore_mem>>) src(%arg17 : memref<64x128xf32, #tpu.memory_space<vmem>>) dst(%dma_wait3A_455 : memref<64x128xf32, #tpu.memory_space<hbm>>)
    %dma_wait3A_456 = arith.constant 0 : i32
    %dma_wait3A_457 = tpu.memref_slice %arg9[%add3A_451, %dma_wait3A_456] : memref<16384x128xf32, #tpu.memory_space<hbm>> -> memref<64x128xf32, #tpu.memory_space<hbm>>
    %dma_wait3A_458 = arith.constant 0 : i32
    %dma_wait3A_459 = tpu.memref_slice %arg9[%add3A_451, %dma_wait3A_458] : memref<16384x128xf32, #tpu.memory_space<hbm>> -> memref<64x128xf32, #tpu.memory_space<hbm>>
    tpu.wait_dma2 semaphore(%arg26 : memref<!tpu.dma_semaphore, #tpu.memory_space<semaphore_mem>>) src(%arg19 : memref<64x128xf32, #tpu.memory_space<vmem>>) dst(%dma_wait3A_459 : memref<64x128xf32, #tpu.memory_space<hbm>>)
    %dma_wait3A_460 = arith.constant 0 : i32
    %dma_wait3A_461 = tpu.memref_slice %arg10[%add3A_451, %dma_wait3A_460] : memref<16384x128xf32, #tpu.memory_space<hbm>> -> memref<64x128xf32, #tpu.memory_space<hbm>>
    %dma_wait3A_462 = arith.constant 0 : i32
    %dma_wait3A_463 = tpu.memref_slice %arg10[%add3A_451, %dma_wait3A_462] : memref<16384x128xf32, #tpu.memory_space<hbm>> -> memref<64x128xf32, #tpu.memory_space<hbm>>
    tpu.wait_dma2 semaphore(%arg26 : memref<!tpu.dma_semaphore, #tpu.memory_space<semaphore_mem>>) src(%arg20 : memref<64x128xf32, #tpu.memory_space<vmem>>) dst(%dma_wait3A_463 : memref<64x128xf32, #tpu.memory_space<hbm>>)
    %dma_start3A_464 = arith.constant 448 : i32
    %dma_start3A_465 = tpu.memref_slice %arg11[%dma_start3A_464] : memref<512xi32, #tpu.memory_space<vmem>> -> memref<64xi32, #tpu.memory_space<vmem>>
    %dma_start3A_466 = arith.constant 0 : i32
    %dma_start3A_467 = arith.constant 0 : i32
    %dma_start3A_468 = tpu.memref_slice %arg4[%dma_start3A_466, %dma_start3A_467] : memref<100000x128xf32, #tpu.memory_space<hbm>> -> memref<100000x128xf32, #tpu.memory_space<hbm>>
    tpu.enqueue_indirect_dma source(%dma_start3A_468 : memref<100000x128xf32, #tpu.memory_space<hbm>>) target(%arg17 : memref<64x128xf32, #tpu.memory_space<vmem>>) offsets(%dma_start3A_465 : memref<64xi32, #tpu.memory_space<vmem>>) semaphore(%arg22 : memref<!tpu.dma_semaphore, #tpu.memory_space<semaphore_mem>>)
    %dma_start3A_469 = arith.constant 448 : i32
    %dma_start3A_470 = tpu.memref_slice %arg12[%dma_start3A_469] : memref<512xi32, #tpu.memory_space<vmem>> -> memref<64xi32, #tpu.memory_space<vmem>>
    %dma_start3A_471 = arith.constant 0 : i32
    %dma_start3A_472 = arith.constant 0 : i32
    %dma_start3A_473 = tpu.memref_slice %arg5[%dma_start3A_471, %dma_start3A_472] : memref<100000x128xf32, #tpu.memory_space<hbm>> -> memref<100000x128xf32, #tpu.memory_space<hbm>>
    tpu.enqueue_indirect_dma source(%dma_start3A_473 : memref<100000x128xf32, #tpu.memory_space<hbm>>) target(%arg18 : memref<64x128xf32, #tpu.memory_space<vmem>>) offsets(%dma_start3A_470 : memref<64xi32, #tpu.memory_space<vmem>>) semaphore(%arg22 : memref<!tpu.dma_semaphore, #tpu.memory_space<semaphore_mem>>)
    %dma_start3A_474 = arith.constant 448 : i32
    %dma_start3A_475 = tpu.memref_slice %arg11[%dma_start3A_474] : memref<512xi32, #tpu.memory_space<vmem>> -> memref<64xi32, #tpu.memory_space<vmem>>
    %dma_start3A_476 = arith.constant 0 : i32
    %dma_start3A_477 = arith.constant 0 : i32
    %dma_start3A_478 = tpu.memref_slice %arg6[%dma_start3A_476, %dma_start3A_477] : memref<100000x128xf32, #tpu.memory_space<hbm>> -> memref<100000x128xf32, #tpu.memory_space<hbm>>
    tpu.enqueue_indirect_dma source(%dma_start3A_478 : memref<100000x128xf32, #tpu.memory_space<hbm>>) target(%arg19 : memref<64x128xf32, #tpu.memory_space<vmem>>) offsets(%dma_start3A_475 : memref<64xi32, #tpu.memory_space<vmem>>) semaphore(%arg24 : memref<!tpu.dma_semaphore, #tpu.memory_space<semaphore_mem>>)
    %dma_start3A_479 = arith.constant 448 : i32
    %dma_start3A_480 = tpu.memref_slice %arg12[%dma_start3A_479] : memref<512xi32, #tpu.memory_space<vmem>> -> memref<64xi32, #tpu.memory_space<vmem>>
    %dma_start3A_481 = arith.constant 0 : i32
    %dma_start3A_482 = arith.constant 0 : i32
    %dma_start3A_483 = tpu.memref_slice %arg7[%dma_start3A_481, %dma_start3A_482] : memref<100000x128xf32, #tpu.memory_space<hbm>> -> memref<100000x128xf32, #tpu.memory_space<hbm>>
    tpu.enqueue_indirect_dma source(%dma_start3A_483 : memref<100000x128xf32, #tpu.memory_space<hbm>>) target(%arg20 : memref<64x128xf32, #tpu.memory_space<vmem>>) offsets(%dma_start3A_480 : memref<64xi32, #tpu.memory_space<vmem>>) semaphore(%arg24 : memref<!tpu.dma_semaphore, #tpu.memory_space<semaphore_mem>>)
    %add3A_484 = arith.constant 384 : i32
    %add3A_485 = arith.addi %mul3A_2, %add3A_484 : i32
    %dma_wait3A_486 = arith.constant 384 : i32
    %dma_wait3A_487 = tpu.memref_slice %arg11[%dma_wait3A_486] : memref<512xi32, #tpu.memory_space<vmem>> -> memref<64xi32, #tpu.memory_space<vmem>>
    %dma_wait3A_488 = arith.constant 0 : i32
    %dma_wait3A_489 = arith.constant 0 : i32
    %dma_wait3A_490 = tpu.memref_slice %arg6[%dma_wait3A_488, %dma_wait3A_489] : memref<100000x128xf32, #tpu.memory_space<hbm>> -> memref<100000x128xf32, #tpu.memory_space<hbm>>
    tpu.wait_indirect_dma semaphore(%arg23 : memref<!tpu.dma_semaphore, #tpu.memory_space<semaphore_mem>>) src(%dma_wait3A_490 : memref<100000x128xf32, #tpu.memory_space<hbm>>) dst(%arg15 : memref<64x128xf32, #tpu.memory_space<vmem>>)
    %dma_wait3A_491 = arith.constant 384 : i32
    %dma_wait3A_492 = tpu.memref_slice %arg12[%dma_wait3A_491] : memref<512xi32, #tpu.memory_space<vmem>> -> memref<64xi32, #tpu.memory_space<vmem>>
    %dma_wait3A_493 = arith.constant 0 : i32
    %dma_wait3A_494 = arith.constant 0 : i32
    %dma_wait3A_495 = tpu.memref_slice %arg7[%dma_wait3A_493, %dma_wait3A_494] : memref<100000x128xf32, #tpu.memory_space<hbm>> -> memref<100000x128xf32, #tpu.memory_space<hbm>>
    tpu.wait_indirect_dma semaphore(%arg23 : memref<!tpu.dma_semaphore, #tpu.memory_space<semaphore_mem>>) src(%dma_wait3A_495 : memref<100000x128xf32, #tpu.memory_space<hbm>>) dst(%arg16 : memref<64x128xf32, #tpu.memory_space<vmem>>)
    %dma_start3A_496 = arith.constant 0 : i32
    %dma_start3A_497 = tpu.memref_slice %arg9[%add3A_485, %dma_start3A_496] : memref<16384x128xf32, #tpu.memory_space<hbm>> -> memref<64x128xf32, #tpu.memory_space<hbm>>
    %dma_start3A_498 = arith.constant 0 : i32
    %dma_start3A_499 = tpu.memref_slice %arg9[%add3A_485, %dma_start3A_498] : memref<16384x128xf32, #tpu.memory_space<hbm>> -> memref<64x128xf32, #tpu.memory_space<hbm>>
    tpu.enqueue_dma source(%arg15 : memref<64x128xf32, #tpu.memory_space<vmem>>) target(%dma_start3A_499 : memref<64x128xf32, #tpu.memory_space<hbm>>) target_semaphore(%arg25 : memref<!tpu.dma_semaphore, #tpu.memory_space<semaphore_mem>>)
    %dma_start3A_500 = arith.constant 0 : i32
    %dma_start3A_501 = tpu.memref_slice %arg10[%add3A_485, %dma_start3A_500] : memref<16384x128xf32, #tpu.memory_space<hbm>> -> memref<64x128xf32, #tpu.memory_space<hbm>>
    %dma_start3A_502 = arith.constant 0 : i32
    %dma_start3A_503 = tpu.memref_slice %arg10[%add3A_485, %dma_start3A_502] : memref<16384x128xf32, #tpu.memory_space<hbm>> -> memref<64x128xf32, #tpu.memory_space<hbm>>
    tpu.enqueue_dma source(%arg16 : memref<64x128xf32, #tpu.memory_space<vmem>>) target(%dma_start3A_503 : memref<64x128xf32, #tpu.memory_space<hbm>>) target_semaphore(%arg25 : memref<!tpu.dma_semaphore, #tpu.memory_space<semaphore_mem>>)
    %dma_wait3A_504 = arith.constant 384 : i32
    %dma_wait3A_505 = tpu.memref_slice %arg11[%dma_wait3A_504] : memref<512xi32, #tpu.memory_space<vmem>> -> memref<64xi32, #tpu.memory_space<vmem>>
    %dma_wait3A_506 = arith.constant 0 : i32
    %dma_wait3A_507 = arith.constant 0 : i32
    %dma_wait3A_508 = tpu.memref_slice %arg4[%dma_wait3A_506, %dma_wait3A_507] : memref<100000x128xf32, #tpu.memory_space<hbm>> -> memref<100000x128xf32, #tpu.memory_space<hbm>>
    tpu.wait_indirect_dma semaphore(%arg21 : memref<!tpu.dma_semaphore, #tpu.memory_space<semaphore_mem>>) src(%dma_wait3A_508 : memref<100000x128xf32, #tpu.memory_space<hbm>>) dst(%arg13 : memref<64x128xf32, #tpu.memory_space<vmem>>)
    %dma_wait3A_509 = arith.constant 384 : i32
    %dma_wait3A_510 = tpu.memref_slice %arg12[%dma_wait3A_509] : memref<512xi32, #tpu.memory_space<vmem>> -> memref<64xi32, #tpu.memory_space<vmem>>
    %dma_wait3A_511 = arith.constant 0 : i32
    %dma_wait3A_512 = arith.constant 0 : i32
    %dma_wait3A_513 = tpu.memref_slice %arg5[%dma_wait3A_511, %dma_wait3A_512] : memref<100000x128xf32, #tpu.memory_space<hbm>> -> memref<100000x128xf32, #tpu.memory_space<hbm>>
    tpu.wait_indirect_dma semaphore(%arg21 : memref<!tpu.dma_semaphore, #tpu.memory_space<semaphore_mem>>) src(%dma_wait3A_513 : memref<100000x128xf32, #tpu.memory_space<hbm>>) dst(%arg14 : memref<64x128xf32, #tpu.memory_space<vmem>>)
    %scan3A_514 = arith.constant 0 : i32
    %scan3A_515 = arith.constant 0 : i32
    %scan3A_516 = arith.constant 64 : i32
    %scan3A_517 = arith.addi %scan3A_515, %scan3A_516 : i32
    %scan3A_518 = arith.constant 1 : i32
    scf.for %scan3A_592 = %scan3A_515 to %scan3A_517 step %scan3A_518  : i32 {
      %get3A = arith.index_cast %scan3A_592 : i32 to index
      %get3A_593 = arith.constant 0 : index
      %get3A_594 = tpu.vector_load %arg13[%get3A, %get3A_593] {strides = array<i32>} : memref<64x128xf32, #tpu.memory_space<vmem>>, vector<1x16xf32>,
      %get3A_595 = vector.shape_cast %get3A_594 : vector<1x16xf32> to vector<16xf32>
      %get3A_596 = arith.index_cast %scan3A_592 : i32 to index
      %get3A_597 = arith.constant 0 : index
      %get3A_598 = tpu.vector_load %arg14[%get3A_596, %get3A_597] {strides = array<i32>} : memref<64x128xf32, #tpu.memory_space<vmem>>, vector<1x16xf32>,
      %get3A_599 = vector.shape_cast %get3A_598 : vector<1x16xf32> to vector<16xf32>
      %mul3A_600 = arith.mulf %get3A_595, %get3A_599 : vector<16xf32>
      %swap3A = arith.index_cast %scan3A_592 : i32 to index
      %swap3A_601 = arith.constant 0 : index
      %swap3A_602 = tpu.vector_load %arg13[%swap3A, %swap3A_601] {strides = array<i32>} : memref<64x128xf32, #tpu.memory_space<vmem>>, vector<1x16xf32>,
      %swap3A_603 = vector.shape_cast %swap3A_602 : vector<1x16xf32> to vector<16xf32>
      %swap3A_604 = vector.shape_cast %mul3A_600 : vector<16xf32> to vector<1x16xf32>
      tpu.vector_store %arg13[%swap3A, %swap3A_601], %swap3A_604 {strides = array<i32>} : memref<64x128xf32, #tpu.memory_space<vmem>>, vector<1x16xf32>,
      %get3A_605 = arith.index_cast %scan3A_592 : i32 to index
      %get3A_606 = arith.constant 16 : index
      %get3A_607 = tpu.vector_load %arg13[%get3A_605, %get3A_606] {strides = array<i32>} : memref<64x128xf32, #tpu.memory_space<vmem>>, vector<1x16xf32>,
      %get3A_608 = vector.shape_cast %get3A_607 : vector<1x16xf32> to vector<16xf32>
      %get3A_609 = arith.index_cast %scan3A_592 : i32 to index
      %get3A_610 = arith.constant 16 : index
      %get3A_611 = tpu.vector_load %arg14[%get3A_609, %get3A_610] {strides = array<i32>} : memref<64x128xf32, #tpu.memory_space<vmem>>, vector<1x16xf32>,
      %get3A_612 = vector.shape_cast %get3A_611 : vector<1x16xf32> to vector<16xf32>
      %mul3A_613 = arith.mulf %get3A_608, %get3A_612 : vector<16xf32>
      %swap3A_614 = arith.index_cast %scan3A_592 : i32 to index
      %swap3A_615 = arith.constant 16 : index
      %swap3A_616 = tpu.vector_load %arg13[%swap3A_614, %swap3A_615] {strides = array<i32>} : memref<64x128xf32, #tpu.memory_space<vmem>>, vector<1x16xf32>,
      %swap3A_617 = vector.shape_cast %swap3A_616 : vector<1x16xf32> to vector<16xf32>
      %swap3A_618 = vector.shape_cast %mul3A_613 : vector<16xf32> to vector<1x16xf32>
      tpu.vector_store %arg13[%swap3A_614, %swap3A_615], %swap3A_618 {strides = array<i32>} : memref<64x128xf32, #tpu.memory_space<vmem>>, vector<1x16xf32>,
      %get3A_619 = arith.index_cast %scan3A_592 : i32 to index
      %get3A_620 = arith.constant 32 : index
      %get3A_621 = tpu.vector_load %arg13[%get3A_619, %get3A_620] {strides = array<i32>} : memref<64x128xf32, #tpu.memory_space<vmem>>, vector<1x16xf32>,
      %get3A_622 = vector.shape_cast %get3A_621 : vector<1x16xf32> to vector<16xf32>
      %get3A_623 = arith.index_cast %scan3A_592 : i32 to index
      %get3A_624 = arith.constant 32 : index
      %get3A_625 = tpu.vector_load %arg14[%get3A_623, %get3A_624] {strides = array<i32>} : memref<64x128xf32, #tpu.memory_space<vmem>>, vector<1x16xf32>,
      %get3A_626 = vector.shape_cast %get3A_625 : vector<1x16xf32> to vector<16xf32>
      %mul3A_627 = arith.mulf %get3A_622, %get3A_626 : vector<16xf32>
      %swap3A_628 = arith.index_cast %scan3A_592 : i32 to index
      %swap3A_629 = arith.constant 32 : index
      %swap3A_630 = tpu.vector_load %arg13[%swap3A_628, %swap3A_629] {strides = array<i32>} : memref<64x128xf32, #tpu.memory_space<vmem>>, vector<1x16xf32>,
      %swap3A_631 = vector.shape_cast %swap3A_630 : vector<1x16xf32> to vector<16xf32>
      %swap3A_632 = vector.shape_cast %mul3A_627 : vector<16xf32> to vector<1x16xf32>
      tpu.vector_store %arg13[%swap3A_628, %swap3A_629], %swap3A_632 {strides = array<i32>} : memref<64x128xf32, #tpu.memory_space<vmem>>, vector<1x16xf32>,
      %get3A_633 = arith.index_cast %scan3A_592 : i32 to index
      %get3A_634 = arith.constant 48 : index
      %get3A_635 = tpu.vector_load %arg13[%get3A_633, %get3A_634] {strides = array<i32>} : memref<64x128xf32, #tpu.memory_space<vmem>>, vector<1x16xf32>,
      %get3A_636 = vector.shape_cast %get3A_635 : vector<1x16xf32> to vector<16xf32>
      %get3A_637 = arith.index_cast %scan3A_592 : i32 to index
      %get3A_638 = arith.constant 48 : index
      %get3A_639 = tpu.vector_load %arg14[%get3A_637, %get3A_638] {strides = array<i32>} : memref<64x128xf32, #tpu.memory_space<vmem>>, vector<1x16xf32>,
      %get3A_640 = vector.shape_cast %get3A_639 : vector<1x16xf32> to vector<16xf32>
      %mul3A_641 = arith.mulf %get3A_636, %get3A_640 : vector<16xf32>
      %swap3A_642 = arith.index_cast %scan3A_592 : i32 to index
      %swap3A_643 = arith.constant 48 : index
      %swap3A_644 = tpu.vector_load %arg13[%swap3A_642, %swap3A_643] {strides = array<i32>} : memref<64x128xf32, #tpu.memory_space<vmem>>, vector<1x16xf32>,
      %swap3A_645 = vector.shape_cast %swap3A_644 : vector<1x16xf32> to vector<16xf32>
      %swap3A_646 = vector.shape_cast %mul3A_641 : vector<16xf32> to vector<1x16xf32>
      tpu.vector_store %arg13[%swap3A_642, %swap3A_643], %swap3A_646 {strides = array<i32>} : memref<64x128xf32, #tpu.memory_space<vmem>>, vector<1x16xf32>,
      %get3A_647 = arith.index_cast %scan3A_592 : i32 to index
      %get3A_648 = arith.constant 64 : index
      %get3A_649 = tpu.vector_load %arg13[%get3A_647, %get3A_648] {strides = array<i32>} : memref<64x128xf32, #tpu.memory_space<vmem>>, vector<1x16xf32>,
      %get3A_650 = vector.shape_cast %get3A_649 : vector<1x16xf32> to vector<16xf32>
      %get3A_651 = arith.index_cast %scan3A_592 : i32 to index
      %get3A_652 = arith.constant 64 : index
      %get3A_653 = tpu.vector_load %arg14[%get3A_651, %get3A_652] {strides = array<i32>} : memref<64x128xf32, #tpu.memory_space<vmem>>, vector<1x16xf32>,
      %get3A_654 = vector.shape_cast %get3A_653 : vector<1x16xf32> to vector<16xf32>
      %mul3A_655 = arith.mulf %get3A_650, %get3A_654 : vector<16xf32>
      %swap3A_656 = arith.index_cast %scan3A_592 : i32 to index
      %swap3A_657 = arith.constant 64 : index
      %swap3A_658 = tpu.vector_load %arg13[%swap3A_656, %swap3A_657] {strides = array<i32>} : memref<64x128xf32, #tpu.memory_space<vmem>>, vector<1x16xf32>,
      %swap3A_659 = vector.shape_cast %swap3A_658 : vector<1x16xf32> to vector<16xf32>
      %swap3A_660 = vector.shape_cast %mul3A_655 : vector<16xf32> to vector<1x16xf32>
      tpu.vector_store %arg13[%swap3A_656, %swap3A_657], %swap3A_660 {strides = array<i32>} : memref<64x128xf32, #tpu.memory_space<vmem>>, vector<1x16xf32>,
      %get3A_661 = arith.index_cast %scan3A_592 : i32 to index
      %get3A_662 = arith.constant 80 : index
      %get3A_663 = tpu.vector_load %arg13[%get3A_661, %get3A_662] {strides = array<i32>} : memref<64x128xf32, #tpu.memory_space<vmem>>, vector<1x16xf32>,
      %get3A_664 = vector.shape_cast %get3A_663 : vector<1x16xf32> to vector<16xf32>
      %get3A_665 = arith.index_cast %scan3A_592 : i32 to index
      %get3A_666 = arith.constant 80 : index
      %get3A_667 = tpu.vector_load %arg14[%get3A_665, %get3A_666] {strides = array<i32>} : memref<64x128xf32, #tpu.memory_space<vmem>>, vector<1x16xf32>,
      %get3A_668 = vector.shape_cast %get3A_667 : vector<1x16xf32> to vector<16xf32>
      %mul3A_669 = arith.mulf %get3A_664, %get3A_668 : vector<16xf32>
      %swap3A_670 = arith.index_cast %scan3A_592 : i32 to index
      %swap3A_671 = arith.constant 80 : index
      %swap3A_672 = tpu.vector_load %arg13[%swap3A_670, %swap3A_671] {strides = array<i32>} : memref<64x128xf32, #tpu.memory_space<vmem>>, vector<1x16xf32>,
      %swap3A_673 = vector.shape_cast %swap3A_672 : vector<1x16xf32> to vector<16xf32>
      %swap3A_674 = vector.shape_cast %mul3A_669 : vector<16xf32> to vector<1x16xf32>
      tpu.vector_store %arg13[%swap3A_670, %swap3A_671], %swap3A_674 {strides = array<i32>} : memref<64x128xf32, #tpu.memory_space<vmem>>, vector<1x16xf32>,
      %get3A_675 = arith.index_cast %scan3A_592 : i32 to index
      %get3A_676 = arith.constant 96 : index
      %get3A_677 = tpu.vector_load %arg13[%get3A_675, %get3A_676] {strides = array<i32>} : memref<64x128xf32, #tpu.memory_space<vmem>>, vector<1x16xf32>,
      %get3A_678 = vector.shape_cast %get3A_677 : vector<1x16xf32> to vector<16xf32>
      %get3A_679 = arith.index_cast %scan3A_592 : i32 to index
      %get3A_680 = arith.constant 96 : index
      %get3A_681 = tpu.vector_load %arg14[%get3A_679, %get3A_680] {strides = array<i32>} : memref<64x128xf32, #tpu.memory_space<vmem>>, vector<1x16xf32>,
      %get3A_682 = vector.shape_cast %get3A_681 : vector<1x16xf32> to vector<16xf32>
      %mul3A_683 = arith.mulf %get3A_678, %get3A_682 : vector<16xf32>
      %swap3A_684 = arith.index_cast %scan3A_592 : i32 to index
      %swap3A_685 = arith.constant 96 : index
      %swap3A_686 = tpu.vector_load %arg13[%swap3A_684, %swap3A_685] {strides = array<i32>} : memref<64x128xf32, #tpu.memory_space<vmem>>, vector<1x16xf32>,
      %swap3A_687 = vector.shape_cast %swap3A_686 : vector<1x16xf32> to vector<16xf32>
      %swap3A_688 = vector.shape_cast %mul3A_683 : vector<16xf32> to vector<1x16xf32>
      tpu.vector_store %arg13[%swap3A_684, %swap3A_685], %swap3A_688 {strides = array<i32>} : memref<64x128xf32, #tpu.memory_space<vmem>>, vector<1x16xf32>,
      %get3A_689 = arith.index_cast %scan3A_592 : i32 to index
      %get3A_690 = arith.constant 112 : index
      %get3A_691 = tpu.vector_load %arg13[%get3A_689, %get3A_690] {strides = array<i32>} : memref<64x128xf32, #tpu.memory_space<vmem>>, vector<1x16xf32>,
      %get3A_692 = vector.shape_cast %get3A_691 : vector<1x16xf32> to vector<16xf32>
      %get3A_693 = arith.index_cast %scan3A_592 : i32 to index
      %get3A_694 = arith.constant 112 : index
      %get3A_695 = tpu.vector_load %arg14[%get3A_693, %get3A_694] {strides = array<i32>} : memref<64x128xf32, #tpu.memory_space<vmem>>, vector<1x16xf32>,
      %get3A_696 = vector.shape_cast %get3A_695 : vector<1x16xf32> to vector<16xf32>
      %mul3A_697 = arith.mulf %get3A_692, %get3A_696 : vector<16xf32>
      %swap3A_698 = arith.index_cast %scan3A_592 : i32 to index
      %swap3A_699 = arith.constant 112 : index
      %swap3A_700 = tpu.vector_load %arg13[%swap3A_698, %swap3A_699] {strides = array<i32>} : memref<64x128xf32, #tpu.memory_space<vmem>>, vector<1x16xf32>,
      %swap3A_701 = vector.shape_cast %swap3A_700 : vector<1x16xf32> to vector<16xf32>
      %swap3A_702 = vector.shape_cast %mul3A_697 : vector<16xf32> to vector<1x16xf32>
      tpu.vector_store %arg13[%swap3A_698, %swap3A_699], %swap3A_702 {strides = array<i32>} : memref<64x128xf32, #tpu.memory_space<vmem>>, vector<1x16xf32>,
    }
    %scan3A_519 = arith.constant 64 : i32
    %dma_start3A_520 = arith.constant 0 : i32
    %dma_start3A_521 = tpu.memref_slice %arg8[%add3A_485, %dma_start3A_520] : memref<16384x128xf32, #tpu.memory_space<hbm>> -> memref<64x128xf32, #tpu.memory_space<hbm>>
    %dma_start3A_522 = arith.constant 0 : i32
    %dma_start3A_523 = tpu.memref_slice %arg8[%add3A_485, %dma_start3A_522] : memref<16384x128xf32, #tpu.memory_space<hbm>> -> memref<64x128xf32, #tpu.memory_space<hbm>>
    tpu.enqueue_dma source(%arg13 : memref<64x128xf32, #tpu.memory_space<vmem>>) target(%dma_start3A_523 : memref<64x128xf32, #tpu.memory_space<hbm>>) target_semaphore(%arg25 : memref<!tpu.dma_semaphore, #tpu.memory_space<semaphore_mem>>)
    %add3A_524 = arith.constant 448 : i32
    %add3A_525 = arith.addi %mul3A_2, %add3A_524 : i32
    %dma_wait3A_526 = arith.constant 448 : i32
    %dma_wait3A_527 = tpu.memref_slice %arg11[%dma_wait3A_526] : memref<512xi32, #tpu.memory_space<vmem>> -> memref<64xi32, #tpu.memory_space<vmem>>
    %dma_wait3A_528 = arith.constant 0 : i32
    %dma_wait3A_529 = arith.constant 0 : i32
    %dma_wait3A_530 = tpu.memref_slice %arg6[%dma_wait3A_528, %dma_wait3A_529] : memref<100000x128xf32, #tpu.memory_space<hbm>> -> memref<100000x128xf32, #tpu.memory_space<hbm>>
    tpu.wait_indirect_dma semaphore(%arg24 : memref<!tpu.dma_semaphore, #tpu.memory_space<semaphore_mem>>) src(%dma_wait3A_530 : memref<100000x128xf32, #tpu.memory_space<hbm>>) dst(%arg19 : memref<64x128xf32, #tpu.memory_space<vmem>>)
    %dma_wait3A_531 = arith.constant 448 : i32
    %dma_wait3A_532 = tpu.memref_slice %arg12[%dma_wait3A_531] : memref<512xi32, #tpu.memory_space<vmem>> -> memref<64xi32, #tpu.memory_space<vmem>>
    %dma_wait3A_533 = arith.constant 0 : i32
    %dma_wait3A_534 = arith.constant 0 : i32
    %dma_wait3A_535 = tpu.memref_slice %arg7[%dma_wait3A_533, %dma_wait3A_534] : memref<100000x128xf32, #tpu.memory_space<hbm>> -> memref<100000x128xf32, #tpu.memory_space<hbm>>
    tpu.wait_indirect_dma semaphore(%arg24 : memref<!tpu.dma_semaphore, #tpu.memory_space<semaphore_mem>>) src(%dma_wait3A_535 : memref<100000x128xf32, #tpu.memory_space<hbm>>) dst(%arg20 : memref<64x128xf32, #tpu.memory_space<vmem>>)
    %dma_start3A_536 = arith.constant 0 : i32
    %dma_start3A_537 = tpu.memref_slice %arg9[%add3A_525, %dma_start3A_536] : memref<16384x128xf32, #tpu.memory_space<hbm>> -> memref<64x128xf32, #tpu.memory_space<hbm>>
    %dma_start3A_538 = arith.constant 0 : i32
    %dma_start3A_539 = tpu.memref_slice %arg9[%add3A_525, %dma_start3A_538] : memref<16384x128xf32, #tpu.memory_space<hbm>> -> memref<64x128xf32, #tpu.memory_space<hbm>>
    tpu.enqueue_dma source(%arg19 : memref<64x128xf32, #tpu.memory_space<vmem>>) target(%dma_start3A_539 : memref<64x128xf32, #tpu.memory_space<hbm>>) target_semaphore(%arg26 : memref<!tpu.dma_semaphore, #tpu.memory_space<semaphore_mem>>)
    %dma_start3A_540 = arith.constant 0 : i32
    %dma_start3A_541 = tpu.memref_slice %arg10[%add3A_525, %dma_start3A_540] : memref<16384x128xf32, #tpu.memory_space<hbm>> -> memref<64x128xf32, #tpu.memory_space<hbm>>
    %dma_start3A_542 = arith.constant 0 : i32
    %dma_start3A_543 = tpu.memref_slice %arg10[%add3A_525, %dma_start3A_542] : memref<16384x128xf32, #tpu.memory_space<hbm>> -> memref<64x128xf32, #tpu.memory_space<hbm>>
    tpu.enqueue_dma source(%arg20 : memref<64x128xf32, #tpu.memory_space<vmem>>) target(%dma_start3A_543 : memref<64x128xf32, #tpu.memory_space<hbm>>) target_semaphore(%arg26 : memref<!tpu.dma_semaphore, #tpu.memory_space<semaphore_mem>>)
    %dma_wait3A_544 = arith.constant 448 : i32
    %dma_wait3A_545 = tpu.memref_slice %arg11[%dma_wait3A_544] : memref<512xi32, #tpu.memory_space<vmem>> -> memref<64xi32, #tpu.memory_space<vmem>>
    %dma_wait3A_546 = arith.constant 0 : i32
    %dma_wait3A_547 = arith.constant 0 : i32
    %dma_wait3A_548 = tpu.memref_slice %arg4[%dma_wait3A_546, %dma_wait3A_547] : memref<100000x128xf32, #tpu.memory_space<hbm>> -> memref<100000x128xf32, #tpu.memory_space<hbm>>
    tpu.wait_indirect_dma semaphore(%arg22 : memref<!tpu.dma_semaphore, #tpu.memory_space<semaphore_mem>>) src(%dma_wait3A_548 : memref<100000x128xf32, #tpu.memory_space<hbm>>) dst(%arg17 : memref<64x128xf32, #tpu.memory_space<vmem>>)
    %dma_wait3A_549 = arith.constant 448 : i32
    %dma_wait3A_550 = tpu.memref_slice %arg12[%dma_wait3A_549] : memref<512xi32, #tpu.memory_space<vmem>> -> memref<64xi32, #tpu.memory_space<vmem>>
    %dma_wait3A_551 = arith.constant 0 : i32
    %dma_wait3A_552 = arith.constant 0 : i32
    %dma_wait3A_553 = tpu.memref_slice %arg5[%dma_wait3A_551, %dma_wait3A_552] : memref<100000x128xf32, #tpu.memory_space<hbm>> -> memref<100000x128xf32, #tpu.memory_space<hbm>>
    tpu.wait_indirect_dma semaphore(%arg22 : memref<!tpu.dma_semaphore, #tpu.memory_space<semaphore_mem>>) src(%dma_wait3A_553 : memref<100000x128xf32, #tpu.memory_space<hbm>>) dst(%arg18 : memref<64x128xf32, #tpu.memory_space<vmem>>)
    %scan3A_554 = arith.constant 0 : i32
    %scan3A_555 = arith.constant 0 : i32
    %scan3A_556 = arith.constant 64 : i32
    %scan3A_557 = arith.addi %scan3A_555, %scan3A_556 : i32
    %scan3A_558 = arith.constant 1 : i32
    scf.for %scan3A_592 = %scan3A_555 to %scan3A_557 step %scan3A_558  : i32 {
      %get3A = arith.index_cast %scan3A_592 : i32 to index
      %get3A_593 = arith.constant 0 : index
      %get3A_594 = tpu.vector_load %arg17[%get3A, %get3A_593] {strides = array<i32>} : memref<64x128xf32, #tpu.memory_space<vmem>>, vector<1x16xf32>,
      %get3A_595 = vector.shape_cast %get3A_594 : vector<1x16xf32> to vector<16xf32>
      %get3A_596 = arith.index_cast %scan3A_592 : i32 to index
      %get3A_597 = arith.constant 0 : index
      %get3A_598 = tpu.vector_load %arg18[%get3A_596, %get3A_597] {strides = array<i32>} : memref<64x128xf32, #tpu.memory_space<vmem>>, vector<1x16xf32>,
      %get3A_599 = vector.shape_cast %get3A_598 : vector<1x16xf32> to vector<16xf32>
      %mul3A_600 = arith.mulf %get3A_595, %get3A_599 : vector<16xf32>
      %swap3A = arith.index_cast %scan3A_592 : i32 to index
      %swap3A_601 = arith.constant 0 : index
      %swap3A_602 = tpu.vector_load %arg17[%swap3A, %swap3A_601] {strides = array<i32>} : memref<64x128xf32, #tpu.memory_space<vmem>>, vector<1x16xf32>,
      %swap3A_603 = vector.shape_cast %swap3A_602 : vector<1x16xf32> to vector<16xf32>
      %swap3A_604 = vector.shape_cast %mul3A_600 : vector<16xf32> to vector<1x16xf32>
      tpu.vector_store %arg17[%swap3A, %swap3A_601], %swap3A_604 {strides = array<i32>} : memref<64x128xf32, #tpu.memory_space<vmem>>, vector<1x16xf32>,
      %get3A_605 = arith.index_cast %scan3A_592 : i32 to index
      %get3A_606 = arith.constant 16 : index
      %get3A_607 = tpu.vector_load %arg17[%get3A_605, %get3A_606] {strides = array<i32>} : memref<64x128xf32, #tpu.memory_space<vmem>>, vector<1x16xf32>,
      %get3A_608 = vector.shape_cast %get3A_607 : vector<1x16xf32> to vector<16xf32>
      %get3A_609 = arith.index_cast %scan3A_592 : i32 to index
      %get3A_610 = arith.constant 16 : index
      %get3A_611 = tpu.vector_load %arg18[%get3A_609, %get3A_610] {strides = array<i32>} : memref<64x128xf32, #tpu.memory_space<vmem>>, vector<1x16xf32>,
      %get3A_612 = vector.shape_cast %get3A_611 : vector<1x16xf32> to vector<16xf32>
      %mul3A_613 = arith.mulf %get3A_608, %get3A_612 : vector<16xf32>
      %swap3A_614 = arith.index_cast %scan3A_592 : i32 to index
      %swap3A_615 = arith.constant 16 : index
      %swap3A_616 = tpu.vector_load %arg17[%swap3A_614, %swap3A_615] {strides = array<i32>} : memref<64x128xf32, #tpu.memory_space<vmem>>, vector<1x16xf32>,
      %swap3A_617 = vector.shape_cast %swap3A_616 : vector<1x16xf32> to vector<16xf32>
      %swap3A_618 = vector.shape_cast %mul3A_613 : vector<16xf32> to vector<1x16xf32>
      tpu.vector_store %arg17[%swap3A_614, %swap3A_615], %swap3A_618 {strides = array<i32>} : memref<64x128xf32, #tpu.memory_space<vmem>>, vector<1x16xf32>,
      %get3A_619 = arith.index_cast %scan3A_592 : i32 to index
      %get3A_620 = arith.constant 32 : index
      %get3A_621 = tpu.vector_load %arg17[%get3A_619, %get3A_620] {strides = array<i32>} : memref<64x128xf32, #tpu.memory_space<vmem>>, vector<1x16xf32>,
      %get3A_622 = vector.shape_cast %get3A_621 : vector<1x16xf32> to vector<16xf32>
      %get3A_623 = arith.index_cast %scan3A_592 : i32 to index
      %get3A_624 = arith.constant 32 : index
      %get3A_625 = tpu.vector_load %arg18[%get3A_623, %get3A_624] {strides = array<i32>} : memref<64x128xf32, #tpu.memory_space<vmem>>, vector<1x16xf32>,
      %get3A_626 = vector.shape_cast %get3A_625 : vector<1x16xf32> to vector<16xf32>
      %mul3A_627 = arith.mulf %get3A_622, %get3A_626 : vector<16xf32>
      %swap3A_628 = arith.index_cast %scan3A_592 : i32 to index
      %swap3A_629 = arith.constant 32 : index
      %swap3A_630 = tpu.vector_load %arg17[%swap3A_628, %swap3A_629] {strides = array<i32>} : memref<64x128xf32, #tpu.memory_space<vmem>>, vector<1x16xf32>,
      %swap3A_631 = vector.shape_cast %swap3A_630 : vector<1x16xf32> to vector<16xf32>
      %swap3A_632 = vector.shape_cast %mul3A_627 : vector<16xf32> to vector<1x16xf32>
      tpu.vector_store %arg17[%swap3A_628, %swap3A_629], %swap3A_632 {strides = array<i32>} : memref<64x128xf32, #tpu.memory_space<vmem>>, vector<1x16xf32>,
      %get3A_633 = arith.index_cast %scan3A_592 : i32 to index
      %get3A_634 = arith.constant 48 : index
      %get3A_635 = tpu.vector_load %arg17[%get3A_633, %get3A_634] {strides = array<i32>} : memref<64x128xf32, #tpu.memory_space<vmem>>, vector<1x16xf32>,
      %get3A_636 = vector.shape_cast %get3A_635 : vector<1x16xf32> to vector<16xf32>
      %get3A_637 = arith.index_cast %scan3A_592 : i32 to index
      %get3A_638 = arith.constant 48 : index
      %get3A_639 = tpu.vector_load %arg18[%get3A_637, %get3A_638] {strides = array<i32>} : memref<64x128xf32, #tpu.memory_space<vmem>>, vector<1x16xf32>,
      %get3A_640 = vector.shape_cast %get3A_639 : vector<1x16xf32> to vector<16xf32>
      %mul3A_641 = arith.mulf %get3A_636, %get3A_640 : vector<16xf32>
      %swap3A_642 = arith.index_cast %scan3A_592 : i32 to index
      %swap3A_643 = arith.constant 48 : index
      %swap3A_644 = tpu.vector_load %arg17[%swap3A_642, %swap3A_643] {strides = array<i32>} : memref<64x128xf32, #tpu.memory_space<vmem>>, vector<1x16xf32>,
      %swap3A_645 = vector.shape_cast %swap3A_644 : vector<1x16xf32> to vector<16xf32>
      %swap3A_646 = vector.shape_cast %mul3A_641 : vector<16xf32> to vector<1x16xf32>
      tpu.vector_store %arg17[%swap3A_642, %swap3A_643], %swap3A_646 {strides = array<i32>} : memref<64x128xf32, #tpu.memory_space<vmem>>, vector<1x16xf32>,
      %get3A_647 = arith.index_cast %scan3A_592 : i32 to index
      %get3A_648 = arith.constant 64 : index
      %get3A_649 = tpu.vector_load %arg17[%get3A_647, %get3A_648] {strides = array<i32>} : memref<64x128xf32, #tpu.memory_space<vmem>>, vector<1x16xf32>,
      %get3A_650 = vector.shape_cast %get3A_649 : vector<1x16xf32> to vector<16xf32>
      %get3A_651 = arith.index_cast %scan3A_592 : i32 to index
      %get3A_652 = arith.constant 64 : index
      %get3A_653 = tpu.vector_load %arg18[%get3A_651, %get3A_652] {strides = array<i32>} : memref<64x128xf32, #tpu.memory_space<vmem>>, vector<1x16xf32>,
      %get3A_654 = vector.shape_cast %get3A_653 : vector<1x16xf32> to vector<16xf32>
      %mul3A_655 = arith.mulf %get3A_650, %get3A_654 : vector<16xf32>
      %swap3A_656 = arith.index_cast %scan3A_592 : i32 to index
      %swap3A_657 = arith.constant 64 : index
      %swap3A_658 = tpu.vector_load %arg17[%swap3A_656, %swap3A_657] {strides = array<i32>} : memref<64x128xf32, #tpu.memory_space<vmem>>, vector<1x16xf32>,
      %swap3A_659 = vector.shape_cast %swap3A_658 : vector<1x16xf32> to vector<16xf32>
      %swap3A_660 = vector.shape_cast %mul3A_655 : vector<16xf32> to vector<1x16xf32>
      tpu.vector_store %arg17[%swap3A_656, %swap3A_657], %swap3A_660 {strides = array<i32>} : memref<64x128xf32, #tpu.memory_space<vmem>>, vector<1x16xf32>,
      %get3A_661 = arith.index_cast %scan3A_592 : i32 to index
      %get3A_662 = arith.constant 80 : index
      %get3A_663 = tpu.vector_load %arg17[%get3A_661, %get3A_662] {strides = array<i32>} : memref<64x128xf32, #tpu.memory_space<vmem>>, vector<1x16xf32>,
      %get3A_664 = vector.shape_cast %get3A_663 : vector<1x16xf32> to vector<16xf32>
      %get3A_665 = arith.index_cast %scan3A_592 : i32 to index
      %get3A_666 = arith.constant 80 : index
      %get3A_667 = tpu.vector_load %arg18[%get3A_665, %get3A_666] {strides = array<i32>} : memref<64x128xf32, #tpu.memory_space<vmem>>, vector<1x16xf32>,
      %get3A_668 = vector.shape_cast %get3A_667 : vector<1x16xf32> to vector<16xf32>
      %mul3A_669 = arith.mulf %get3A_664, %get3A_668 : vector<16xf32>
      %swap3A_670 = arith.index_cast %scan3A_592 : i32 to index
      %swap3A_671 = arith.constant 80 : index
      %swap3A_672 = tpu.vector_load %arg17[%swap3A_670, %swap3A_671] {strides = array<i32>} : memref<64x128xf32, #tpu.memory_space<vmem>>, vector<1x16xf32>,
      %swap3A_673 = vector.shape_cast %swap3A_672 : vector<1x16xf32> to vector<16xf32>
      %swap3A_674 = vector.shape_cast %mul3A_669 : vector<16xf32> to vector<1x16xf32>
      tpu.vector_store %arg17[%swap3A_670, %swap3A_671], %swap3A_674 {strides = array<i32>} : memref<64x128xf32, #tpu.memory_space<vmem>>, vector<1x16xf32>,
      %get3A_675 = arith.index_cast %scan3A_592 : i32 to index
      %get3A_676 = arith.constant 96 : index
      %get3A_677 = tpu.vector_load %arg17[%get3A_675, %get3A_676] {strides = array<i32>} : memref<64x128xf32, #tpu.memory_space<vmem>>, vector<1x16xf32>,
      %get3A_678 = vector.shape_cast %get3A_677 : vector<1x16xf32> to vector<16xf32>
      %get3A_679 = arith.index_cast %scan3A_592 : i32 to index
      %get3A_680 = arith.constant 96 : index
      %get3A_681 = tpu.vector_load %arg18[%get3A_679, %get3A_680] {strides = array<i32>} : memref<64x128xf32, #tpu.memory_space<vmem>>, vector<1x16xf32>,
      %get3A_682 = vector.shape_cast %get3A_681 : vector<1x16xf32> to vector<16xf32>
      %mul3A_683 = arith.mulf %get3A_678, %get3A_682 : vector<16xf32>
      %swap3A_684 = arith.index_cast %scan3A_592 : i32 to index
      %swap3A_685 = arith.constant 96 : index
      %swap3A_686 = tpu.vector_load %arg17[%swap3A_684, %swap3A_685] {strides = array<i32>} : memref<64x128xf32, #tpu.memory_space<vmem>>, vector<1x16xf32>,
      %swap3A_687 = vector.shape_cast %swap3A_686 : vector<1x16xf32> to vector<16xf32>
      %swap3A_688 = vector.shape_cast %mul3A_683 : vector<16xf32> to vector<1x16xf32>
      tpu.vector_store %arg17[%swap3A_684, %swap3A_685], %swap3A_688 {strides = array<i32>} : memref<64x128xf32, #tpu.memory_space<vmem>>, vector<1x16xf32>,
      %get3A_689 = arith.index_cast %scan3A_592 : i32 to index
      %get3A_690 = arith.constant 112 : index
      %get3A_691 = tpu.vector_load %arg17[%get3A_689, %get3A_690] {strides = array<i32>} : memref<64x128xf32, #tpu.memory_space<vmem>>, vector<1x16xf32>,
      %get3A_692 = vector.shape_cast %get3A_691 : vector<1x16xf32> to vector<16xf32>
      %get3A_693 = arith.index_cast %scan3A_592 : i32 to index
      %get3A_694 = arith.constant 112 : index
      %get3A_695 = tpu.vector_load %arg18[%get3A_693, %get3A_694] {strides = array<i32>} : memref<64x128xf32, #tpu.memory_space<vmem>>, vector<1x16xf32>,
      %get3A_696 = vector.shape_cast %get3A_695 : vector<1x16xf32> to vector<16xf32>
      %mul3A_697 = arith.mulf %get3A_692, %get3A_696 : vector<16xf32>
      %swap3A_698 = arith.index_cast %scan3A_592 : i32 to index
      %swap3A_699 = arith.constant 112 : index
      %swap3A_700 = tpu.vector_load %arg17[%swap3A_698, %swap3A_699] {strides = array<i32>} : memref<64x128xf32, #tpu.memory_space<vmem>>, vector<1x16xf32>,
      %swap3A_701 = vector.shape_cast %swap3A_700 : vector<1x16xf32> to vector<16xf32>
      %swap3A_702 = vector.shape_cast %mul3A_697 : vector<16xf32> to vector<1x16xf32>
      tpu.vector_store %arg17[%swap3A_698, %swap3A_699], %swap3A_702 {strides = array<i32>} : memref<64x128xf32, #tpu.memory_space<vmem>>, vector<1x16xf32>,
    }
    %scan3A_559 = arith.constant 64 : i32
    %dma_start3A_560 = arith.constant 0 : i32
    %dma_start3A_561 = tpu.memref_slice %arg8[%add3A_525, %dma_start3A_560] : memref<16384x128xf32, #tpu.memory_space<hbm>> -> memref<64x128xf32, #tpu.memory_space<hbm>>
    %dma_start3A_562 = arith.constant 0 : i32
    %dma_start3A_563 = tpu.memref_slice %arg8[%add3A_525, %dma_start3A_562] : memref<16384x128xf32, #tpu.memory_space<hbm>> -> memref<64x128xf32, #tpu.memory_space<hbm>>
    tpu.enqueue_dma source(%arg17 : memref<64x128xf32, #tpu.memory_space<vmem>>) target(%dma_start3A_563 : memref<64x128xf32, #tpu.memory_space<hbm>>) target_semaphore(%arg26 : memref<!tpu.dma_semaphore, #tpu.memory_space<semaphore_mem>>)
    %add3A_564 = arith.constant 384 : i32
    %add3A_565 = arith.addi %mul3A_2, %add3A_564 : i32
    %dma_wait3A_566 = arith.constant 0 : i32
    %dma_wait3A_567 = tpu.memref_slice %arg8[%add3A_565, %dma_wait3A_566] : memref<16384x128xf32, #tpu.memory_space<hbm>> -> memref<64x128xf32, #tpu.memory_space<hbm>>
    %dma_wait3A_568 = arith.constant 0 : i32
    %dma_wait3A_569 = tpu.memref_slice %arg8[%add3A_565, %dma_wait3A_568] : memref<16384x128xf32, #tpu.memory_space<hbm>> -> memref<64x128xf32, #tpu.memory_space<hbm>>
    tpu.wait_dma2 semaphore(%arg25 : memref<!tpu.dma_semaphore, #tpu.memory_space<semaphore_mem>>) src(%arg13 : memref<64x128xf32, #tpu.memory_space<vmem>>) dst(%dma_wait3A_569 : memref<64x128xf32, #tpu.memory_space<hbm>>)
    %dma_wait3A_570 = arith.constant 0 : i32
    %dma_wait3A_571 = tpu.memref_slice %arg9[%add3A_565, %dma_wait3A_570] : memref<16384x128xf32, #tpu.memory_space<hbm>> -> memref<64x128xf32, #tpu.memory_space<hbm>>
    %dma_wait3A_572 = arith.constant 0 : i32
    %dma_wait3A_573 = tpu.memref_slice %arg9[%add3A_565, %dma_wait3A_572] : memref<16384x128xf32, #tpu.memory_space<hbm>> -> memref<64x128xf32, #tpu.memory_space<hbm>>
    tpu.wait_dma2 semaphore(%arg25 : memref<!tpu.dma_semaphore, #tpu.memory_space<semaphore_mem>>) src(%arg15 : memref<64x128xf32, #tpu.memory_space<vmem>>) dst(%dma_wait3A_573 : memref<64x128xf32, #tpu.memory_space<hbm>>)
    %dma_wait3A_574 = arith.constant 0 : i32
    %dma_wait3A_575 = tpu.memref_slice %arg10[%add3A_565, %dma_wait3A_574] : memref<16384x128xf32, #tpu.memory_space<hbm>> -> memref<64x128xf32, #tpu.memory_space<hbm>>
    %dma_wait3A_576 = arith.constant 0 : i32
    %dma_wait3A_577 = tpu.memref_slice %arg10[%add3A_565, %dma_wait3A_576] : memref<16384x128xf32, #tpu.memory_space<hbm>> -> memref<64x128xf32, #tpu.memory_space<hbm>>
    tpu.wait_dma2 semaphore(%arg25 : memref<!tpu.dma_semaphore, #tpu.memory_space<semaphore_mem>>) src(%arg16 : memref<64x128xf32, #tpu.memory_space<vmem>>) dst(%dma_wait3A_577 : memref<64x128xf32, #tpu.memory_space<hbm>>)
    %add3A_578 = arith.constant 448 : i32
    %add3A_579 = arith.addi %mul3A_2, %add3A_578 : i32
    %dma_wait3A_580 = arith.constant 0 : i32
    %dma_wait3A_581 = tpu.memref_slice %arg8[%add3A_579, %dma_wait3A_580] : memref<16384x128xf32, #tpu.memory_space<hbm>> -> memref<64x128xf32, #tpu.memory_space<hbm>>
    %dma_wait3A_582 = arith.constant 0 : i32
    %dma_wait3A_583 = tpu.memref_slice %arg8[%add3A_579, %dma_wait3A_582] : memref<16384x128xf32, #tpu.memory_space<hbm>> -> memref<64x128xf32, #tpu.memory_space<hbm>>
    tpu.wait_dma2 semaphore(%arg26 : memref<!tpu.dma_semaphore, #tpu.memory_space<semaphore_mem>>) src(%arg17 : memref<64x128xf32, #tpu.memory_space<vmem>>) dst(%dma_wait3A_583 : memref<64x128xf32, #tpu.memory_space<hbm>>)
    %dma_wait3A_584 = arith.constant 0 : i32
    %dma_wait3A_585 = tpu.memref_slice %arg9[%add3A_579, %dma_wait3A_584] : memref<16384x128xf32, #tpu.memory_space<hbm>> -> memref<64x128xf32, #tpu.memory_space<hbm>>
    %dma_wait3A_586 = arith.constant 0 : i32
    %dma_wait3A_587 = tpu.memref_slice %arg9[%add3A_579, %dma_wait3A_586] : memref<16384x128xf32, #tpu.memory_space<hbm>> -> memref<64x128xf32, #tpu.memory_space<hbm>>
    tpu.wait_dma2 semaphore(%arg26 : memref<!tpu.dma_semaphore, #tpu.memory_space<semaphore_mem>>) src(%arg19 : memref<64x128xf32, #tpu.memory_space<vmem>>) dst(%dma_wait3A_587 : memref<64x128xf32, #tpu.memory_space<hbm>>)
    %dma_wait3A_588 = arith.constant 0 : i32
    %dma_wait3A_589 = tpu.memref_slice %arg10[%add3A_579, %dma_wait3A_588] : memref<16384x128xf32, #tpu.memory_space<hbm>> -> memref<64x128xf32, #tpu.memory_space<hbm>>
    %dma_wait3A_590 = arith.constant 0 : i32
    %dma_wait3A_591 = tpu.memref_slice %arg10[%add3A_579, %dma_wait3A_590] : memref<16384x128xf32, #tpu.memory_space<hbm>> -> memref<64x128xf32, #tpu.memory_space<hbm>>
    tpu.wait_dma2 semaphore(%arg26 : memref<!tpu.dma_semaphore, #tpu.memory_space<semaphore_mem>>) src(%arg20 : memref<64x128xf32, #tpu.memory_space<vmem>>) dst(%dma_wait3A_591 : memref<64x128xf32, #tpu.memory_space<hbm>>)
    return
  }
}

module attributes {stable_mosaic.version = 14 : i64} {
  func.func @body(%arg0: i32, %arg1: memref<4096x128xf32, #tpu.memory_space<vmem>>, %arg2: memref<4096x128xf32, #tpu.memory_space<vmem>>, %arg3: memref<4096x128xf32, #tpu.memory_space<vmem>>, %arg4: memref<64x128xf32, #tpu.memory_space<vmem>>, %arg5: memref<128x256xf32, #tpu.memory_space<vmem>>, %arg6: memref<1x128xf32, #tpu.memory_space<vmem>>, %arg7: memref<64x128xf32, #tpu.memory_space<vmem>>, %arg8: memref<64x1xf32, #tpu.memory_space<vmem>>, %arg9: memref<1x128xf32, #tpu.memory_space<vmem>>, %arg10: memref<1x1xf32, #tpu.memory_space<vmem>>, %arg11: memref<1x4096xf32, #tpu.memory_space<vmem>>) attributes {dimension_semantics = [#tpu.dimension_semantics<arbitrary>], iteration_bounds = array<i64: 4>, scalar_prefetch = 0 : i64, scratch_operands = 0 : i64, tpu.core_type = #tpu.core_type<tc>, window_params = [{transform_indices = @transform_0, window_bounds = array<i64: 4096, 128>}, {transform_indices = @transform_1, window_bounds = array<i64: 4096, 128>}, {transform_indices = @transform_2, window_bounds = array<i64: 4096, 128>}, {pipeline_mode = #tpu.pipeline_mode<synchronous>, transform_indices = @transform_3, window_bounds = array<i64: 64, 128>}, {pipeline_mode = #tpu.pipeline_mode<synchronous>, transform_indices = @transform_4, window_bounds = array<i64: 128, 256>}, {pipeline_mode = #tpu.pipeline_mode<synchronous>, transform_indices = @transform_5, window_bounds = array<i64: 1, 128>}, {pipeline_mode = #tpu.pipeline_mode<synchronous>, transform_indices = @transform_6, window_bounds = array<i64: 64, 128>}, {pipeline_mode = #tpu.pipeline_mode<synchronous>, transform_indices = @transform_7, window_bounds = array<i64: 64, 1>}, {pipeline_mode = #tpu.pipeline_mode<synchronous>, transform_indices = @transform_8, window_bounds = array<i64: 1, 128>}, {pipeline_mode = #tpu.pipeline_mode<synchronous>, transform_indices = @transform_9, window_bounds = array<i64: 1, 1>}, {transform_indices = @transform_10, window_bounds = array<i64: 1, 4096>}]} {
    %get3A = arith.constant 0 : index
    %get3A_0 = arith.constant 0 : index
    %get3A_1 = vector.load %arg9[%get3A, %get3A_0] : memref<1x128xf32, #tpu.memory_space<vmem>>, vector<1x64xf32>
    %get3A_2 = arith.constant 0 : index
    %get3A_3 = arith.constant 64 : index
    %get3A_4 = vector.load %arg9[%get3A_2, %get3A_3] : memref<1x128xf32, #tpu.memory_space<vmem>>, vector<1x64xf32>
    %get3A_5 = arith.constant 0 : index
    %get3A_6 = arith.constant 0 : index
    %get3A_7 = vector.load %arg4[%get3A_5, %get3A_6] : memref<64x128xf32, #tpu.memory_space<vmem>>, vector<64x128xf32>
    %dot_general3A = arith.constant dense<0.000000e+00> : vector<1x128xf32>
    %dot_general3A_8 = tpu.matmul %get3A_1, %get3A_7, %dot_general3A {dimension_numbers = #tpu.dot_dimension_numbers<[1], [0], [0], [1], [0, 0, 1, 1], [], []>, transpose_lhs_hint = false} : vector<1x64xf32>, vector<64x128xf32>, vector<1x128xf32> -> vector<1x128xf32>
    %get3A_9 = arith.constant 0 : index
    %get3A_10 = arith.constant 0 : index
    %get3A_11 = vector.load %arg7[%get3A_9, %get3A_10] : memref<64x128xf32, #tpu.memory_space<vmem>>, vector<64x128xf32>
    %dot_general3A_12 = arith.constant dense<0.000000e+00> : vector<1x128xf32>
    %dot_general3A_13 = tpu.matmul %get3A_4, %get3A_11, %dot_general3A_12 {dimension_numbers = #tpu.dot_dimension_numbers<[1], [0], [0], [1], [0, 0, 1, 1], [], []>, transpose_lhs_hint = false} : vector<1x64xf32>, vector<64x128xf32>, vector<1x128xf32> -> vector<1x128xf32>
    %get3A_14 = arith.constant 0 : index
    %get3A_15 = arith.constant 0 : index
    %get3A_16 = vector.load %arg8[%get3A_14, %get3A_15] : memref<64x1xf32, #tpu.memory_space<vmem>>, vector<64x1xf32>
    %dot_general3A_17 = arith.constant dense<0.000000e+00> : vector<1x1xf32>
    %dot_general3A_18 = tpu.matmul %get3A_4, %get3A_16, %dot_general3A_17 {dimension_numbers = #tpu.dot_dimension_numbers<[1], [0], [0], [1], [0, 0, 1, 1], [], []>, transpose_lhs_hint = false} : vector<1x64xf32>, vector<64x1xf32>, vector<1x1xf32> -> vector<1x1xf32>
    %get3A_19 = arith.constant 0 : index
    %get3A_20 = arith.constant 0 : index
    %get3A_21 = vector.load %arg10[%get3A_19, %get3A_20] : memref<1x1xf32, #tpu.memory_space<vmem>>, vector<1x1xf32>
    %get3A_22 = vector.extract %get3A_21[0, 0] : f32 from vector<1x1xf32>
    %add3A = vector.broadcast %get3A_22 : f32 to vector<1x1xf32>
    %add3A_23 = arith.addf %dot_general3A_18, %add3A : vector<1x1xf32>
    %get3A_24 = arith.constant 0 : index
    %get3A_25 = arith.constant 0 : index
    %get3A_26 = vector.load %arg2[%get3A_24, %get3A_25] : memref<4096x128xf32, #tpu.memory_space<vmem>>, vector<4096x128xf32>
    %get3A_27 = arith.constant 0 : index
    %get3A_28 = arith.constant 0 : index
    %get3A_29 = vector.load %arg5[%get3A_27, %get3A_28] : memref<128x256xf32, #tpu.memory_space<vmem>>, vector<128x128xf32>
    %dot_general3A_30 = arith.constant dense<0.000000e+00> : vector<4096x128xf32>
    %dot_general3A_31 = tpu.matmul %get3A_26, %get3A_29, %dot_general3A_30 {dimension_numbers = #tpu.dot_dimension_numbers<[1], [1], [0], [0], [0, 0, 1, 0], [], []>, transpose_lhs_hint = false} : vector<4096x128xf32>, vector<128x128xf32>, vector<4096x128xf32> -> vector<4096x128xf32>
    %get3A_32 = arith.constant 0 : index
    %get3A_33 = arith.constant 0 : index
    %get3A_34 = vector.load %arg3[%get3A_32, %get3A_33] : memref<4096x128xf32, #tpu.memory_space<vmem>>, vector<4096x128xf32>
    %get3A_35 = arith.constant 0 : index
    %get3A_36 = arith.constant 128 : index
    %get3A_37 = vector.load %arg5[%get3A_35, %get3A_36] : memref<128x256xf32, #tpu.memory_space<vmem>>, vector<128x128xf32>
    %dot_general3A_38 = arith.constant dense<0.000000e+00> : vector<4096x128xf32>
    %dot_general3A_39 = tpu.matmul %get3A_34, %get3A_37, %dot_general3A_38 {dimension_numbers = #tpu.dot_dimension_numbers<[1], [1], [0], [0], [0, 0, 1, 0], [], []>, transpose_lhs_hint = false} : vector<4096x128xf32>, vector<128x128xf32>, vector<4096x128xf32> -> vector<4096x128xf32>
    %add3A_40 = arith.addf %dot_general3A_31, %dot_general3A_39 : vector<4096x128xf32>
    %get3A_41 = arith.constant 0 : index
    %get3A_42 = arith.constant 0 : index
    %get3A_43 = vector.load %arg6[%get3A_41, %get3A_42] : memref<1x128xf32, #tpu.memory_space<vmem>>, vector<1x128xf32>
    %add3A_44 = vector.broadcast %get3A_43 : vector<1x128xf32> to vector<4096x128xf32>
    %add3A_45 = arith.addf %add3A_40, %add3A_44 : vector<4096x128xf32>
    %max3A = arith.constant 0.000000e+00 : f32
    %max3A_46 = vector.broadcast %max3A : f32 to vector<4096x128xf32>
    %max3A_47 = arith.maximumf %add3A_45, %max3A_46 : vector<4096x128xf32>
    %get3A_48 = arith.constant 0 : index
    %get3A_49 = arith.constant 0 : index
    %get3A_50 = vector.load %arg1[%get3A_48, %get3A_49] : memref<4096x128xf32, #tpu.memory_space<vmem>>, vector<4096x128xf32>
    %dot_general3A_51 = arith.constant dense<0.000000e+00> : vector<1x4096xf32>
    %dot_general3A_52 = tpu.matmul %dot_general3A_8, %get3A_50, %dot_general3A_51 {dimension_numbers = #tpu.dot_dimension_numbers<[1], [1], [0], [0], [0, 0, 1, 0], [], []>, transpose_lhs_hint = false} : vector<1x128xf32>, vector<4096x128xf32>, vector<1x4096xf32> -> vector<1x4096xf32>
    %dot_general3A_53 = arith.constant dense<0.000000e+00> : vector<1x4096xf32>
    %dot_general3A_54 = tpu.matmul %dot_general3A_13, %max3A_47, %dot_general3A_53 {dimension_numbers = #tpu.dot_dimension_numbers<[1], [1], [0], [0], [0, 0, 1, 0], [], []>, transpose_lhs_hint = false} : vector<1x128xf32>, vector<4096x128xf32>, vector<1x4096xf32> -> vector<1x4096xf32>
    %add3A_55 = arith.addf %dot_general3A_52, %dot_general3A_54 : vector<1x4096xf32>
    %add3A_56 = vector.broadcast %add3A_23 : vector<1x1xf32> to vector<1x4096xf32>
    %add3A_57 = arith.addf %add3A_55, %add3A_56 : vector<1x4096xf32>
    %swap3A = arith.constant 0 : index
    %swap3A_58 = arith.constant 0 : index
    %swap3A_59 = vector.load %arg11[%swap3A, %swap3A_58] : memref<1x4096xf32, #tpu.memory_space<vmem>>, vector<1x4096xf32>
    tpu.vector_store %arg11[%swap3A, %swap3A_58], %add3A_57 {strides = array<i32>} : memref<1x4096xf32, #tpu.memory_space<vmem>>, vector<1x4096xf32>,
    return
  }
  func.func @transform_0(%arg0: i32) -> (i32, i32) {
    %c0_i32 = arith.constant 0 : i32
    %c0_i32_0 = arith.constant 0 : i32
    return %arg0, %c0_i32 : i32, i32
  }
  func.func @transform_1(%arg0: i32) -> (i32, i32) {
    %c0_i32 = arith.constant 0 : i32
    %c0_i32_0 = arith.constant 0 : i32
    return %arg0, %c0_i32 : i32, i32
  }
  func.func @transform_2(%arg0: i32) -> (i32, i32) {
    %c0_i32 = arith.constant 0 : i32
    %c0_i32_0 = arith.constant 0 : i32
    return %arg0, %c0_i32 : i32, i32
  }
  func.func @transform_3(%arg0: i32) -> (i32, i32) {
    %c0_i32 = arith.constant 0 : i32
    %c0_i32_0 = arith.constant 0 : i32
    %c0_i32_1 = arith.constant 0 : i32
    return %c0_i32, %c0_i32_0 : i32, i32
  }
  func.func @transform_4(%arg0: i32) -> (i32, i32) {
    %c0_i32 = arith.constant 0 : i32
    %c0_i32_0 = arith.constant 0 : i32
    %c0_i32_1 = arith.constant 0 : i32
    return %c0_i32, %c0_i32_0 : i32, i32
  }
  func.func @transform_5(%arg0: i32) -> (i32, i32) {
    %c0_i32 = arith.constant 0 : i32
    %c0_i32_0 = arith.constant 0 : i32
    %c0_i32_1 = arith.constant 0 : i32
    return %c0_i32, %c0_i32_0 : i32, i32
  }
  func.func @transform_6(%arg0: i32) -> (i32, i32) {
    %c0_i32 = arith.constant 0 : i32
    %c0_i32_0 = arith.constant 0 : i32
    %c0_i32_1 = arith.constant 0 : i32
    return %c0_i32, %c0_i32_0 : i32, i32
  }
  func.func @transform_7(%arg0: i32) -> (i32, i32) {
    %c0_i32 = arith.constant 0 : i32
    %c0_i32_0 = arith.constant 0 : i32
    %c0_i32_1 = arith.constant 0 : i32
    return %c0_i32, %c0_i32_0 : i32, i32
  }
  func.func @transform_8(%arg0: i32) -> (i32, i32) {
    %c0_i32 = arith.constant 0 : i32
    %c0_i32_0 = arith.constant 0 : i32
    %c0_i32_1 = arith.constant 0 : i32
    return %c0_i32, %c0_i32_0 : i32, i32
  }
  func.func @transform_9(%arg0: i32) -> (i32, i32) {
    %c0_i32 = arith.constant 0 : i32
    %c0_i32_0 = arith.constant 0 : i32
    %c0_i32_1 = arith.constant 0 : i32
    return %c0_i32, %c0_i32_0 : i32, i32
  }
  func.func @transform_10(%arg0: i32) -> (i32, i32) {
    %c0_i32 = arith.constant 0 : i32
    %c0_i32_0 = arith.constant 0 : i32
    return %c0_i32, %arg0 : i32, i32
  }
}

</mosaic_0001>

<sc_bundles>
// kernel: kernel.4.cloned.1.call-start
scs
__scs_entry_jumppad:
0x0: {  	(pc) =	sbr.rel $0x88, $3  }
0x1: {  	(tag) =	ssettag $0x0;
	lr =	simm.s32 $0x1  }
0x2: {  	[smem:$0x3F94] =	sst lr;
	_ =	strace $0xD0000000  }
0x3: {  	_ = 	snop  }
0x4: {  	_ = 	snop  }
0x5: {  	_ = 	snop  }
0x6: {  	_ = 	snop  }
0x7: {  	_ = 	snop  }
__scs_overlays_trampoline_lowered:
0x8: {  	[smem:$0x3FA3] =	sst s0  }
0x9: {  	[smem:$0x3FA4] =	sst s1  }
0xa: {  	[smem:$0x3FA5] =	sst s2  }
0xb: {  	[smem:$0x3FA6] =	sst s3  }
0xc: {  	[smem:$0x3FA7] =	sst s4  }
0xd: {  	[smem:$0x3FA8] =	sst s5  }
0xe: {  	[smem:$0x3FA9] =	sst s6  }
0xf: {  	[smem:$0x3FAA] =	sst s7  }
0x10: {  	[smem:$0x3FAB] =	sst s8  }
0x11: {  	[smem:$0x3FAC] =	sst s9;
	s0 =	simm.s32 @!p0 $0x0  }
0x12: {  	s1 =	sld [smem:$0x3F92];
	s0 =	simm.s32 @p0 $0x1  }
0x13: {  	[smem:$0x3FAD] =	sst s0;
	s0 =	simm.s32 @!p1 $0x0  }
0x14: {  	s2 =	sld [smem:$0x3F91];
	s0 =	simm.s32 @p1 $0x1  }
0x15: {  	[smem:$0x3FAE] =	sst s0;
	s0 =	simm.s32 @!p2 $0x0  }
0x16: {  	s3 =	sld [smem:$0x3FDB];
	s0 =	simm.s32 @p2 $0x1  }
0x17: {  	s4 =	simm.s32 $0x1BF5;
	[smem:$0x3FB0] =	sst s0  }
0x18: {  	s0 =	sld [smem:$0x3F93];
	_ =	swait.ge [sflag:s4], $0x0  }
0x19: {  	s7 =	sld [smem:$0x3F94]  }
0x1a: {  	s8 =	sadd.s32 $0xFFFFE003, lr  }
0x1b: {  	s9 =	sadd.s32 $0xFFFFFEF7, lr;
	s5 =	simm.s32 $0xFFFFFFFF;
	p2 =	slt.u32 s8, $0xFFFFF086  }
0x1c: {  	p1 =	slt.u32 s9, $0xF7A;
	s5 =	simm.s32 @!p2 $0x0  }
0x1d: {  	s5 =	simm.s32 @p1 $0x1;
	p0 =	seq.s32 s7, s2  }
0x1e: {  	s7 =	smul.u32 @!p0 $0xF7A, s2;
	p2 =	seq.s32 @!p0 s5, $0x0  }
0x1f: {  	s9 =	smul.u32 $0xF7A, s1;
	s8 =	simm.s32 @!p0 $0x1BF5;
	p2 =	por !p2, p0  }
0x20: {  	[sflag:s8] =	ssyncset.s32 @!p0 $0xFFFFF086;
	s6 =	sadd.s32 @!p0 s3, s7;
	s7 =	simm.s32 @!p0 $0x108  }
0x21: {  	s3 =	sadd.s32 s3, s9;
	s6 =	sadd.s32 @!p0 $0x88, s6;
	s7 =	simm.s32 @p2 $0x1082  }
0x22: {  	[simem:s7], [sflag:s8] =	dma.local @!p0 [hbm:s6], $0xF7A  }
0x23: {  	s9 =	sor.u32 $0xD0000000, s2;
	s6 =	simm.s32 $0x108;
	_ =	swait.ge @!p0 [sflag:s8], $0x0  }
0x24: {  	s3 =	sadd.s32 $0x88, s3;
	s6 =	simm.s32 @!p1 $0x1082;
	[sflag:s4] =	ssyncset.s32 $0xFFFFF086  }
0x25: {  	[simem:s6], [sflag:s4] =	dma.local [hbm:s3], $0xF7A  }
0x26: {  	[smem:$0x3F94] =	sst s1;
	(tag) =	ssettag s2;
	_ =	strace s9  }
0x27: {  	s1 =	sld [smem:$0x3FA4]  }
0x28: {  	s2 =	sld [smem:$0x3FA5]  }
0x29: {  	s4 =	sld [smem:$0x3FA7]  }
0x2a: {  	p0 =	seq.s32 s5, $0x0;
	s5 =	sld [smem:$0x3FA8]  }
0x2b: {  	s6 =	sld [smem:$0x3FA9]  }
0x2c: {  	s7 =	sld [smem:$0x3FAA]  }
0x2d: {  	s3 =	simm.s32 $0x108;
	s8 =	sld [smem:$0x3FAB]  }
0x2e: {  	s3 =	simm.s32 @!p0 $0x1082;
	s9 =	sld [smem:$0x3FAC]  }
0x2f: {  	lr =	sadd.s32 s0, s3;
	s0 =	sld [smem:$0x3FA3]  }
0x30: {  	s3 =	sld [smem:$0x3FA6]  }
0x31: {  	[smem:$0x3FAF] =	sst s10  }
0x32: {  	s10 =	sld [smem:$0x3FAD];
	_ =	sdelay $0x3  }
0x33: {  	p0 =	seq.s32 s10, $0x1;
	s10 =	sld [smem:$0x3FAF];
	_ =	sdelay $0x3  }
0x34: {  	[smem:$0x3FAF] =	sst s10  }
0x35: {  	s10 =	sld [smem:$0x3FAE];
	_ =	sdelay $0x3  }
0x36: {  	p1 =	seq.s32 s10, $0x1;
	s10 =	sld [smem:$0x3FAF];
	_ =	sdelay $0x3  }
0x37: {  	[smem:$0x3FAF] =	sst s10  }
0x38: {  	s10 =	sld [smem:$0x3FB0]  }
0x39: {  	_ = 	snop;
	(pc) =	sbr.ind lr, $3  }
0x3a: {  	_ = 	snop  }
0x3b: {  	_ = 	snop  }
0x3c: {  	p2 =	seq.s32 s10, $0x1;
	s10 =	sld [smem:$0x3FAF]  }
0x3d: {  	_ =	shalt  }
0x3e: {  	_ =	shalt  }
0x3f: {  	_ =	shalt  }
0x40: {  	_ =	shalt  }
0x41: {  	_ =	shalt  }
0x42: {  	_ =	shalt  }
0x43: {  	_ =	shalt  }
0x44: {  	_ =	shalt  }
0x45: {  	_ =	shalt  }
0x46: {  	_ =	shalt  }
0x47: {  	_ =	shalt  }
0x48: {  	_ =	shalt  }
0x49: {  	_ =	shalt  }
0x4a: {  	_ =	shalt  }
0x4b: {  	_ =	shalt  }
0x4c: {  	_ =	shalt  }
0x4d: {  	_ =	shalt  }
0x4e: {  	_ =	shalt  }
0x4f: {  	_ =	shalt  }
0x50: {  	_ =	shalt  }
0x51: {  	_ =	shalt  }
0x52: {  	_ =	shalt  }
0x53: {  	_ =	shalt  }
0x54: {  	_ =	shalt  }
0x55: {  	_ =	shalt  }
0x56: {  	_ =	shalt  }
0x57: {  	_ =	shalt  }
0x58: {  	_ =	shalt  }
0x59: {  	_ =	shalt  }
0x5a: {  	_ =	shalt  }
0x5b: {  	_ =	shalt  }
0x5c: {  	_ =	shalt  }
0x5d: {  	_ =	shalt  }
0x5e: {  	_ =	shalt  }
0x5f: {  	_ =	shalt  }
0x60: {  	_ =	shalt  }
0x61: {  	_ =	shalt  }
0x62: {  	_ =	shalt  }
0x63: {  	_ =	shalt  }
0x64: {  	_ =	shalt  }
0x65: {  	_ =	shalt  }
0x66: {  	_ =	shalt  }
0x67: {  	_ =	shalt  }
0x68: {  	_ =	shalt  }
0x69: {  	_ =	shalt  }
0x6a: {  	_ =	shalt  }
0x6b: {  	_ =	shalt  }
0x6c: {  	_ =	shalt  }
0x6d: {  	_ =	shalt  }
0x6e: {  	_ =	shalt  }
0x6f: {  	_ =	shalt  }
0x70: {  	_ =	shalt  }
0x71: {  	_ =	shalt  }
0x72: {  	_ =	shalt  }
0x73: {  	_ =	shalt  }
0x74: {  	_ =	shalt  }
0x75: {  	_ =	shalt  }
0x76: {  	_ =	shalt  }
0x77: {  	_ =	shalt  }
0x78: {  	_ =	shalt  }
0x79: {  	_ =	shalt  }
0x7a: {  	_ =	shalt  }
0x7b: {  	_ =	shalt  }
0x7c: {  	_ =	shalt  }
0x7d: {  	_ =	shalt  }
0x7e: {  	_ =	shalt  }
0x7f: {  	_ =	shalt  }
0x80: {  	_ =	shalt  }
0x81: {  	_ =	shalt  }
0x82: {  	_ =	shalt  }
0x83: {  	_ =	shalt  }
0x84: {  	_ =	shalt  }
0x85: {  	_ =	shalt  }
0x86: {  	_ =	shalt  }
0x87: {  	_ =	shalt  }
.Lfunc_end0:
.L_simem_size_0:
called_computation_lowered:
.L_overlay_start_0:
0x88: {  	s2 =	sld [smem:$0x3FD9]  }
0x89: {  	s3 =	sld [smem:$0x3FFE];
	_ =	sdelay $0x1  }
0x8a: {  	s1 =	srdreg.scid  }
0x8b: {  	s0 =	sand.u32 $0x1, s1  }
0x8c: {  	s17 =	sshll.u32 s0, $0xA;
	s2 =	sadd.s32 s3, s2  }
0x8d: {  	s2 =	sadd.s32 s2, s17  }
0x8e: {  	[smem:$0x3FBB] =	sst s2  }
0x8f: {  	_ = 	snop  }
0x90: {  	s2 =	sld [smem:$0x3FC9]  }
0x91: {  	s18 =	sld [smem:$0x3FC8]  }
0x92: {  	s4 =	sld [smem:$0x3FC7]  }
0x93: {  	s5 =	sld [smem:$0x3FC6]  }
0x94: {  	s6 =	sld [smem:$0x3FC4]  }
0x95: {  	s7 =	sld [smem:$0x3FC3];
	(tm) =	ssettm $0x1  }
0x96: {  	s8 =	sld [smem:$0x3FFB];
	_ =	sdelay $0x3  }
0x97: {  	_ =	strace s8  }
0x98: {  	s8 =	sld [smem:$0x3FFC];
	_ =	sdelay $0x3  }
0x99: {  	_ =	strace s8  }
0x9a: {  	s8 =	sld [smem:$0x3FFD];
	_ =	sdelay $0x3  }
0x9b: {  	_ =	strace s8  }
0x9c: {  	_ =	strace $0x8FFFFFFF  }
0x9d: {  	s19 =	sld [smem:$0x3FDB];
	_ =	sdelay $0x1  }
0x9e: {  	s9 =	simm.s32 $_scs_section_size  }
0x9f: {  	s10 =	simm.s32 $_size__tile_overlayer_lowered;
	s11 =	simm.s32 $_tile_overlayer_lowered  }
0xa0: {  	s22 =	simm.s32 $0x1BFF;
	s21 =	sshll.u32 s11, $0x1;
	s8 =	sadd.s32 s9, s19  }
0xa1: {  	s12 =	simm.s32 $0x0;
	s20 =	sshll.u32 s10, $0x1;
	s10 =	sadd.s32 s21, s8  }
0xa2: {  	[timem:s12], [sflag:s22] =	dma.local [hbm:s10], s20  }
0xa3: {  	_ =	swait.ge [sflag:s22], s20  }
0xa4: {  	s9 =	ssub.s32 $0x0, s20;
	[sflag:s22] =	ssyncset.done $0x0  }
0xa5: {  	[sflag:s22] =	ssyncadd.s32 s9;
	_ =	sdelay $0x1  }
0xa6: {  	s23 =	simm.s32 $0x1B8B  }
0xa7: {  	_ =	swait.ge [sflag:s23], $0x1  }
0xa8: {  	[sflag:s23] =	ssyncset.done $0x0  }
0xa9: {  	s25 =	simm.s32 $0x1B8E;
	s24 =	sld [smem:$0x3FFE];
	[sflag:s23] =	ssyncadd.s32 $0xFFFFFFFF  }
0xaa: {  	s26 =	simm.s32 $execute0_lowered;
	[smem:$0x3FD2] =	sst s25  }
0xab: {  	s10 =	sshll.u32 s26, $0x1;
	_ =	strace $0x80000046;
	[dreg:$0x1] =	wrdreg $0xFFFFFFFF  }
0xac: {  	s28 =	simm.s32 $_size_execute0_lowered;
	s8 =	sadd.s32 s8, s10;
	[dreg:$0x0] =	wrdreg $0x0  }
0xad: {  	s10 =	sshll.u32 s28, $0x1;
	[dreg:$0x2] =	wrdreg s8  }
0xae: {  	[dreg:$0x3] =	wrdreg s10  }
0xaf: {  	[dreg:$0x4] =	wrdreg $0xC0  }
0xb0: {  	_ =	task [dreg:s12], $0x5FFFF  }
0xb1: {  	[dreg:$0x1] =	wrdreg $0xFFFFFFFF  }
0xb2: {  	[dreg:$0x0] =	wrdreg $0x60  }
0xb3: {  	[dreg:$0x2] =	wrdreg s2  }
0xb4: {  	[dreg:$0x3] =	wrdreg s18  }
0xb5: {  	[dreg:$0x4] =	wrdreg s4  }
0xb6: {  	[dreg:$0x5] =	wrdreg s5  }
0xb7: {  	[dreg:$0x6] =	wrdreg s6  }
0xb8: {  	[dreg:$0x7] =	wrdreg s7  }
0xb9: {  	[dreg:$0x8] =	wrdreg s24  }
0xba: {  	[dreg:$0x9] =	wrdreg $0x9  }
0xbb: {  	_ =	task.clear_ibuf [dreg:s12], $0xAFFFF;
	_ =	strace $0x90000046  }
0xbc: {  	s29 =	simm.s32 $0x9;
	_ =	strace $0x80000048  }
0xbd: {  	_ =	swait.ge [sflag:s29], $0x1  }
0xbe: {  	[sflag:s29] =	ssyncadd.s32 $0xFFFFFFFF  }
0xbf: {  	_ =	strace $0x90000048  }
0xc0: {  	_ =	sfence  }
0xc1: {  	s30 =	sld [smem:$0x0];
	_ =	sdelay $0x2  }
0xc2: {  	s31 =	sshll.u32 s1, $0xD;
	s1 =	sshrl.u32 s1, $0x2  }
0xc3: {  	s3 =	sand.u32 $0x4000, s31;
	s1 =	sadd.s32 s1, s30  }
0xc4: {  	s0 =	sor.u32 s3, s0;
	s1 =	sshll.u32 s1, $0x11  }
0xc5: {  	s0 =	sor.u32 s1, s0  }
0xc6: {  	s0 =	sadd.s32 $0x8F2B, s0  }
0xc7: {  	[sflag:s0] =	ssyncadd.remote.s32 $0x1  }
0xc8: {  	_ =	sfence.sel $0xFFFF  }
0xc9: {  	[dreg:$0x0] =	wrdreg $0xFFFFFFFF;
	(pc) =	sbr.abs _section_cstart, $3  }
0xca: {  	[dreg:$0x1] =	wrdreg $0xFFFFFFFF  }
0xcb: {  	_ =	task.clear_ibuf [dreg:s12], $0x2FFFF;
	_ =	strace $0x9FFFFFFF  }
0xcc: {  	(tm) =	ssettm $0x7FFFFFFF  }
0xcd: {  	_ =	shalt  }
tec
execute0_lowered:
.L_overlay_start_1:
0x0: {  	(tag) =	ssettag $0x1  }
0x1: {  	s1 =	rddreg [dreg:$0x0]  }
0x2: {  	s3 =	rddreg [dreg:$0x1]  }
0x3: {  	s0 =	rddreg [dreg:$0x2]  }
0x4: {  	s4 =	rddreg [dreg:$0x6];
	s5 =	srdreg.scid  }
0x5: {  	s2 =	simm.s32 $0x0;
	s7 =	stileid.u32;
	s5 =	sand.u32 $0x1, s5  }
0x6: {  	s31 =	rddreg [dreg:$0x5];
	s7 =	sshll.u32 s7, $0xA;
	s8 =	sshll.u32 s5, $0x9  }
0x7: {  	[smem:$0x7FF] =	sst s2;
	s6 =	sadd.s32 $0x1800, s4;
	s7 =	sor.u32 s8, s7  }
0x8: {  	s9 =	sadd.s32 $0x41800, s4;
	s5 =	ssub.s32 $0x2, s5;
	s10 =	sshrl.u32 s7, $0x3  }
0x9: {  	s4 =	sadd.s32 $0x81800, s4;
	s19 =	sshrl.u32 s5, $0x1;
	s1 =	sadd.s32 s1, s10  }
0xa: {  	s3 =	sadd.s32 s3, s10;
	[dreg:$0x8] =	wrdreg s1;
	s1 =	sshll.u32 s7, $0x4  }
0xb: {  	s5 =	ssub.s32 s5, s19;
	[dreg:$0x9] =	wrdreg s3;
	s20 =	sadd.s32 s9, s1  }
0xc: {  	s21 =	sor.u32 $0x400, s1;
	s18 =	sadd.s32 s4, s1;
	[dreg:$0xa] =	wrdreg s20  }
0xd: {  	s24 =	sor.u32 $0x800, s1;
	s19 =	sadd.s32 s6, s1;
	[dreg:$0x1a] =	wrdreg s18  }
0xe: {  	s22 =	sadd.s32 s9, s21;
	s25 =	sadd.s32 s9, s24;
	[dreg:$0x1b] =	wrdreg s19  }
0xf: {  	s30 =	sadd.s32 s4, s24;
	s7 =	sadd.s32 s6, s24;
	s24 =	rddreg [dreg:$0x4]  }
0x10: {  	s23 =	sadd.s32 s4, s21;
	[dreg:$0xb] =	wrdreg s22  }
0x11: {  	s3 =	sadd.s32 s6, s21;
	[dreg:$0xc] =	wrdreg s23  }
0x12: {  	[dreg:$0xd] =	wrdreg s3  }
0x13: {  	[dreg:$0xe] =	wrdreg s25  }
0x14: {  	s26 =	sor.u32 $0xC00, s1;
	[dreg:$0xf] =	wrdreg s30  }
0x15: {  	s8 =	sadd.s32 s9, s26;
	[dreg:$0x10] =	wrdreg s7  }
0x16: {  	s11 =	sor.u32 $0x1000, s1;
	s10 =	sadd.s32 s4, s26;
	[dreg:$0x11] =	wrdreg s8  }
0x17: {  	s28 =	simm.s32 $0x3C0;
	s12 =	sadd.s32 s9, s11;
	[dreg:$0x12] =	wrdreg s10  }
0x18: {  	s14 =	sor.u32 $0x1400, s1;
	s13 =	sadd.s32 s4, s11;
	[dreg:$0x14] =	wrdreg s12  }
0x19: {  	s29 =	simm.s32 $0x0;
	s15 =	sadd.s32 s9, s14;
	[dreg:$0x15] =	wrdreg s13  }
0x1a: {  	s16 =	sadd.s32 s4, s14;
	s17 =	sadd.s32 s6, s14;
	[dreg:$0x17] =	wrdreg s15  }
0x1b: {  	s20 =	sor.u32 $0x1800, s1;
	s1 =	sor.u32 $0x1C00, s1;
	[dreg:$0x18] =	wrdreg s16  }
0x1c: {  	s14 =	simm.s32 $0xC400;
	s18 =	simm.s32 $0x5;
	[dreg:$0x19] =	wrdreg s17  }
0x1d: {  	s19 =	simm.s32 $0x380;
	s3 =	sadd.s32 s6, s26;
	s23 =	rddreg [dreg:$0x3]  }
0x1e: {  	s21 =	sadd.s32 s9, s20;
	s22 =	sadd.s32 s4, s20;
	s25 =	sadd.s32 s9, s1  }
0x1f: {  	s26 =	sadd.s32 s4, s1;
	s1 =	sadd.s32 s6, s1;
	s30 =	smax.u32 s5, $0x1  }
0x20: {  	s4 =	simm.s32 $0x7;
	s5 =	simm.s32 $0x200;
	[dreg:$0x13] =	wrdreg s3  }
0x21: {  	s7 =	simm.s32 $0x400;
	s8 =	simm.s32 $0x2400;
	[dreg:$0x1c] =	wrdreg s21  }
0x22: {  	s9 =	simm.s32 $0x4400;
	s10 =	simm.s32 $0x6400;
	[dreg:$0x1d] =	wrdreg s22  }
0x23: {  	s13 =	simm.s32 $0xA400;
	s15 =	simm.s32 $0xE400;
	[dreg:$0x1f] =	wrdreg s25  }
0x24: {  	s16 =	simm.s32 $0x3;
	s17 =	simm.s32 $0x1;
	[smem:$0x7FB] =	sst s26  }
0x25: {  	s3 =	sadd.s32 s6, s11;
	[smem:$0x7FC] =	sst s1;
	s11 =	simm.s32 $0x8400  }
0x26: {  	s21 =	simm.s32 $0x4;
	s22 =	simm.s32 $0x2;
	s25 =	simm.s32 $0x6  }
0x27: {  	s1 =	simm.s32 $0x340;
	[dreg:$0x16] =	wrdreg s3;
	s3 =	sadd.s32 s6, s20  }
0x28: {  	s6 =	simm.s32 $0x40;
	s20 =	simm.s32 $0x1C0;
	[dreg:$0x1e] =	wrdreg s3  }
0x29: {  	s3 =	simm.s32 $0x180;
	_ =	strace $0x80000047;
	[smem:$0x7FD] =	sst s30  }
.LBB2_1:
0x2a: {  	s12 =	rddreg [dreg:$0x8]  }
0x2b: {  	[tilespmem:s2], [sflag:$0x7] =	stream.linear.gather [hbm4b:s12+s2], $0x200, $0x38;
	[tilespmem:$0x10400] =	vst v63  }
0x2c: {  	_ =	swait.ge [sflag:s4], $0x200  }
0x2d: {  	[sflag:s4] =	ssyncset.done $0x0  }
0x2e: {  	s26 =	rddreg [dreg:$0x9];
	[sflag:s4] =	ssyncadd.s32 $0xFFFFFE00  }
0x2f: {  	[tilespmem:s5], [sflag:$0x7] =	stream.linear.gather [hbm4b:s26+s2], $0x200, $0x38;
	[tilespmem:$0x10400] =	vst v63  }
0x30: {  	_ =	swait.ge [sflag:s4], $0x200  }
0x31: {  	[sflag:s4] =	ssyncset.done $0x0  }
0x32: {  	[sflag:s4] =	ssyncadd.s32 $0xFFFFFE00  }
0x33: {  	[tilespmem:s7], [sflag:$0x1] =	stream.indirect.gather [hbm4b:s0+s6], $0x80, s2, s6, $0xb8;
	[tilespmem:$0x10400] =	vst v63  }
0x34: {  	_ = 	snop  }
0x35: {  	[tilespmem:s8], [sflag:$0x1] =	stream.indirect.gather [hbm4b:s23+s6], $0x80, s5, s6, $0xb8;
	[tilespmem:$0x10400] =	vst v63  }
0x36: {  	_ = 	snop  }
0x37: {  	[tilespmem:s9], [sflag:$0x3] =	stream.indirect.gather [hbm4b:s24+s6], $0x80, s2, s6, $0xb8;
	[tilespmem:$0x10400] =	vst v63  }
0x38: {  	_ = 	snop  }
0x39: {  	[tilespmem:s10], [sflag:$0x3] =	stream.indirect.gather [hbm4b:s31+s6], $0x80, s5, s6, $0xb8;
	[tilespmem:$0x10400] =	vst v63  }
0x3a: {  	_ = 	snop  }
0x3b: {  	[tilespmem:s11], [sflag:$0x2] =	stream.indirect.gather [hbm4b:s0+s6], $0x80, s6, s6, $0xb8;
	[tilespmem:$0x10400] =	vst v63  }
0x3c: {  	s26 =	simm.s32 $0x240  }
0x3d: {  	[tilespmem:s13], [sflag:$0x2] =	stream.indirect.gather [hbm4b:s23+s6], $0x80, s26, s6, $0xb8;
	[tilespmem:$0x10400] =	vst v63  }
0x3e: {  	_ = 	snop  }
0x3f: {  	[tilespmem:s14], [sflag:$0x4] =	stream.indirect.gather [hbm4b:s24+s6], $0x80, s6, s6, $0xb8;
	[tilespmem:$0x10400] =	vst v63  }
0x40: {  	_ = 	snop  }
0x41: {  	[tilespmem:s15], [sflag:$0x4] =	stream.indirect.gather [hbm4b:s31+s6], $0x80, s26, s6, $0xb8;
	[tilespmem:$0x10400] =	vst v63  }
0x42: {  	_ =	swait.ge [sflag:s16], $0x2000  }
0x43: {  	[sflag:s16] =	ssyncset.done $0x0  }
0x44: {  	[sflag:s16] =	ssyncadd.s32 $0xFFFFE000  }
0x45: {  	_ =	swait.ge [sflag:s16], $0x2000  }
0x46: {  	[sflag:s16] =	ssyncset.done $0x0  }
0x47: {  	s26 =	rddreg [dreg:$0xa];
	[sflag:s16] =	ssyncadd.s32 $0xFFFFE000  }
0x48: {  	[hbm4b:s26+s2] =	stream.linear.scatter [tilespmem:s9], [sflag:$0x5], $0x2000, $0x38;
	[tilespmem:$0x10400] =	vst v63  }
0x49: {  	s26 =	rddreg [dreg:$0x1a]  }
0x4a: {  	[hbm4b:s26+s2] =	stream.linear.scatter [tilespmem:s10], [sflag:$0x5], $0x2000, $0x38;
	[tilespmem:$0x10400] =	vst v63  }
0x4b: {  	_ =	swait.ge [sflag:s17], $0x2000  }
0x4c: {  	[sflag:s17] =	ssyncset.done $0x0  }
0x4d: {  	[sflag:s17] =	ssyncadd.s32 $0xFFFFE000  }
0x4e: {  	_ =	swait.ge [sflag:s17], $0x2000  }
0x4f: {  	[sflag:s17] =	ssyncset.done $0x0  }
0x50: {  	s12 =	simm.s32 $0x0;
	[sflag:s17] =	ssyncadd.s32 $0xFFFFE000  }
0x51: {  	v7 =	vld [tilespmem:s12+$0x2400]  }
0x52: {  	v11 =	vld [tilespmem:s12+$0x2410]  }
0x53: {  	v5 =	vld [tilespmem:s12+$0x2420]  }
0x54: {  	v4 =	vld [tilespmem:s12+$0x2430]  }
0x55: {  	v3 =	vld [tilespmem:s12+$0x2440]  }
0x56: {  	v2 =	vld [tilespmem:s12+$0x2450]  }
0x57: {  	v1 =	vld [tilespmem:s12+$0x2460]  }
0x58: {  	v0 =	vld [tilespmem:s12+$0x2470]  }
0x59: {  	v12 =	vld [tilespmem:s12+$0x400]  }
0x5a: {  	v13 =	vld [tilespmem:s12+$0x410]  }
0x5b: {  	v10 =	vld [tilespmem:s12+$0x420]  }
0x5c: {  	v9 =	vld [tilespmem:s12+$0x430]  }
0x5d: {  	v8 =	vld [tilespmem:s12+$0x440]  }
0x5e: {  	v6 =	vld [tilespmem:s12+$0x450];
	v12 =	vmul.f32 v7, v12  }
0x5f: {  	s30 =	simm.s32 $0x200;
	v11 =	vmul.f32 v11, v13;
	v7 =	vld [tilespmem:s12+$0x460]  }
.LBB2_2:
0x60: {  	s26 =	sshra.s32 s30, $0x2;
	p0 =	sne.s32 s30, $0x7E00;
	[tilespmem:s12+$0x400] =	vst v12;
	v5 =	vmul.f32 v5, v10;
	v10 =	vld [tilespmem:s12+$0x470]  }
0x61: {  	v12 =	vld [tilespmem:s26+$0x2400];
	[tilespmem:s12+$0x410] =	vst v11;
	v4 =	vmul.f32 v4, v9  }
0x62: {  	v11 =	vld [tilespmem:s26+$0x2410];
	[tilespmem:s12+$0x420] =	vst v5;
	v3 =	vmul.f32 v3, v8  }
0x63: {  	v5 =	vld [tilespmem:s26+$0x2420];
	[tilespmem:s12+$0x430] =	vst v4;
	v2 =	vmul.f32 v2, v6  }
0x64: {  	v4 =	vld [tilespmem:s26+$0x2430];
	[tilespmem:s12+$0x440] =	vst v3;
	v1 =	vmul.f32 v1, v7  }
0x65: {  	v3 =	vld [tilespmem:s26+$0x2440];
	[tilespmem:s12+$0x450] =	vst v2;
	v0 =	vmul.f32 v0, v10  }
0x66: {  	v2 =	vld [tilespmem:s26+$0x2450];
	[tilespmem:s12+$0x460] =	vst v1  }
0x67: {  	v1 =	vld [tilespmem:s26+$0x2460];
	[tilespmem:s12+$0x470] =	vst v0;
	s12 =	smov.u32 s26  }
0x68: {  	v0 =	vld [tilespmem:s12+$0x2470]  }
0x69: {  	v6 =	vld [tilespmem:s12+$0x400]  }
0x6a: {  	v7 =	vld [tilespmem:s12+$0x410]  }
.Ltmp0:
0x6b: {  	v10 =	vld [tilespmem:s12+$0x420];
	(pc) =	sbr.rel @p0 .LBB2_2-.Ltmp0, $4  }
0x6c: {  	v9 =	vld [tilespmem:s12+$0x430]  }
0x6d: {  	v8 =	vld [tilespmem:s12+$0x440]  }
0x6e: {  	v12 =	vmul.f32 v12, v6;
	v6 =	vld [tilespmem:s12+$0x450]  }
0x6f: {  	s30 =	sadd.s32 $0x200, s30;
	v11 =	vmul.f32 v11, v7;
	v7 =	vld [tilespmem:s12+$0x460]  }
0x70: {  	[tilespmem:s12+$0x400] =	vst v12;
	v5 =	vmul.f32 v5, v10;
	v10 =	vld [tilespmem:s12+$0x470]  }
0x71: {  	[tilespmem:s12+$0x410] =	vst v11;
	v4 =	vmul.f32 v4, v9  }
0x72: {  	[tilespmem:s12+$0x420] =	vst v5;
	v3 =	vmul.f32 v3, v8  }
0x73: {  	[tilespmem:s12+$0x430] =	vst v4;
	v2 =	vmul.f32 v2, v6  }
0x74: {  	[tilespmem:s12+$0x440] =	vst v3;
	v1 =	vmul.f32 v1, v7  }
0x75: {  	[tilespmem:s12+$0x450] =	vst v2;
	v0 =	vmul.f32 v0, v10  }
0x76: {  	[tilespmem:s12+$0x460] =	vst v1  }
0x77: {  	s26 =	rddreg [dreg:$0x1b];
	[tilespmem:s12+$0x470] =	vst v0;
	s12 =	simm.s32 $0x0  }
0x78: {  	[hbm4b:s26+s12] =	stream.linear.scatter [tilespmem:s7], [sflag:$0x5], $0x2000, $0x38;
	[tilespmem:$0x10400] =	vst v63  }
0x79: {  	_ =	swait.ge [sflag:s18], $0x2000  }
0x7a: {  	[sflag:s18] =	ssyncset.done $0x0  }
0x7b: {  	[sflag:s18] =	ssyncadd.s32 $0xFFFFE000  }
0x7c: {  	_ =	swait.ge [sflag:s18], $0x2000  }
0x7d: {  	[sflag:s18] =	ssyncset.done $0x0  }
0x7e: {  	[sflag:s18] =	ssyncadd.s32 $0xFFFFE000  }
0x7f: {  	_ =	swait.ge [sflag:s18], $0x2000  }
0x80: {  	[sflag:s18] =	ssyncset.done $0x0  }
0x81: {  	s26 =	simm.s32 $0x80;
	[sflag:s18] =	ssyncadd.s32 $0xFFFFE000  }
0x82: {  	[tilespmem:s7], [sflag:$0x1] =	stream.indirect.gather [hbm4b:s0+s6], $0x80, s26, s6, $0xb8;
	[tilespmem:$0x10400] =	vst v63  }
0x83: {  	s30 =	simm.s32 $0x280  }
0x84: {  	[tilespmem:s8], [sflag:$0x1] =	stream.indirect.gather [hbm4b:s23+s6], $0x80, s30, s6, $0xb8;
	[tilespmem:$0x10400] =	vst v63  }
0x85: {  	_ = 	snop  }
0x86: {  	[tilespmem:s9], [sflag:$0x3] =	stream.indirect.gather [hbm4b:s24+s6], $0x80, s26, s6, $0xb8;
	[tilespmem:$0x10400] =	vst v63  }
0x87: {  	_ = 	snop  }
0x88: {  	[tilespmem:s10], [sflag:$0x3] =	stream.indirect.gather [hbm4b:s31+s6], $0x80, s30, s6, $0xb8;
	[tilespmem:$0x10400] =	vst v63  }
0x89: {  	_ =	swait.ge [sflag:s21], $0x2000  }
0x8a: {  	[sflag:s21] =	ssyncset.done $0x0  }
0x8b: {  	[sflag:s21] =	ssyncadd.s32 $0xFFFFE000  }
0x8c: {  	_ =	swait.ge [sflag:s21], $0x2000  }
0x8d: {  	[sflag:s21] =	ssyncset.done $0x0  }
0x8e: {  	s26 =	rddreg [dreg:$0xb];
	[sflag:s21] =	ssyncadd.s32 $0xFFFFE000  }
0x8f: {  	[hbm4b:s26+s12] =	stream.linear.scatter [tilespmem:s14], [sflag:$0x6], $0x2000, $0x38;
	[tilespmem:$0x10400] =	vst v63  }
0x90: {  	s26 =	rddreg [dreg:$0xc]  }
0x91: {  	[hbm4b:s26+s12] =	stream.linear.scatter [tilespmem:s15], [sflag:$0x6], $0x2000, $0x38;
	[tilespmem:$0x10400] =	vst v63  }
0x92: {  	_ =	swait.ge [sflag:s22], $0x2000  }
0x93: {  	[sflag:s22] =	ssyncset.done $0x0  }
0x94: {  	[sflag:s22] =	ssyncadd.s32 $0xFFFFE000  }
0x95: {  	_ =	swait.ge [sflag:s22], $0x2000  }
0x96: {  	[sflag:s22] =	ssyncset.done $0x0  }
0x97: {  	s12 =	simm.s32 $0x0;
	[sflag:s22] =	ssyncadd.s32 $0xFFFFE000  }
0x98: {  	v7 =	vld [tilespmem:s12+$0xA400]  }
0x99: {  	v11 =	vld [tilespmem:s12+$0xA410]  }
0x9a: {  	v5 =	vld [tilespmem:s12+$0xA420]  }
0x9b: {  	v4 =	vld [tilespmem:s12+$0xA430]  }
0x9c: {  	v3 =	vld [tilespmem:s12+$0xA440]  }
0x9d: {  	v2 =	vld [tilespmem:s12+$0xA450]  }
0x9e: {  	v1 =	vld [tilespmem:s12+$0xA460]  }
0x9f: {  	v0 =	vld [tilespmem:s12+$0xA470]  }
0xa0: {  	v12 =	vld [tilespmem:s12+$0x8400]  }
0xa1: {  	v13 =	vld [tilespmem:s12+$0x8410]  }
0xa2: {  	v10 =	vld [tilespmem:s12+$0x8420]  }
0xa3: {  	v9 =	vld [tilespmem:s12+$0x8430]  }
0xa4: {  	v8 =	vld [tilespmem:s12+$0x8440]  }
0xa5: {  	v6 =	vld [tilespmem:s12+$0x8450];
	v12 =	vmul.f32 v7, v12  }
0xa6: {  	s30 =	simm.s32 $0x200;
	v11 =	vmul.f32 v11, v13;
	v7 =	vld [tilespmem:s12+$0x8460]  }
.LBB2_4:
0xa7: {  	s26 =	sshra.s32 s30, $0x2;
	p0 =	sne.s32 s30, $0x7E00;
	[tilespmem:s12+$0x8400] =	vst v12;
	v5 =	vmul.f32 v5, v10;
	v10 =	vld [tilespmem:s12+$0x8470]  }
0xa8: {  	v12 =	vld [tilespmem:s26+$0xA400];
	[tilespmem:s12+$0x8410] =	vst v11;
	v4 =	vmul.f32 v4, v9  }
0xa9: {  	v11 =	vld [tilespmem:s26+$0xA410];
	[tilespmem:s12+$0x8420] =	vst v5;
	v3 =	vmul.f32 v3, v8  }
0xaa: {  	v5 =	vld [tilespmem:s26+$0xA420];
	[tilespmem:s12+$0x8430] =	vst v4;
	v2 =	vmul.f32 v2, v6  }
0xab: {  	v4 =	vld [tilespmem:s26+$0xA430];
	[tilespmem:s12+$0x8440] =	vst v3;
	v1 =	vmul.f32 v1, v7  }
0xac: {  	v3 =	vld [tilespmem:s26+$0xA440];
	[tilespmem:s12+$0x8450] =	vst v2;
	v0 =	vmul.f32 v0, v10  }
0xad: {  	v2 =	vld [tilespmem:s26+$0xA450];
	[tilespmem:s12+$0x8460] =	vst v1  }
0xae: {  	v1 =	vld [tilespmem:s26+$0xA460];
	[tilespmem:s12+$0x8470] =	vst v0;
	s12 =	smov.u32 s26  }
0xaf: {  	v0 =	vld [tilespmem:s12+$0xA470]  }
0xb0: {  	v6 =	vld [tilespmem:s12+$0x8400]  }
0xb1: {  	v7 =	vld [tilespmem:s12+$0x8410]  }
.Ltmp1:
0xb2: {  	v10 =	vld [tilespmem:s12+$0x8420];
	(pc) =	sbr.rel @p0 .LBB2_4-.Ltmp1, $4  }
0xb3: {  	v9 =	vld [tilespmem:s12+$0x8430]  }
0xb4: {  	v8 =	vld [tilespmem:s12+$0x8440]  }
0xb5: {  	v12 =	vmul.f32 v12, v6;
	v6 =	vld [tilespmem:s12+$0x8450]  }
0xb6: {  	s30 =	sadd.s32 $0x200, s30;
	v11 =	vmul.f32 v11, v7;
	v7 =	vld [tilespmem:s12+$0x8460]  }
0xb7: {  	[tilespmem:s12+$0x8400] =	vst v12;
	v5 =	vmul.f32 v5, v10;
	v10 =	vld [tilespmem:s12+$0x8470]  }
0xb8: {  	[tilespmem:s12+$0x8410] =	vst v11;
	v4 =	vmul.f32 v4, v9  }
0xb9: {  	[tilespmem:s12+$0x8420] =	vst v5;
	v3 =	vmul.f32 v3, v8  }
0xba: {  	[tilespmem:s12+$0x8430] =	vst v4;
	v2 =	vmul.f32 v2, v6  }
0xbb: {  	[tilespmem:s12+$0x8440] =	vst v3;
	v1 =	vmul.f32 v1, v7  }
0xbc: {  	[tilespmem:s12+$0x8450] =	vst v2;
	v0 =	vmul.f32 v0, v10  }
0xbd: {  	[tilespmem:s12+$0x8460] =	vst v1  }
0xbe: {  	s26 =	rddreg [dreg:$0xd];
	[tilespmem:s12+$0x8470] =	vst v0;
	s12 =	simm.s32 $0x0  }
0xbf: {  	[hbm4b:s26+s12] =	stream.linear.scatter [tilespmem:s11], [sflag:$0x6], $0x2000, $0x38;
	[tilespmem:$0x10400] =	vst v63  }
0xc0: {  	_ =	swait.ge [sflag:s25], $0x2000  }
0xc1: {  	[sflag:s25] =	ssyncset.done $0x0  }
0xc2: {  	[sflag:s25] =	ssyncadd.s32 $0xFFFFE000  }
0xc3: {  	_ =	swait.ge [sflag:s25], $0x2000  }
0xc4: {  	[sflag:s25] =	ssyncset.done $0x0  }
0xc5: {  	[sflag:s25] =	ssyncadd.s32 $0xFFFFE000  }
0xc6: {  	_ =	swait.ge [sflag:s25], $0x2000  }
0xc7: {  	[sflag:s25] =	ssyncset.done $0x0  }
0xc8: {  	s26 =	simm.s32 $0xC0;
	[sflag:s25] =	ssyncadd.s32 $0xFFFFE000  }
0xc9: {  	[tilespmem:s11], [sflag:$0x2] =	stream.indirect.gather [hbm4b:s0+s6], $0x80, s26, s6, $0xb8;
	[tilespmem:$0x10400] =	vst v63  }
0xca: {  	s30 =	simm.s32 $0x2C0  }
0xcb: {  	[tilespmem:s13], [sflag:$0x2] =	stream.indirect.gather [hbm4b:s23+s6], $0x80, s30, s6, $0xb8;
	[tilespmem:$0x10400] =	vst v63  }
0xcc: {  	_ = 	snop  }
0xcd: {  	[tilespmem:s14], [sflag:$0x4] =	stream.indirect.gather [hbm4b:s24+s6], $0x80, s26, s6, $0xb8;
	[tilespmem:$0x10400] =	vst v63  }
0xce: {  	_ = 	snop  }
0xcf: {  	[tilespmem:s15], [sflag:$0x4] =	stream.indirect.gather [hbm4b:s31+s6], $0x80, s30, s6, $0xb8;
	[tilespmem:$0x10400] =	vst v63  }
0xd0: {  	_ =	swait.ge [sflag:s16], $0x2000  }
0xd1: {  	[sflag:s16] =	ssyncset.done $0x0  }
0xd2: {  	[sflag:s16] =	ssyncadd.s32 $0xFFFFE000  }
0xd3: {  	_ =	swait.ge [sflag:s16], $0x2000  }
0xd4: {  	[sflag:s16] =	ssyncset.done $0x0  }
0xd5: {  	s26 =	rddreg [dreg:$0xe];
	[sflag:s16] =	ssyncadd.s32 $0xFFFFE000  }
0xd6: {  	[hbm4b:s26+s12] =	stream.linear.scatter [tilespmem:s9], [sflag:$0x5], $0x2000, $0x38;
	[tilespmem:$0x10400] =	vst v63  }
0xd7: {  	s26 =	rddreg [dreg:$0xf]  }
0xd8: {  	[hbm4b:s26+s12] =	stream.linear.scatter [tilespmem:s10], [sflag:$0x5], $0x2000, $0x38;
	[tilespmem:$0x10400] =	vst v63  }
0xd9: {  	_ =	swait.ge [sflag:s17], $0x2000  }
0xda: {  	[sflag:s17] =	ssyncset.done $0x0  }
0xdb: {  	[sflag:s17] =	ssyncadd.s32 $0xFFFFE000  }
0xdc: {  	_ =	swait.ge [sflag:s17], $0x2000  }
0xdd: {  	[sflag:s17] =	ssyncset.done $0x0  }
0xde: {  	s12 =	simm.s32 $0x0;
	[sflag:s17] =	ssyncadd.s32 $0xFFFFE000  }
0xdf: {  	v7 =	vld [tilespmem:s12+$0x2400]  }
0xe0: {  	v11 =	vld [tilespmem:s12+$0x2410]  }
0xe1: {  	v5 =	vld [tilespmem:s12+$0x2420]  }
0xe2: {  	v4 =	vld [tilespmem:s12+$0x2430]  }
0xe3: {  	v3 =	vld [tilespmem:s12+$0x2440]  }
0xe4: {  	v2 =	vld [tilespmem:s12+$0x2450]  }
0xe5: {  	v1 =	vld [tilespmem:s12+$0x2460]  }
0xe6: {  	v0 =	vld [tilespmem:s12+$0x2470]  }
0xe7: {  	v12 =	vld [tilespmem:s12+$0x400]  }
0xe8: {  	v13 =	vld [tilespmem:s12+$0x410]  }
0xe9: {  	v10 =	vld [tilespmem:s12+$0x420]  }
0xea: {  	v9 =	vld [tilespmem:s12+$0x430]  }
0xeb: {  	v8 =	vld [tilespmem:s12+$0x440]  }
0xec: {  	v6 =	vld [tilespmem:s12+$0x450];
	v12 =	vmul.f32 v7, v12  }
0xed: {  	s30 =	simm.s32 $0x200;
	v11 =	vmul.f32 v11, v13;
	v7 =	vld [tilespmem:s12+$0x460]  }
.LBB2_6:
0xee: {  	s26 =	sshra.s32 s30, $0x2;
	p0 =	sne.s32 s30, $0x7E00;
	[tilespmem:s12+$0x400] =	vst v12;
	v5 =	vmul.f32 v5, v10;
	v10 =	vld [tilespmem:s12+$0x470]  }
0xef: {  	v12 =	vld [tilespmem:s26+$0x2400];
	[tilespmem:s12+$0x410] =	vst v11;
	v4 =	vmul.f32 v4, v9  }
0xf0: {  	v11 =	vld [tilespmem:s26+$0x2410];
	[tilespmem:s12+$0x420] =	vst v5;
	v3 =	vmul.f32 v3, v8  }
0xf1: {  	v5 =	vld [tilespmem:s26+$0x2420];
	[tilespmem:s12+$0x430] =	vst v4;
	v2 =	vmul.f32 v2, v6  }
0xf2: {  	v4 =	vld [tilespmem:s26+$0x2430];
	[tilespmem:s12+$0x440] =	vst v3;
	v1 =	vmul.f32 v1, v7  }
0xf3: {  	v3 =	vld [tilespmem:s26+$0x2440];
	[tilespmem:s12+$0x450] =	vst v2;
	v0 =	vmul.f32 v0, v10  }
0xf4: {  	v2 =	vld [tilespmem:s26+$0x2450];
	[tilespmem:s12+$0x460] =	vst v1  }
0xf5: {  	v1 =	vld [tilespmem:s26+$0x2460];
	[tilespmem:s12+$0x470] =	vst v0;
	s12 =	smov.u32 s26  }
0xf6: {  	v0 =	vld [tilespmem:s12+$0x2470]  }
0xf7: {  	v6 =	vld [tilespmem:s12+$0x400]  }
0xf8: {  	v7 =	vld [tilespmem:s12+$0x410]  }
.Ltmp2:
0xf9: {  	v10 =	vld [tilespmem:s12+$0x420];
	(pc) =	sbr.rel @p0 .LBB2_6-.Ltmp2, $4  }
0xfa: {  	v9 =	vld [tilespmem:s12+$0x430]  }
0xfb: {  	v8 =	vld [tilespmem:s12+$0x440]  }
0xfc: {  	v12 =	vmul.f32 v12, v6;
	v6 =	vld [tilespmem:s12+$0x450]  }
0xfd: {  	s30 =	sadd.s32 $0x200, s30;
	v11 =	vmul.f32 v11, v7;
	v7 =	vld [tilespmem:s12+$0x460]  }
0xfe: {  	[tilespmem:s12+$0x400] =	vst v12;
	v5 =	vmul.f32 v5, v10;
	v10 =	vld [tilespmem:s12+$0x470]  }
0xff: {  	[tilespmem:s12+$0x410] =	vst v11;
	v4 =	vmul.f32 v4, v9  }
0x100: {  	[tilespmem:s12+$0x420] =	vst v5;
	v3 =	vmul.f32 v3, v8  }
0x101: {  	[tilespmem:s12+$0x430] =	vst v4;
	v2 =	vmul.f32 v2, v6  }
0x102: {  	[tilespmem:s12+$0x440] =	vst v3;
	v1 =	vmul.f32 v1, v7  }
0x103: {  	[tilespmem:s12+$0x450] =	vst v2;
	v0 =	vmul.f32 v0, v10  }
0x104: {  	[tilespmem:s12+$0x460] =	vst v1  }
0x105: {  	s26 =	rddreg [dreg:$0x10];
	[tilespmem:s12+$0x470] =	vst v0;
	s12 =	simm.s32 $0x0  }
0x106: {  	[hbm4b:s26+s12] =	stream.linear.scatter [tilespmem:s7], [sflag:$0x5], $0x2000, $0x38;
	[tilespmem:$0x10400] =	vst v63  }
0x107: {  	_ =	swait.ge [sflag:s18], $0x2000  }
0x108: {  	[sflag:s18] =	ssyncset.done $0x0  }
0x109: {  	[sflag:s18] =	ssyncadd.s32 $0xFFFFE000  }
0x10a: {  	_ =	swait.ge [sflag:s18], $0x2000  }
0x10b: {  	[sflag:s18] =	ssyncset.done $0x0  }
0x10c: {  	[sflag:s18] =	ssyncadd.s32 $0xFFFFE000  }
0x10d: {  	_ =	swait.ge [sflag:s18], $0x2000  }
0x10e: {  	[sflag:s18] =	ssyncset.done $0x0  }
0x10f: {  	s26 =	simm.s32 $0x100;
	[sflag:s18] =	ssyncadd.s32 $0xFFFFE000  }
0x110: {  	[tilespmem:s7], [sflag:$0x1] =	stream.indirect.gather [hbm4b:s0+s6], $0x80, s26, s6, $0xb8;
	[tilespmem:$0x10400] =	vst v63  }
0x111: {  	s30 =	simm.s32 $0x300  }
0x112: {  	[tilespmem:s8], [sflag:$0x1] =	stream.indirect.gather [hbm4b:s23+s6], $0x80, s30, s6, $0xb8;
	[tilespmem:$0x10400] =	vst v63  }
0x113: {  	_ = 	snop  }
0x114: {  	[tilespmem:s9], [sflag:$0x3] =	stream.indirect.gather [hbm4b:s24+s6], $0x80, s26, s6, $0xb8;
	[tilespmem:$0x10400] =	vst v63  }
0x115: {  	_ = 	snop  }
0x116: {  	[tilespmem:s10], [sflag:$0x3] =	stream.indirect.gather [hbm4b:s31+s6], $0x80, s30, s6, $0xb8;
	[tilespmem:$0x10400] =	vst v63  }
0x117: {  	_ =	swait.ge [sflag:s21], $0x2000  }
0x118: {  	[sflag:s21] =	ssyncset.done $0x0  }
0x119: {  	[sflag:s21] =	ssyncadd.s32 $0xFFFFE000  }
0x11a: {  	_ =	swait.ge [sflag:s21], $0x2000  }
0x11b: {  	[sflag:s21] =	ssyncset.done $0x0  }
0x11c: {  	s26 =	rddreg [dreg:$0x11];
	[sflag:s21] =	ssyncadd.s32 $0xFFFFE000  }
0x11d: {  	[hbm4b:s26+s12] =	stream.linear.scatter [tilespmem:s14], [sflag:$0x6], $0x2000, $0x38;
	[tilespmem:$0x10400] =	vst v63  }
0x11e: {  	s26 =	rddreg [dreg:$0x12]  }
0x11f: {  	[hbm4b:s26+s12] =	stream.linear.scatter [tilespmem:s15], [sflag:$0x6], $0x2000, $0x38;
	[tilespmem:$0x10400] =	vst v63  }
0x120: {  	_ =	swait.ge [sflag:s22], $0x2000  }
0x121: {  	[sflag:s22] =	ssyncset.done $0x0  }
0x122: {  	[sflag:s22] =	ssyncadd.s32 $0xFFFFE000  }
0x123: {  	_ =	swait.ge [sflag:s22], $0x2000  }
0x124: {  	[sflag:s22] =	ssyncset.done $0x0  }
0x125: {  	s12 =	simm.s32 $0x0;
	[sflag:s22] =	ssyncadd.s32 $0xFFFFE000  }
0x126: {  	v7 =	vld [tilespmem:s12+$0xA400]  }
0x127: {  	v11 =	vld [tilespmem:s12+$0xA410]  }
0x128: {  	v5 =	vld [tilespmem:s12+$0xA420]  }
0x129: {  	v4 =	vld [tilespmem:s12+$0xA430]  }
0x12a: {  	v3 =	vld [tilespmem:s12+$0xA440]  }
0x12b: {  	v2 =	vld [tilespmem:s12+$0xA450]  }
0x12c: {  	v1 =	vld [tilespmem:s12+$0xA460]  }
0x12d: {  	v0 =	vld [tilespmem:s12+$0xA470]  }
0x12e: {  	v12 =	vld [tilespmem:s12+$0x8400]  }
0x12f: {  	v13 =	vld [tilespmem:s12+$0x8410]  }
0x130: {  	v10 =	vld [tilespmem:s12+$0x8420]  }
0x131: {  	v9 =	vld [tilespmem:s12+$0x8430]  }
0x132: {  	v8 =	vld [tilespmem:s12+$0x8440]  }
0x133: {  	v6 =	vld [tilespmem:s12+$0x8450];
	v12 =	vmul.f32 v7, v12  }
0x134: {  	s30 =	simm.s32 $0x200;
	v11 =	vmul.f32 v11, v13;
	v7 =	vld [tilespmem:s12+$0x8460]  }
.LBB2_8:
0x135: {  	s26 =	sshra.s32 s30, $0x2;
	p0 =	sne.s32 s30, $0x7E00;
	[tilespmem:s12+$0x8400] =	vst v12;
	v5 =	vmul.f32 v5, v10;
	v10 =	vld [tilespmem:s12+$0x8470]  }
0x136: {  	v12 =	vld [tilespmem:s26+$0xA400];
	[tilespmem:s12+$0x8410] =	vst v11;
	v4 =	vmul.f32 v4, v9  }
0x137: {  	v11 =	vld [tilespmem:s26+$0xA410];
	[tilespmem:s12+$0x8420] =	vst v5;
	v3 =	vmul.f32 v3, v8  }
0x138: {  	v5 =	vld [tilespmem:s26+$0xA420];
	[tilespmem:s12+$0x8430] =	vst v4;
	v2 =	vmul.f32 v2, v6  }
0x139: {  	v4 =	vld [tilespmem:s26+$0xA430];
	[tilespmem:s12+$0x8440] =	vst v3;
	v1 =	vmul.f32 v1, v7  }
0x13a: {  	v3 =	vld [tilespmem:s26+$0xA440];
	[tilespmem:s12+$0x8450] =	vst v2;
	v0 =	vmul.f32 v0, v10  }
0x13b: {  	v2 =	vld [tilespmem:s26+$0xA450];
	[tilespmem:s12+$0x8460] =	vst v1  }
0x13c: {  	v1 =	vld [tilespmem:s26+$0xA460];
	[tilespmem:s12+$0x8470] =	vst v0;
	s12 =	smov.u32 s26  }
0x13d: {  	v0 =	vld [tilespmem:s12+$0xA470]  }
0x13e: {  	v6 =	vld [tilespmem:s12+$0x8400]  }
0x13f: {  	v7 =	vld [tilespmem:s12+$0x8410]  }
.Ltmp3:
0x140: {  	v10 =	vld [tilespmem:s12+$0x8420];
	(pc) =	sbr.rel @p0 .LBB2_8-.Ltmp3, $4  }
0x141: {  	v9 =	vld [tilespmem:s12+$0x8430]  }
0x142: {  	v8 =	vld [tilespmem:s12+$0x8440]  }
0x143: {  	v12 =	vmul.f32 v12, v6;
	v6 =	vld [tilespmem:s12+$0x8450]  }
0x144: {  	s30 =	sadd.s32 $0x200, s30;
	v11 =	vmul.f32 v11, v7;
	v7 =	vld [tilespmem:s12+$0x8460]  }
0x145: {  	[tilespmem:s12+$0x8400] =	vst v12;
	v5 =	vmul.f32 v5, v10;
	v10 =	vld [tilespmem:s12+$0x8470]  }
0x146: {  	[tilespmem:s12+$0x8410] =	vst v11;
	v4 =	vmul.f32 v4, v9  }
0x147: {  	[tilespmem:s12+$0x8420] =	vst v5;
	v3 =	vmul.f32 v3, v8  }
0x148: {  	[tilespmem:s12+$0x8430] =	vst v4;
	v2 =	vmul.f32 v2, v6  }
0x149: {  	[tilespmem:s12+$0x8440] =	vst v3;
	v1 =	vmul.f32 v1, v7  }
0x14a: {  	[tilespmem:s12+$0x8450] =	vst v2;
	v0 =	vmul.f32 v0, v10  }
0x14b: {  	[tilespmem:s12+$0x8460] =	vst v1  }
0x14c: {  	s26 =	rddreg [dreg:$0x13];
	[tilespmem:s12+$0x8470] =	vst v0;
	s12 =	simm.s32 $0x0  }
0x14d: {  	[hbm4b:s26+s12] =	stream.linear.scatter [tilespmem:s11], [sflag:$0x6], $0x2000, $0x38;
	[tilespmem:$0x10400] =	vst v63  }
0x14e: {  	_ =	swait.ge [sflag:s25], $0x2000  }
0x14f: {  	[sflag:s25] =	ssyncset.done $0x0  }
0x150: {  	[sflag:s25] =	ssyncadd.s32 $0xFFFFE000  }
0x151: {  	_ =	swait.ge [sflag:s25], $0x2000  }
0x152: {  	[sflag:s25] =	ssyncset.done $0x0  }
0x153: {  	[sflag:s25] =	ssyncadd.s32 $0xFFFFE000  }
0x154: {  	_ =	swait.ge [sflag:s25], $0x2000  }
0x155: {  	[sflag:s25] =	ssyncset.done $0x0  }
0x156: {  	s26 =	simm.s32 $0x140;
	[sflag:s25] =	ssyncadd.s32 $0xFFFFE000  }
0x157: {  	[tilespmem:s11], [sflag:$0x2] =	stream.indirect.gather [hbm4b:s0+s6], $0x80, s26, s6, $0xb8;
	[tilespmem:$0x10400] =	vst v63  }
0x158: {  	_ = 	snop  }
0x159: {  	[tilespmem:s13], [sflag:$0x2] =	stream.indirect.gather [hbm4b:s23+s6], $0x80, s1, s6, $0xb8;
	[tilespmem:$0x10400] =	vst v63  }
0x15a: {  	_ = 	snop  }
0x15b: {  	[tilespmem:s14], [sflag:$0x4] =	stream.indirect.gather [hbm4b:s24+s6], $0x80, s26, s6, $0xb8;
	[tilespmem:$0x10400] =	vst v63  }
0x15c: {  	_ = 	snop  }
0x15d: {  	[tilespmem:s15], [sflag:$0x4] =	stream.indirect.gather [hbm4b:s31+s6], $0x80, s1, s6, $0xb8;
	[tilespmem:$0x10400] =	vst v63  }
0x15e: {  	_ =	swait.ge [sflag:s16], $0x2000  }
0x15f: {  	[sflag:s16] =	ssyncset.done $0x0  }
0x160: {  	[sflag:s16] =	ssyncadd.s32 $0xFFFFE000  }
0x161: {  	_ =	swait.ge [sflag:s16], $0x2000  }
0x162: {  	[sflag:s16] =	ssyncset.done $0x0  }
0x163: {  	s26 =	rddreg [dreg:$0x14];
	[sflag:s16] =	ssyncadd.s32 $0xFFFFE000  }
0x164: {  	[hbm4b:s26+s12] =	stream.linear.scatter [tilespmem:s9], [sflag:$0x5], $0x2000, $0x38;
	[tilespmem:$0x10400] =	vst v63  }
0x165: {  	s26 =	rddreg [dreg:$0x15]  }
0x166: {  	[hbm4b:s26+s12] =	stream.linear.scatter [tilespmem:s10], [sflag:$0x5], $0x2000, $0x38;
	[tilespmem:$0x10400] =	vst v63  }
0x167: {  	_ =	swait.ge [sflag:s17], $0x2000  }
0x168: {  	[sflag:s17] =	ssyncset.done $0x0  }
0x169: {  	[sflag:s17] =	ssyncadd.s32 $0xFFFFE000  }
0x16a: {  	_ =	swait.ge [sflag:s17], $0x2000  }
0x16b: {  	[sflag:s17] =	ssyncset.done $0x0  }
0x16c: {  	s12 =	simm.s32 $0x0;
	[sflag:s17] =	ssyncadd.s32 $0xFFFFE000  }
0x16d: {  	v7 =	vld [tilespmem:s12+$0x2400]  }
0x16e: {  	v11 =	vld [tilespmem:s12+$0x2410]  }
0x16f: {  	v5 =	vld [tilespmem:s12+$0x2420]  }
0x170: {  	v4 =	vld [tilespmem:s12+$0x2430]  }
0x171: {  	v3 =	vld [tilespmem:s12+$0x2440]  }
0x172: {  	v2 =	vld [tilespmem:s12+$0x2450]  }
0x173: {  	v1 =	vld [tilespmem:s12+$0x2460]  }
0x174: {  	v0 =	vld [tilespmem:s12+$0x2470]  }
0x175: {  	v12 =	vld [tilespmem:s12+$0x400]  }
0x176: {  	v13 =	vld [tilespmem:s12+$0x410]  }
0x177: {  	v10 =	vld [tilespmem:s12+$0x420]  }
0x178: {  	v9 =	vld [tilespmem:s12+$0x430]  }
0x179: {  	v8 =	vld [tilespmem:s12+$0x440]  }
0x17a: {  	v6 =	vld [tilespmem:s12+$0x450];
	v12 =	vmul.f32 v7, v12  }
0x17b: {  	s30 =	simm.s32 $0x200;
	v11 =	vmul.f32 v11, v13;
	v7 =	vld [tilespmem:s12+$0x460]  }
.LBB2_10:
0x17c: {  	s26 =	sshra.s32 s30, $0x2;
	p0 =	sne.s32 s30, $0x7E00;
	[tilespmem:s12+$0x400] =	vst v12;
	v5 =	vmul.f32 v5, v10;
	v10 =	vld [tilespmem:s12+$0x470]  }
0x17d: {  	v12 =	vld [tilespmem:s26+$0x2400];
	[tilespmem:s12+$0x410] =	vst v11;
	v4 =	vmul.f32 v4, v9  }
0x17e: {  	v11 =	vld [tilespmem:s26+$0x2410];
	[tilespmem:s12+$0x420] =	vst v5;
	v3 =	vmul.f32 v3, v8  }
0x17f: {  	v5 =	vld [tilespmem:s26+$0x2420];
	[tilespmem:s12+$0x430] =	vst v4;
	v2 =	vmul.f32 v2, v6  }
0x180: {  	v4 =	vld [tilespmem:s26+$0x2430];
	[tilespmem:s12+$0x440] =	vst v3;
	v1 =	vmul.f32 v1, v7  }
0x181: {  	v3 =	vld [tilespmem:s26+$0x2440];
	[tilespmem:s12+$0x450] =	vst v2;
	v0 =	vmul.f32 v0, v10  }
0x182: {  	v2 =	vld [tilespmem:s26+$0x2450];
	[tilespmem:s12+$0x460] =	vst v1  }
0x183: {  	v1 =	vld [tilespmem:s26+$0x2460];
	[tilespmem:s12+$0x470] =	vst v0;
	s12 =	smov.u32 s26  }
0x184: {  	v0 =	vld [tilespmem:s12+$0x2470]  }
0x185: {  	v6 =	vld [tilespmem:s12+$0x400]  }
0x186: {  	v7 =	vld [tilespmem:s12+$0x410]  }
.Ltmp4:
0x187: {  	v10 =	vld [tilespmem:s12+$0x420];
	(pc) =	sbr.rel @p0 .LBB2_10-.Ltmp4, $4  }
0x188: {  	v9 =	vld [tilespmem:s12+$0x430]  }
0x189: {  	v8 =	vld [tilespmem:s12+$0x440]  }
0x18a: {  	v12 =	vmul.f32 v12, v6;
	v6 =	vld [tilespmem:s12+$0x450]  }
0x18b: {  	s30 =	sadd.s32 $0x200, s30;
	v11 =	vmul.f32 v11, v7;
	v7 =	vld [tilespmem:s12+$0x460]  }
0x18c: {  	[tilespmem:s12+$0x400] =	vst v12;
	v5 =	vmul.f32 v5, v10;
	v10 =	vld [tilespmem:s12+$0x470]  }
0x18d: {  	[tilespmem:s12+$0x410] =	vst v11;
	v4 =	vmul.f32 v4, v9  }
0x18e: {  	[tilespmem:s12+$0x420] =	vst v5;
	v3 =	vmul.f32 v3, v8  }
0x18f: {  	[tilespmem:s12+$0x430] =	vst v4;
	v2 =	vmul.f32 v2, v6  }
0x190: {  	[tilespmem:s12+$0x440] =	vst v3;
	v1 =	vmul.f32 v1, v7  }
0x191: {  	[tilespmem:s12+$0x450] =	vst v2;
	v0 =	vmul.f32 v0, v10  }
0x192: {  	[tilespmem:s12+$0x460] =	vst v1  }
0x193: {  	s26 =	rddreg [dreg:$0x16];
	[tilespmem:s12+$0x470] =	vst v0;
	s12 =	simm.s32 $0x0  }
0x194: {  	[hbm4b:s26+s12] =	stream.linear.scatter [tilespmem:s7], [sflag:$0x5], $0x2000, $0x38;
	[tilespmem:$0x10400] =	vst v63  }
0x195: {  	_ =	swait.ge [sflag:s18], $0x2000  }
0x196: {  	[sflag:s18] =	ssyncset.done $0x0  }
0x197: {  	[sflag:s18] =	ssyncadd.s32 $0xFFFFE000  }
0x198: {  	_ =	swait.ge [sflag:s18], $0x2000  }
0x199: {  	[sflag:s18] =	ssyncset.done $0x0  }
0x19a: {  	[sflag:s18] =	ssyncadd.s32 $0xFFFFE000  }
0x19b: {  	_ =	swait.ge [sflag:s18], $0x2000  }
0x19c: {  	[sflag:s18] =	ssyncset.done $0x0  }
0x19d: {  	[sflag:s18] =	ssyncadd.s32 $0xFFFFE000  }
0x19e: {  	[tilespmem:s7], [sflag:$0x1] =	stream.indirect.gather [hbm4b:s0+s6], $0x80, s3, s6, $0xb8;
	[tilespmem:$0x10400] =	vst v63  }
0x19f: {  	_ = 	snop  }
0x1a0: {  	[tilespmem:s8], [sflag:$0x1] =	stream.indirect.gather [hbm4b:s23+s6], $0x80, s19, s6, $0xb8;
	[tilespmem:$0x10400] =	vst v63  }
0x1a1: {  	_ = 	snop  }
0x1a2: {  	[tilespmem:s9], [sflag:$0x3] =	stream.indirect.gather [hbm4b:s24+s6], $0x80, s3, s6, $0xb8;
	[tilespmem:$0x10400] =	vst v63  }
0x1a3: {  	_ = 	snop  }
0x1a4: {  	[tilespmem:s10], [sflag:$0x3] =	stream.indirect.gather [hbm4b:s31+s6], $0x80, s19, s6, $0xb8;
	[tilespmem:$0x10400] =	vst v63  }
0x1a5: {  	_ =	swait.ge [sflag:s21], $0x2000  }
0x1a6: {  	[sflag:s21] =	ssyncset.done $0x0  }
0x1a7: {  	[sflag:s21] =	ssyncadd.s32 $0xFFFFE000  }
0x1a8: {  	_ =	swait.ge [sflag:s21], $0x2000  }
0x1a9: {  	[sflag:s21] =	ssyncset.done $0x0  }
0x1aa: {  	s26 =	rddreg [dreg:$0x17];
	[sflag:s21] =	ssyncadd.s32 $0xFFFFE000  }
0x1ab: {  	[hbm4b:s26+s12] =	stream.linear.scatter [tilespmem:s14], [sflag:$0x6], $0x2000, $0x38;
	[tilespmem:$0x10400] =	vst v63  }
0x1ac: {  	s26 =	rddreg [dreg:$0x18]  }
0x1ad: {  	[hbm4b:s26+s12] =	stream.linear.scatter [tilespmem:s15], [sflag:$0x6], $0x2000, $0x38;
	[tilespmem:$0x10400] =	vst v63  }
0x1ae: {  	_ =	swait.ge [sflag:s22], $0x2000  }
0x1af: {  	[sflag:s22] =	ssyncset.done $0x0  }
0x1b0: {  	[sflag:s22] =	ssyncadd.s32 $0xFFFFE000  }
0x1b1: {  	_ =	swait.ge [sflag:s22], $0x2000  }
0x1b2: {  	[sflag:s22] =	ssyncset.done $0x0  }
0x1b3: {  	s12 =	simm.s32 $0x0;
	[sflag:s22] =	ssyncadd.s32 $0xFFFFE000  }
0x1b4: {  	v7 =	vld [tilespmem:s12+$0xA400]  }
0x1b5: {  	v11 =	vld [tilespmem:s12+$0xA410]  }
0x1b6: {  	v5 =	vld [tilespmem:s12+$0xA420]  }
0x1b7: {  	v4 =	vld [tilespmem:s12+$0xA430]  }
0x1b8: {  	v3 =	vld [tilespmem:s12+$0xA440]  }
0x1b9: {  	v2 =	vld [tilespmem:s12+$0xA450]  }
0x1ba: {  	v1 =	vld [tilespmem:s12+$0xA460]  }
0x1bb: {  	v0 =	vld [tilespmem:s12+$0xA470]  }
0x1bc: {  	v12 =	vld [tilespmem:s12+$0x8400]  }
0x1bd: {  	v13 =	vld [tilespmem:s12+$0x8410]  }
0x1be: {  	v10 =	vld [tilespmem:s12+$0x8420]  }
0x1bf: {  	v9 =	vld [tilespmem:s12+$0x8430]  }
0x1c0: {  	v8 =	vld [tilespmem:s12+$0x8440]  }
0x1c1: {  	v6 =	vld [tilespmem:s12+$0x8450];
	v12 =	vmul.f32 v7, v12  }
0x1c2: {  	s30 =	simm.s32 $0x200;
	v11 =	vmul.f32 v11, v13;
	v7 =	vld [tilespmem:s12+$0x8460]  }
.LBB2_12:
0x1c3: {  	s26 =	sshra.s32 s30, $0x2;
	p0 =	sne.s32 s30, $0x7E00;
	[tilespmem:s12+$0x8400] =	vst v12;
	v5 =	vmul.f32 v5, v10;
	v10 =	vld [tilespmem:s12+$0x8470]  }
0x1c4: {  	v12 =	vld [tilespmem:s26+$0xA400];
	[tilespmem:s12+$0x8410] =	vst v11;
	v4 =	vmul.f32 v4, v9  }
0x1c5: {  	v11 =	vld [tilespmem:s26+$0xA410];
	[tilespmem:s12+$0x8420] =	vst v5;
	v3 =	vmul.f32 v3, v8  }
0x1c6: {  	v5 =	vld [tilespmem:s26+$0xA420];
	[tilespmem:s12+$0x8430] =	vst v4;
	v2 =	vmul.f32 v2, v6  }
0x1c7: {  	v4 =	vld [tilespmem:s26+$0xA430];
	[tilespmem:s12+$0x8440] =	vst v3;
	v1 =	vmul.f32 v1, v7  }
0x1c8: {  	v3 =	vld [tilespmem:s26+$0xA440];
	[tilespmem:s12+$0x8450] =	vst v2;
	v0 =	vmul.f32 v0, v10  }
0x1c9: {  	v2 =	vld [tilespmem:s26+$0xA450];
	[tilespmem:s12+$0x8460] =	vst v1  }
0x1ca: {  	v1 =	vld [tilespmem:s26+$0xA460];
	[tilespmem:s12+$0x8470] =	vst v0;
	s12 =	smov.u32 s26  }
0x1cb: {  	v0 =	vld [tilespmem:s12+$0xA470]  }
0x1cc: {  	v6 =	vld [tilespmem:s12+$0x8400]  }
0x1cd: {  	v7 =	vld [tilespmem:s12+$0x8410]  }
.Ltmp5:
0x1ce: {  	v10 =	vld [tilespmem:s12+$0x8420];
	(pc) =	sbr.rel @p0 .LBB2_12-.Ltmp5, $4  }
0x1cf: {  	v9 =	vld [tilespmem:s12+$0x8430]  }
0x1d0: {  	v8 =	vld [tilespmem:s12+$0x8440]  }
0x1d1: {  	v12 =	vmul.f32 v12, v6;
	v6 =	vld [tilespmem:s12+$0x8450]  }
0x1d2: {  	s30 =	sadd.s32 $0x200, s30;
	v11 =	vmul.f32 v11, v7;
	v7 =	vld [tilespmem:s12+$0x8460]  }
0x1d3: {  	[tilespmem:s12+$0x8400] =	vst v12;
	v5 =	vmul.f32 v5, v10;
	v10 =	vld [tilespmem:s12+$0x8470]  }
0x1d4: {  	[tilespmem:s12+$0x8410] =	vst v11;
	v4 =	vmul.f32 v4, v9  }
0x1d5: {  	[tilespmem:s12+$0x8420] =	vst v5;
	v3 =	vmul.f32 v3, v8  }
0x1d6: {  	[tilespmem:s12+$0x8430] =	vst v4;
	v2 =	vmul.f32 v2, v6  }
0x1d7: {  	[tilespmem:s12+$0x8440] =	vst v3;
	v1 =	vmul.f32 v1, v7  }
0x1d8: {  	[tilespmem:s12+$0x8450] =	vst v2;
	v0 =	vmul.f32 v0, v10  }
0x1d9: {  	[tilespmem:s12+$0x8460] =	vst v1  }
0x1da: {  	s26 =	rddreg [dreg:$0x19];
	[tilespmem:s12+$0x8470] =	vst v0;
	s12 =	simm.s32 $0x0  }
0x1db: {  	[hbm4b:s26+s12] =	stream.linear.scatter [tilespmem:s11], [sflag:$0x6], $0x2000, $0x38;
	[tilespmem:$0x10400] =	vst v63  }
0x1dc: {  	_ =	swait.ge [sflag:s25], $0x2000  }
0x1dd: {  	[sflag:s25] =	ssyncset.done $0x0  }
0x1de: {  	[sflag:s25] =	ssyncadd.s32 $0xFFFFE000  }
0x1df: {  	_ =	swait.ge [sflag:s25], $0x2000  }
0x1e0: {  	[sflag:s25] =	ssyncset.done $0x0  }
0x1e1: {  	[sflag:s25] =	ssyncadd.s32 $0xFFFFE000  }
0x1e2: {  	_ =	swait.ge [sflag:s25], $0x2000  }
0x1e3: {  	[sflag:s25] =	ssyncset.done $0x0  }
0x1e4: {  	[sflag:s25] =	ssyncadd.s32 $0xFFFFE000  }
0x1e5: {  	[tilespmem:s11], [sflag:$0x2] =	stream.indirect.gather [hbm4b:s0+s6], $0x80, s20, s6, $0xb8;
	[tilespmem:$0x10400] =	vst v63  }
0x1e6: {  	_ = 	snop  }
0x1e7: {  	[tilespmem:s13], [sflag:$0x2] =	stream.indirect.gather [hbm4b:s23+s6], $0x80, s28, s6, $0xb8;
	[tilespmem:$0x10400] =	vst v63  }
0x1e8: {  	_ = 	snop  }
0x1e9: {  	[tilespmem:s14], [sflag:$0x4] =	stream.indirect.gather [hbm4b:s24+s6], $0x80, s20, s6, $0xb8;
	[tilespmem:$0x10400] =	vst v63  }
0x1ea: {  	_ = 	snop  }
0x1eb: {  	[tilespmem:s15], [sflag:$0x4] =	stream.indirect.gather [hbm4b:s31+s6], $0x80, s28, s6, $0xb8;
	[tilespmem:$0x10400] =	vst v63  }
0x1ec: {  	_ =	swait.ge [sflag:s16], $0x2000  }
0x1ed: {  	[sflag:s16] =	ssyncset.done $0x0  }
0x1ee: {  	[sflag:s16] =	ssyncadd.s32 $0xFFFFE000  }
0x1ef: {  	_ =	swait.ge [sflag:s16], $0x2000  }
0x1f0: {  	[sflag:s16] =	ssyncset.done $0x0  }
0x1f1: {  	s26 =	rddreg [dreg:$0x1c];
	[sflag:s16] =	ssyncadd.s32 $0xFFFFE000  }
0x1f2: {  	[hbm4b:s26+s12] =	stream.linear.scatter [tilespmem:s9], [sflag:$0x5], $0x2000, $0x38;
	[tilespmem:$0x10400] =	vst v63  }
0x1f3: {  	s26 =	rddreg [dreg:$0x1d]  }
0x1f4: {  	[hbm4b:s26+s12] =	stream.linear.scatter [tilespmem:s10], [sflag:$0x5], $0x2000, $0x38;
	[tilespmem:$0x10400] =	vst v63  }
0x1f5: {  	_ =	swait.ge [sflag:s17], $0x2000  }
0x1f6: {  	[sflag:s17] =	ssyncset.done $0x0  }
0x1f7: {  	[sflag:s17] =	ssyncadd.s32 $0xFFFFE000  }
0x1f8: {  	_ =	swait.ge [sflag:s17], $0x2000  }
0x1f9: {  	[sflag:s17] =	ssyncset.done $0x0  }
0x1fa: {  	s12 =	simm.s32 $0x0;
	[sflag:s17] =	ssyncadd.s32 $0xFFFFE000  }
0x1fb: {  	v7 =	vld [tilespmem:s12+$0x2400]  }
0x1fc: {  	v11 =	vld [tilespmem:s12+$0x2410]  }
0x1fd: {  	v5 =	vld [tilespmem:s12+$0x2420]  }
0x1fe: {  	v4 =	vld [tilespmem:s12+$0x2430]  }
0x1ff: {  	v3 =	vld [tilespmem:s12+$0x2440]  }
0x200: {  	v2 =	vld [tilespmem:s12+$0x2450]  }
0x201: {  	v1 =	vld [tilespmem:s12+$0x2460]  }
0x202: {  	v0 =	vld [tilespmem:s12+$0x2470]  }
0x203: {  	v12 =	vld [tilespmem:s12+$0x400]  }
0x204: {  	v13 =	vld [tilespmem:s12+$0x410]  }
0x205: {  	v10 =	vld [tilespmem:s12+$0x420]  }
0x206: {  	v9 =	vld [tilespmem:s12+$0x430]  }
0x207: {  	v8 =	vld [tilespmem:s12+$0x440]  }
0x208: {  	v6 =	vld [tilespmem:s12+$0x450];
	v12 =	vmul.f32 v7, v12  }
0x209: {  	s30 =	simm.s32 $0x200;
	v11 =	vmul.f32 v11, v13;
	v7 =	vld [tilespmem:s12+$0x460]  }
.LBB2_14:
0x20a: {  	s26 =	sshra.s32 s30, $0x2;
	p0 =	sne.s32 s30, $0x7E00;
	[tilespmem:s12+$0x400] =	vst v12;
	v5 =	vmul.f32 v5, v10;
	v10 =	vld [tilespmem:s12+$0x470]  }
0x20b: {  	v12 =	vld [tilespmem:s26+$0x2400];
	[tilespmem:s12+$0x410] =	vst v11;
	v4 =	vmul.f32 v4, v9  }
0x20c: {  	v11 =	vld [tilespmem:s26+$0x2410];
	[tilespmem:s12+$0x420] =	vst v5;
	v3 =	vmul.f32 v3, v8  }
0x20d: {  	v5 =	vld [tilespmem:s26+$0x2420];
	[tilespmem:s12+$0x430] =	vst v4;
	v2 =	vmul.f32 v2, v6  }
0x20e: {  	v4 =	vld [tilespmem:s26+$0x2430];
	[tilespmem:s12+$0x440] =	vst v3;
	v1 =	vmul.f32 v1, v7  }
0x20f: {  	v3 =	vld [tilespmem:s26+$0x2440];
	[tilespmem:s12+$0x450] =	vst v2;
	v0 =	vmul.f32 v0, v10  }
0x210: {  	v2 =	vld [tilespmem:s26+$0x2450];
	[tilespmem:s12+$0x460] =	vst v1  }
0x211: {  	v1 =	vld [tilespmem:s26+$0x2460];
	[tilespmem:s12+$0x470] =	vst v0;
	s12 =	smov.u32 s26  }
0x212: {  	v0 =	vld [tilespmem:s12+$0x2470]  }
0x213: {  	v6 =	vld [tilespmem:s12+$0x400]  }
0x214: {  	v7 =	vld [tilespmem:s12+$0x410]  }
.Ltmp6:
0x215: {  	v10 =	vld [tilespmem:s12+$0x420];
	(pc) =	sbr.rel @p0 .LBB2_14-.Ltmp6, $4  }
0x216: {  	v9 =	vld [tilespmem:s12+$0x430]  }
0x217: {  	v8 =	vld [tilespmem:s12+$0x440]  }
0x218: {  	v12 =	vmul.f32 v12, v6;
	v6 =	vld [tilespmem:s12+$0x450]  }
0x219: {  	s30 =	sadd.s32 $0x200, s30;
	v11 =	vmul.f32 v11, v7;
	v7 =	vld [tilespmem:s12+$0x460]  }
0x21a: {  	[tilespmem:s12+$0x400] =	vst v12;
	v5 =	vmul.f32 v5, v10;
	v10 =	vld [tilespmem:s12+$0x470]  }
0x21b: {  	[tilespmem:s12+$0x410] =	vst v11;
	v4 =	vmul.f32 v4, v9  }
0x21c: {  	[tilespmem:s12+$0x420] =	vst v5;
	v3 =	vmul.f32 v3, v8  }
0x21d: {  	[tilespmem:s12+$0x430] =	vst v4;
	v2 =	vmul.f32 v2, v6  }
0x21e: {  	[tilespmem:s12+$0x440] =	vst v3;
	v1 =	vmul.f32 v1, v7  }
0x21f: {  	[tilespmem:s12+$0x450] =	vst v2;
	v0 =	vmul.f32 v0, v10  }
0x220: {  	[tilespmem:s12+$0x460] =	vst v1  }
0x221: {  	s26 =	rddreg [dreg:$0x1e];
	[tilespmem:s12+$0x470] =	vst v0;
	s12 =	simm.s32 $0x0  }
0x222: {  	[hbm4b:s26+s12] =	stream.linear.scatter [tilespmem:s7], [sflag:$0x5], $0x2000, $0x38;
	[tilespmem:$0x10400] =	vst v63  }
0x223: {  	_ =	swait.ge [sflag:s21], $0x2000  }
0x224: {  	[sflag:s21] =	ssyncset.done $0x0  }
0x225: {  	[sflag:s21] =	ssyncadd.s32 $0xFFFFE000  }
0x226: {  	_ =	swait.ge [sflag:s21], $0x2000  }
0x227: {  	[sflag:s21] =	ssyncset.done $0x0  }
0x228: {  	s26 =	rddreg [dreg:$0x1f];
	[sflag:s21] =	ssyncadd.s32 $0xFFFFE000  }
0x229: {  	[hbm4b:s26+s12] =	stream.linear.scatter [tilespmem:s14], [sflag:$0x6], $0x2000, $0x38;
	[tilespmem:$0x10400] =	vst v63  }
0x22a: {  	s26 =	sld [smem:$0x7FB];
	_ =	sdelay $0x2  }
0x22b: {  	[hbm4b:s26+s12] =	stream.linear.scatter [tilespmem:s15], [sflag:$0x6], $0x2000, $0x38;
	[tilespmem:$0x10400] =	vst v63  }
0x22c: {  	_ =	swait.ge [sflag:s22], $0x2000  }
0x22d: {  	[sflag:s22] =	ssyncset.done $0x0  }
0x22e: {  	[sflag:s22] =	ssyncadd.s32 $0xFFFFE000  }
0x22f: {  	_ =	swait.ge [sflag:s22], $0x2000  }
0x230: {  	[sflag:s22] =	ssyncset.done $0x0  }
0x231: {  	s12 =	simm.s32 $0x0;
	[sflag:s22] =	ssyncadd.s32 $0xFFFFE000  }
0x232: {  	v7 =	vld [tilespmem:s12+$0xA400]  }
0x233: {  	v11 =	vld [tilespmem:s12+$0xA410]  }
0x234: {  	v5 =	vld [tilespmem:s12+$0xA420]  }
0x235: {  	v4 =	vld [tilespmem:s12+$0xA430]  }
0x236: {  	v3 =	vld [tilespmem:s12+$0xA440]  }
0x237: {  	v2 =	vld [tilespmem:s12+$0xA450]  }
0x238: {  	v1 =	vld [tilespmem:s12+$0xA460]  }
0x239: {  	v0 =	vld [tilespmem:s12+$0xA470]  }
0x23a: {  	v12 =	vld [tilespmem:s12+$0x8400]  }
0x23b: {  	v13 =	vld [tilespmem:s12+$0x8410]  }
0x23c: {  	v10 =	vld [tilespmem:s12+$0x8420]  }
0x23d: {  	v9 =	vld [tilespmem:s12+$0x8430]  }
0x23e: {  	v8 =	vld [tilespmem:s12+$0x8440]  }
0x23f: {  	v6 =	vld [tilespmem:s12+$0x8450];
	v12 =	vmul.f32 v7, v12  }
0x240: {  	s30 =	simm.s32 $0x200;
	v11 =	vmul.f32 v11, v13;
	v7 =	vld [tilespmem:s12+$0x8460]  }
.LBB2_16:
0x241: {  	s26 =	sshra.s32 s30, $0x2;
	p0 =	sne.s32 s30, $0x7E00;
	[tilespmem:s12+$0x8400] =	vst v12;
	v5 =	vmul.f32 v5, v10;
	v10 =	vld [tilespmem:s12+$0x8470]  }
0x242: {  	v12 =	vld [tilespmem:s26+$0xA400];
	[tilespmem:s12+$0x8410] =	vst v11;
	v4 =	vmul.f32 v4, v9  }
0x243: {  	v11 =	vld [tilespmem:s26+$0xA410];
	[tilespmem:s12+$0x8420] =	vst v5;
	v3 =	vmul.f32 v3, v8  }
0x244: {  	v5 =	vld [tilespmem:s26+$0xA420];
	[tilespmem:s12+$0x8430] =	vst v4;
	v2 =	vmul.f32 v2, v6  }
0x245: {  	v4 =	vld [tilespmem:s26+$0xA430];
	[tilespmem:s12+$0x8440] =	vst v3;
	v1 =	vmul.f32 v1, v7  }
0x246: {  	v3 =	vld [tilespmem:s26+$0xA440];
	[tilespmem:s12+$0x8450] =	vst v2;
	v0 =	vmul.f32 v0, v10  }
0x247: {  	v2 =	vld [tilespmem:s26+$0xA450];
	[tilespmem:s12+$0x8460] =	vst v1  }
0x248: {  	v1 =	vld [tilespmem:s26+$0xA460];
	[tilespmem:s12+$0x8470] =	vst v0;
	s12 =	smov.u32 s26  }
0x249: {  	v0 =	vld [tilespmem:s12+$0xA470]  }
0x24a: {  	v6 =	vld [tilespmem:s12+$0x8400]  }
0x24b: {  	v7 =	vld [tilespmem:s12+$0x8410]  }
.Ltmp7:
0x24c: {  	v10 =	vld [tilespmem:s12+$0x8420];
	(pc) =	sbr.rel @p0 .LBB2_16-.Ltmp7, $4  }
0x24d: {  	v9 =	vld [tilespmem:s12+$0x8430]  }
0x24e: {  	v8 =	vld [tilespmem:s12+$0x8440]  }
0x24f: {  	v12 =	vmul.f32 v12, v6;
	v6 =	vld [tilespmem:s12+$0x8450]  }
0x250: {  	s30 =	sadd.s32 $0x200, s30;
	v11 =	vmul.f32 v11, v7;
	v7 =	vld [tilespmem:s12+$0x8460]  }
0x251: {  	[tilespmem:s12+$0x8400] =	vst v12;
	v5 =	vmul.f32 v5, v10;
	v63 =	vld [tilespmem:s12+$0x8470]  }
0x252: {  	[tilespmem:s12+$0x8410] =	vst v11;
	v4 =	vmul.f32 v4, v9  }
0x253: {  	[tilespmem:s12+$0x8420] =	vst v5;
	v3 =	vmul.f32 v3, v8  }
0x254: {  	[tilespmem:s12+$0x8430] =	vst v4;
	v2 =	vmul.f32 v2, v6  }
0x255: {  	[tilespmem:s12+$0x8440] =	vst v3;
	v1 =	vmul.f32 v1, v7  }
0x256: {  	s26 =	sld [smem:$0x7FC];
	[tilespmem:s12+$0x8450] =	vst v2;
	v0 =	vmul.f32 v0, v63  }
0x257: {  	[tilespmem:s12+$0x8460] =	vst v1  }
0x258: {  	[tilespmem:s12+$0x8470] =	vst v0  }
0x259: {  	[hbm4b:s26+s2] =	stream.linear.scatter [tilespmem:s11], [sflag:$0x6], $0x2000, $0x38;
	[tilespmem:$0x10400] =	vst v63  }
0x25a: {  	_ =	swait.ge [sflag:s18], $0x2000  }
0x25b: {  	[sflag:s18] =	ssyncset.done $0x0  }
0x25c: {  	[sflag:s18] =	ssyncadd.s32 $0xFFFFE000  }
0x25d: {  	_ =	swait.ge [sflag:s18], $0x2000  }
0x25e: {  	[sflag:s18] =	ssyncset.done $0x0  }
0x25f: {  	[sflag:s18] =	ssyncadd.s32 $0xFFFFE000  }
0x260: {  	_ =	swait.ge [sflag:s18], $0x2000  }
0x261: {  	[sflag:s18] =	ssyncset.done $0x0  }
0x262: {  	[sflag:s18] =	ssyncadd.s32 $0xFFFFE000  }
0x263: {  	_ =	swait.ge [sflag:s25], $0x2000  }
0x264: {  	[sflag:s25] =	ssyncset.done $0x0  }
0x265: {  	[sflag:s25] =	ssyncadd.s32 $0xFFFFE000  }
0x266: {  	_ =	swait.ge [sflag:s25], $0x2000  }
0x267: {  	[sflag:s25] =	ssyncset.done $0x0  }
0x268: {  	[sflag:s25] =	ssyncadd.s32 $0xFFFFE000  }
0x269: {  	_ =	swait.ge [sflag:s25], $0x2000  }
0x26a: {  	s30 =	sld [smem:$0x7FD];
	_ =	sdelay $0x1  }
0x26b: {  	s29 =	sadd.s32 $0x1, s29  }
0x26c: {  	p0 =	sne.s32 s29, s30  }
.Ltmp8:
0x26d: {  	_ = 	snop;
	(pc) =	sbr.rel @p0 .LBB2_1-.Ltmp8, $3  }
0x26e: {  	_ =	sdelay $0x1  }
0x26f: {  	[sflag:s25] =	ssyncset.done $0x0  }
0x270: {  	[sflag:s25] =	ssyncadd.s32 $0xFFFFE000  }
0x271: {  	_ =	sfence.sel $0x180000  }
0x272: {  	[bflag:$0x0] =	sbarrier.arrive $0xFFFF  }
0x273: {  	_ =	strace $0x90000047  }
0x274: {  	s0 =	stileid.u32;
	[bflag:$0x2] =	sbarrier.arrive $0xFFFF  }
0x275: {  	p0 =	sne.s32 s0, $0x0;
	s0 =	rddreg [dreg:$0x7]  }
0x276: {  	s0 =	sadd.s32 @!p0 $0x100000, s0  }
0x277: {  	[sflag:s0] =	ssyncadd.tile.s32 @!p0 $0x1;
	_ =	shalt  }
.Lfunc_end2:
_tile_overlayer_lowered:
.L_overlay_start_2:
0x278: {  	(tag) =	ssettag $0x2  }
0x279: {  	s0 =	rddreg [dreg:$0x0];
	s2 =	stileid.u32  }
0x27a: {  	s1 =	rddreg [dreg:$0x1];
	p0 =	sne.s32 s2, $0x0  }
0x27b: {  	s3 =	rddreg [dreg:$0x2];
	[bflag:$0x3] =	sbarrier.arrive $0xFFFF;
	s2 =	simm.s32 @!p0 $0x1C07  }
0x27c: {  	[timem:s3], [sflag:s2] =	dma.local @!p0 [hbm:s0], s1  }
0x27d: {  	s0 =	simm.s32 @!p0 $0x7  }
0x27e: {  	_ =	swait.ge @!p0 [sflag:s0], s1  }
0x27f: {  	s1 =	ssub.s32 @!p0 $0x0, s1;
	[sflag:s0] =	ssyncset.done @!p0 $0x0  }
0x280: {  	[sflag:s0] =	ssyncadd.s32 @!p0 s1  }
0x281: {  	[bflag:$0x3] =	sbarrier.arrive $0xFFFF  }
0x282: {  	_ =	shalt  }

</sc_bundles>
